<compile_context>
chip_gen: v7x
topology: tpu7x:2x2x1
jax: 0.10.2.dev20260603
libtpu: 0.0.44.dev20260713+nightly
codegen_flags: <defaults>
</compile_context>

<pallas_src>
import dataclasses
import functools

import jax
import jax.numpy as jnp
from jax import lax
from jax.experimental import pallas as pl
from jax.experimental.pallas import tpu as pltpu
from jax.experimental.pallas import tpu_sc as plsc

NC = 2
NS = 16
NW = NC * NS
CHUNK = 128
LANES = 16


def _sc_gather_sum(dw_tab, node_tab, day_idx, week_idx, node_idx, tok, e):
    half = tok // 2
    rows_w = half // NW
    n_chunks = rows_w // CHUNK
    mesh = plsc.VectorSubcoreMesh(core_axis_name="c", subcore_axis_name="s")

    @functools.partial(
        pl.kernel,
        out_type=jax.ShapeDtypeStruct((half, 2 * e), jnp.float32),
        mesh=mesh,
        compiler_params=pltpu.CompilerParams(use_tc_tiling_on_sc=False),
        scratch_types=[
            pltpu.VMEM((rows_w,), jnp.int32),
            pltpu.VMEM((rows_w,), jnp.int32),
            pltpu.VMEM((rows_w,), jnp.int32),
            pltpu.VMEM((rows_w,), jnp.int32),
            pltpu.VMEM((rows_w,), jnp.int32),
            pltpu.VMEM((rows_w,), jnp.int32),
            pltpu.VMEM((CHUNK, e), jnp.float32),
            pltpu.VMEM((CHUNK, e), jnp.float32),
            pltpu.VMEM((CHUNK, e), jnp.float32),
            pltpu.VMEM((CHUNK, e), jnp.float32),
            pltpu.VMEM((CHUNK, e), jnp.float32),
            pltpu.VMEM((CHUNK, e), jnp.float32),
            pltpu.VMEM((CHUNK, e), jnp.float32),
            pltpu.VMEM((CHUNK, e), jnp.float32),
            pltpu.VMEM((CHUNK, 2 * e), jnp.float32),
            pltpu.VMEM((CHUNK, 2 * e), jnp.float32),
            pltpu.SemaphoreType.DMA,
            pltpu.SemaphoreType.DMA,
            pltpu.SemaphoreType.DMA,
            pltpu.SemaphoreType.DMA,
        ],
    )
    def k(dw_hbm, nd_hbm, day_hbm, week_hbm, nidx_hbm, g_hbm,
          day_v, week_v, dwl_v, dwr_v, ndl_v, ndr_v,
          a0, b0, c0, d0, a1, b1, c1, d1, ob0, ob1,
          sg0, sg1, ss0, ss1):
        wid = lax.axis_index("s") * NC + lax.axis_index("c")
        base_l = wid * rows_w
        base_r = half + base_l

        pltpu.sync_copy(day_hbm.at[pl.ds(base_l, rows_w)], day_v)
        pltpu.sync_copy(week_hbm.at[pl.ds(base_l, rows_w)], week_v)

        @pl.loop(0, rows_w, step=LANES)
        def _(i):
            s = pl.ds(i, LANES)
            dwl_v[s] = day_v[s] * 7 + week_v[s]

        pltpu.sync_copy(day_hbm.at[pl.ds(base_r, rows_w)], day_v)
        pltpu.sync_copy(week_hbm.at[pl.ds(base_r, rows_w)], week_v)

        @pl.loop(0, rows_w, step=LANES)
        def _(i):
            s = pl.ds(i, LANES)
            dwr_v[s] = day_v[s] * 7 + week_v[s]

        pltpu.sync_copy(nidx_hbm.at[pl.ds(base_l, rows_w)], ndl_v)
        pltpu.sync_copy(nidx_hbm.at[pl.ds(base_r, rows_w)], ndr_v)

        def gathers(j, ba, bb, bc, bd, sem):
            s = pl.ds(j * CHUNK, CHUNK)
            return (
                pltpu.make_async_copy(dw_hbm.at[dwl_v.at[s]], ba, sem),
                pltpu.make_async_copy(nd_hbm.at[ndl_v.at[s]], bb, sem),
                pltpu.make_async_copy(dw_hbm.at[dwr_v.at[s]], bc, sem),
                pltpu.make_async_copy(nd_hbm.at[ndr_v.at[s]], bd, sem),
            )

        def issue(j, ba, bb, bc, bd, sem):
            for cp in gathers(j, ba, bb, bc, bd, sem):
                cp.start()

        def drain(j, ba, bb, bc, bd, sem):
            for cp in gathers(j, ba, bb, bc, bd, sem):
                cp.wait()

        def store_copy(j, ob, sem):
            return pltpu.make_async_copy(
                ob, g_hbm.at[pl.ds(base_l + j * CHUNK, CHUNK)], sem)

        def add_pack(ba, bb, bc, bd, ob):
            @pl.loop(0, CHUNK, step=4)
            def _(r0):
                for dr in range(4):
                    r = r0 + dr
                    for c in range(0, e, LANES):
                        s = pl.ds(c, LANES)
                        s2 = pl.ds(e + c, LANES)
                        ob[r, s] = ba[r, s] + bb[r, s]
                        ob[r, s2] = bc[r, s] + bd[r, s]

        issue(0, a0, b0, c0, d0, sg0)
        issue(1, a1, b1, c1, d1, sg1)

        @pl.loop(0, n_chunks // 2)
        def _(j2):
            j = 2 * j2
            drain(j, a0, b0, c0, d0, sg0)
            add_pack(a0, b0, c0, d0, ob0)
            store_copy(j, ob0, ss0).start()
            drain(j + 1, a1, b1, c1, d1, sg1)
            add_pack(a1, b1, c1, d1, ob1)
            store_copy(j + 1, ob1, ss1).start()

            @pl.when(j2 < n_chunks // 2 - 1)
            def _():
                store_copy(j, ob0, ss0).wait()
                issue(j + 2, a0, b0, c0, d0, sg0)
                store_copy(j + 1, ob1, ss1).wait()
                issue(j + 3, a1, b1, c1, d1, sg1)

        store_copy(n_chunks - 2, ob0, ss0).wait()
        store_copy(n_chunks - 1, ob1, ss1).wait()

    return k(dw_tab, node_tab, day_idx, week_idx, node_idx)


def _mm_body(xl_ref, xr_ref, w_ref, o_ref):
    wb = w_ref[...].astype(jnp.bfloat16)
    l = jnp.dot(xl_ref[...].astype(jnp.bfloat16), wb,
                preferred_element_type=jnp.float32)
    r = jnp.dot(xr_ref[...].astype(jnp.bfloat16), wb,
                preferred_element_type=jnp.float32)
    e = w_ref.shape[1]
    o_ref[:, :e] = l
    o_ref[:, e:] = r


def _softmax_body(l_ref, g_ref, o_ref):
    e = o_ref.shape[2]
    z = l_ref[...] + g_ref[...]
    ez = jnp.exp(z)
    n2 = 2 * e
    hi = jax.lax.broadcasted_iota(jnp.int32, (n2, n2), 0) // e
    hj = jax.lax.broadcasted_iota(jnp.int32, (n2, n2), 1) // e
    ones_blk = (hi == hj).astype(jnp.bfloat16)
    s = jnp.dot(ez.astype(jnp.bfloat16), ones_blk,
                preferred_element_type=jnp.float32)
    r = ez / s
    o_ref[0] = r[:, :e]
    o_ref[1] = r[:, e:]


def kernel(x, day_idx, week_idx, node_idx, W, b, P_day, P_week, P_node):
    bsz, n, d = x.shape
    e = W.shape[1]
    tok = bsz * n
    half = tok // 2

    x2d = x.reshape(tok, d)
    day_f = day_idx.reshape(tok)
    week_f = week_idx.reshape(tok)
    node_f = node_idx.reshape(tok)

    dw_tab = (P_day[:, None, :] + P_week[None, :, :] + b).reshape(-1, e)

    g = _sc_gather_sum(dw_tab, P_node, day_f, week_f, node_f, tok, e)

    tm = 2048
    hb = half // tm
    logits = pl.pallas_call(
        _mm_body,
        grid=(hb,),
        in_specs=[
            pl.BlockSpec((tm, d), lambda i: (i, 0)),
            pl.BlockSpec((tm, d), lambda i, _hb=hb: (i + _hb, 0)),
            pl.BlockSpec((d, e), lambda i: (0, 0)),
        ],
        out_specs=pl.BlockSpec((tm, 2 * e), lambda i: (i, 0)),
        out_shape=jax.ShapeDtypeStruct((half, 2 * e), jnp.float32),
    )(x2d, x2d, W)

    ts = 2048
    out = pl.pallas_call(
        _softmax_body,
        grid=(half // ts,),
        in_specs=[
            pl.BlockSpec((ts, 2 * e), lambda i: (i, 0)),
            pl.BlockSpec((ts, 2 * e), lambda i: (i, 0)),
        ],
        out_specs=pl.BlockSpec((2, ts, e), lambda i: (0, i, 0)),
        out_shape=jax.ShapeDtypeStruct((2, half, e), jnp.float32),
    )(logits, g)

    return out.reshape(bsz, n, e)

# --- scband reference (transcript-rebuilt; emitter-appended) ---
"""Pipeline reference for scband-harouting-layer-65644280152702 (READ-ONLY COPY).

The authoritative reference and input builder live on the scoring server;
editing this copy changes nothing except your own understanding.
"""

import jax, jax.numpy as jnp
import numpy as np

B, N, D, E = 128, 1024, 512, 64
DAILY, WEEKLY, NODES = 288, 7, 1024

def _xavier(key, shape):
    fan_in, fan_out = shape[0], shape[1]
    a = np.sqrt(6.0 / (fan_in + fan_out))
    return jax.random.uniform(key, shape, minval=-a, maxval=a, dtype=jnp.float32)

def setup_inputs(seed: int = 0) -> dict:
    key = jax.random.key(seed)
    ks = jax.random.split(key, 9)
    x = jax.random.normal(ks[0], (B, N, D), dtype=jnp.float32)
    day_idx = jax.random.randint(ks[1], (B, N), 0, DAILY)
    week_idx = jax.random.randint(ks[2], (B, N), 0, WEEKLY)
    node_idx = jax.random.randint(ks[3], (B, N), 0, NODES)
    W = _xavier(ks[4], (D, E))
    b = jnp.zeros((E,), dtype=jnp.float32)
    P_day = _xavier(ks[5], (DAILY, E))
    P_week = _xavier(ks[6], (WEEKLY, E))
    P_node = _xavier(ks[7], (NODES, E))
    return {"x": x, "day_idx": day_idx, "week_idx": week_idx, "node_idx": node_idx,
            "W": W, "b": b, "P_day": P_day, "P_week": P_week, "P_node": P_node}

def reference(x, day_idx, week_idx, node_idx, W, b, P_day, P_week, P_node):
    router = jnp.einsum('bnd,de->bne', x, W) + b
    router = router + jnp.take(P_day, day_idx, axis=0)
    router = router + jnp.take(P_week, week_idx, axis=0)
    router = router + jnp.take(P_node, node_idx, axis=0)
    return jax.nn.softmax(router, axis=-1)

if __name__ == "__main__":
    import jax
    _d = setup_inputs()
    print(jax.jit(kernel)(*tuple(_d.values())))

</pallas_src>

<mosaic_0001>
#map = affine_map<(d0, d1) -> (0, 0)>
#map1 = affine_map<(d0, d1) -> (0)>
module attributes {stable_mosaic.version = 14 : i64} {
  func.func @k(%arg0: i32, %arg1: i32, %arg2: memref<2016x64xf32, #tpu.memory_space<hbm>>, %arg3: memref<1024x64xf32, #tpu.memory_space<hbm>>, %arg4: memref<131072xi32, #tpu.memory_space<hbm>>, %arg5: memref<131072xi32, #tpu.memory_space<hbm>>, %arg6: memref<131072xi32, #tpu.memory_space<hbm>>, %arg7: memref<65536x128xf32, #tpu.memory_space<hbm>>, %arg8: memref<2048xi32, #tpu.memory_space<vmem>>, %arg9: memref<2048xi32, #tpu.memory_space<vmem>>, %arg10: memref<2048xi32, #tpu.memory_space<vmem>>, %arg11: memref<2048xi32, #tpu.memory_space<vmem>>, %arg12: memref<2048xi32, #tpu.memory_space<vmem>>, %arg13: memref<2048xi32, #tpu.memory_space<vmem>>, %arg14: memref<128x64xf32, #tpu.memory_space<vmem>>, %arg15: memref<128x64xf32, #tpu.memory_space<vmem>>, %arg16: memref<128x64xf32, #tpu.memory_space<vmem>>, %arg17: memref<128x64xf32, #tpu.memory_space<vmem>>, %arg18: memref<128x64xf32, #tpu.memory_space<vmem>>, %arg19: memref<128x64xf32, #tpu.memory_space<vmem>>, %arg20: memref<128x64xf32, #tpu.memory_space<vmem>>, %arg21: memref<128x64xf32, #tpu.memory_space<vmem>>, %arg22: memref<128x128xf32, #tpu.memory_space<vmem>>, %arg23: memref<128x128xf32, #tpu.memory_space<vmem>>, %arg24: memref<!tpu.dma_semaphore, #tpu.memory_space<semaphore_mem>>, %arg25: memref<!tpu.dma_semaphore, #tpu.memory_space<semaphore_mem>>, %arg26: memref<!tpu.dma_semaphore, #tpu.memory_space<semaphore_mem>>, %arg27: memref<!tpu.dma_semaphore, #tpu.memory_space<semaphore_mem>>) attributes {dimension_semantics = [#tpu.dimension_semantics<core_parallel>, #tpu.dimension_semantics<subcore_parallel>], iteration_bounds = array<i64: 2, 16>, scalar_prefetch = 0 : i64, scratch_operands = 20 : i64, tpu.core_type = #tpu.core_type<sc_vector_subcore>, window_params = [{transform_indices = #map}, {transform_indices = #map}, {transform_indices = #map1}, {transform_indices = #map1}, {transform_indices = #map1}, {transform_indices = #map}]} {
    %mul3A = arith.constant 2 : i32
    %mul3A_0 = arith.muli %arg1, %mul3A : i32
    %add3A = arith.addi %mul3A_0, %arg0 : i32
    %mul3A_1 = arith.constant 2048 : i32
    %mul3A_2 = arith.muli %add3A, %mul3A_1 : i32
    %add3A_3 = arith.constant 65536 : i32
    %add3A_4 = arith.addi %add3A_3, %mul3A_2 : i32
    "tpu.region"() ({
      %run_scoped3A = tpu.sem_alloc : memref<!tpu.dma_semaphore, #tpu.memory_space<semaphore_mem>>
      %dma_start3A_69 = tpu.memref_slice %arg4[%mul3A_2] : memref<131072xi32, #tpu.memory_space<hbm>> -> memref<2048xi32, #tpu.memory_space<hbm>>
      %dma_start3A_70 = tpu.memref_slice %arg4[%mul3A_2] : memref<131072xi32, #tpu.memory_space<hbm>> -> memref<2048xi32, #tpu.memory_space<hbm>>
      tpu.enqueue_dma source(%dma_start3A_70 : memref<2048xi32, #tpu.memory_space<hbm>>) target(%arg8 : memref<2048xi32, #tpu.memory_space<vmem>>) target_semaphore(%run_scoped3A : memref<!tpu.dma_semaphore, #tpu.memory_space<semaphore_mem>>)
      %dma_wait3A_71 = tpu.memref_slice %arg4[%mul3A_2] : memref<131072xi32, #tpu.memory_space<hbm>> -> memref<2048xi32, #tpu.memory_space<hbm>>
      %dma_wait3A_72 = tpu.memref_slice %arg4[%mul3A_2] : memref<131072xi32, #tpu.memory_space<hbm>> -> memref<2048xi32, #tpu.memory_space<hbm>>
      tpu.wait_dma2 semaphore(%run_scoped3A : memref<!tpu.dma_semaphore, #tpu.memory_space<semaphore_mem>>) src(%dma_wait3A_72 : memref<2048xi32, #tpu.memory_space<hbm>>) dst(%arg8 : memref<2048xi32, #tpu.memory_space<vmem>>)
      tpu.yield
    }) : () -> ()
    "tpu.region"() ({
      %run_scoped3A = tpu.sem_alloc : memref<!tpu.dma_semaphore, #tpu.memory_space<semaphore_mem>>
      %dma_start3A_69 = tpu.memref_slice %arg5[%mul3A_2] : memref<131072xi32, #tpu.memory_space<hbm>> -> memref<2048xi32, #tpu.memory_space<hbm>>
      %dma_start3A_70 = tpu.memref_slice %arg5[%mul3A_2] : memref<131072xi32, #tpu.memory_space<hbm>> -> memref<2048xi32, #tpu.memory_space<hbm>>
      tpu.enqueue_dma source(%dma_start3A_70 : memref<2048xi32, #tpu.memory_space<hbm>>) target(%arg9 : memref<2048xi32, #tpu.memory_space<vmem>>) target_semaphore(%run_scoped3A : memref<!tpu.dma_semaphore, #tpu.memory_space<semaphore_mem>>)
      %dma_wait3A_71 = tpu.memref_slice %arg5[%mul3A_2] : memref<131072xi32, #tpu.memory_space<hbm>> -> memref<2048xi32, #tpu.memory_space<hbm>>
      %dma_wait3A_72 = tpu.memref_slice %arg5[%mul3A_2] : memref<131072xi32, #tpu.memory_space<hbm>> -> memref<2048xi32, #tpu.memory_space<hbm>>
      tpu.wait_dma2 semaphore(%run_scoped3A : memref<!tpu.dma_semaphore, #tpu.memory_space<semaphore_mem>>) src(%dma_wait3A_72 : memref<2048xi32, #tpu.memory_space<hbm>>) dst(%arg9 : memref<2048xi32, #tpu.memory_space<vmem>>)
      tpu.yield
    }) : () -> ()
    %scan3A = arith.constant 0 : i32
    %scan3A_5 = arith.constant 128 : i32
    %scan3A_6 = arith.addi %scan3A, %scan3A_5 : i32
    %scan3A_7 = arith.constant 1 : i32
    scf.for %scan3A_69 = %scan3A to %scan3A_6 step %scan3A_7  : i32 {
      %mul3A_70 = arith.constant 16 : i32
      %mul3A_71 = arith.muli %scan3A_69, %mul3A_70 : i32
      %add3A_72 = arith.constant 0 : i32
      %add3A_73 = arith.addi %add3A_72, %mul3A_71 : i32
      %get3A = arith.index_cast %add3A_73 : i32 to index
      %get3A_74 = tpu.vector_load %arg8[%get3A] {strides = array<i32>} : memref<2048xi32, #tpu.memory_space<vmem>>, vector<16xi32>,
      %get3A_75 = vector.shape_cast %get3A_74 : vector<16xi32> to vector<16xi32>
      %mul3A_76 = arith.constant 7 : i32
      %mul3A_77 = vector.broadcast %mul3A_76 : i32 to vector<16xi32>
      %mul3A_78 = arith.muli %get3A_75, %mul3A_77 : vector<16xi32>
      %get3A_79 = arith.index_cast %add3A_73 : i32 to index
      %get3A_80 = tpu.vector_load %arg9[%get3A_79] {strides = array<i32>} : memref<2048xi32, #tpu.memory_space<vmem>>, vector<16xi32>,
      %get3A_81 = vector.shape_cast %get3A_80 : vector<16xi32> to vector<16xi32>
      %add3A_82 = arith.addi %mul3A_78, %get3A_81 : vector<16xi32>
      %swap3A = arith.index_cast %add3A_73 : i32 to index
      %swap3A_83 = tpu.vector_load %arg10[%swap3A] {strides = array<i32>} : memref<2048xi32, #tpu.memory_space<vmem>>, vector<16xi32>,
      %swap3A_84 = vector.shape_cast %swap3A_83 : vector<16xi32> to vector<16xi32>
      %swap3A_85 = vector.shape_cast %add3A_82 : vector<16xi32> to vector<16xi32>
      tpu.vector_store %arg10[%swap3A], %swap3A_85 {strides = array<i32>} : memref<2048xi32, #tpu.memory_space<vmem>>, vector<16xi32>,
    }
    %scan3A_8 = arith.constant 128 : i32
    "tpu.region"() ({
      %run_scoped3A = tpu.sem_alloc : memref<!tpu.dma_semaphore, #tpu.memory_space<semaphore_mem>>
      %dma_start3A_69 = tpu.memref_slice %arg4[%add3A_4] : memref<131072xi32, #tpu.memory_space<hbm>> -> memref<2048xi32, #tpu.memory_space<hbm>>
      %dma_start3A_70 = tpu.memref_slice %arg4[%add3A_4] : memref<131072xi32, #tpu.memory_space<hbm>> -> memref<2048xi32, #tpu.memory_space<hbm>>
      tpu.enqueue_dma source(%dma_start3A_70 : memref<2048xi32, #tpu.memory_space<hbm>>) target(%arg8 : memref<2048xi32, #tpu.memory_space<vmem>>) target_semaphore(%run_scoped3A : memref<!tpu.dma_semaphore, #tpu.memory_space<semaphore_mem>>)
      %dma_wait3A_71 = tpu.memref_slice %arg4[%add3A_4] : memref<131072xi32, #tpu.memory_space<hbm>> -> memref<2048xi32, #tpu.memory_space<hbm>>
      %dma_wait3A_72 = tpu.memref_slice %arg4[%add3A_4] : memref<131072xi32, #tpu.memory_space<hbm>> -> memref<2048xi32, #tpu.memory_space<hbm>>
      tpu.wait_dma2 semaphore(%run_scoped3A : memref<!tpu.dma_semaphore, #tpu.memory_space<semaphore_mem>>) src(%dma_wait3A_72 : memref<2048xi32, #tpu.memory_space<hbm>>) dst(%arg8 : memref<2048xi32, #tpu.memory_space<vmem>>)
      tpu.yield
    }) : () -> ()
    "tpu.region"() ({
      %run_scoped3A = tpu.sem_alloc : memref<!tpu.dma_semaphore, #tpu.memory_space<semaphore_mem>>
      %dma_start3A_69 = tpu.memref_slice %arg5[%add3A_4] : memref<131072xi32, #tpu.memory_space<hbm>> -> memref<2048xi32, #tpu.memory_space<hbm>>
      %dma_start3A_70 = tpu.memref_slice %arg5[%add3A_4] : memref<131072xi32, #tpu.memory_space<hbm>> -> memref<2048xi32, #tpu.memory_space<hbm>>
      tpu.enqueue_dma source(%dma_start3A_70 : memref<2048xi32, #tpu.memory_space<hbm>>) target(%arg9 : memref<2048xi32, #tpu.memory_space<vmem>>) target_semaphore(%run_scoped3A : memref<!tpu.dma_semaphore, #tpu.memory_space<semaphore_mem>>)
      %dma_wait3A_71 = tpu.memref_slice %arg5[%add3A_4] : memref<131072xi32, #tpu.memory_space<hbm>> -> memref<2048xi32, #tpu.memory_space<hbm>>
      %dma_wait3A_72 = tpu.memref_slice %arg5[%add3A_4] : memref<131072xi32, #tpu.memory_space<hbm>> -> memref<2048xi32, #tpu.memory_space<hbm>>
      tpu.wait_dma2 semaphore(%run_scoped3A : memref<!tpu.dma_semaphore, #tpu.memory_space<semaphore_mem>>) src(%dma_wait3A_72 : memref<2048xi32, #tpu.memory_space<hbm>>) dst(%arg9 : memref<2048xi32, #tpu.memory_space<vmem>>)
      tpu.yield
    }) : () -> ()
    %scan3A_9 = arith.constant 0 : i32
    %scan3A_10 = arith.constant 128 : i32
    %scan3A_11 = arith.addi %scan3A_9, %scan3A_10 : i32
    %scan3A_12 = arith.constant 1 : i32
    scf.for %scan3A_69 = %scan3A_9 to %scan3A_11 step %scan3A_12  : i32 {
      %mul3A_70 = arith.constant 16 : i32
      %mul3A_71 = arith.muli %scan3A_69, %mul3A_70 : i32
      %add3A_72 = arith.constant 0 : i32
      %add3A_73 = arith.addi %add3A_72, %mul3A_71 : i32
      %get3A = arith.index_cast %add3A_73 : i32 to index
      %get3A_74 = tpu.vector_load %arg8[%get3A] {strides = array<i32>} : memref<2048xi32, #tpu.memory_space<vmem>>, vector<16xi32>,
      %get3A_75 = vector.shape_cast %get3A_74 : vector<16xi32> to vector<16xi32>
      %mul3A_76 = arith.constant 7 : i32
      %mul3A_77 = vector.broadcast %mul3A_76 : i32 to vector<16xi32>
      %mul3A_78 = arith.muli %get3A_75, %mul3A_77 : vector<16xi32>
      %get3A_79 = arith.index_cast %add3A_73 : i32 to index
      %get3A_80 = tpu.vector_load %arg9[%get3A_79] {strides = array<i32>} : memref<2048xi32, #tpu.memory_space<vmem>>, vector<16xi32>,
      %get3A_81 = vector.shape_cast %get3A_80 : vector<16xi32> to vector<16xi32>
      %add3A_82 = arith.addi %mul3A_78, %get3A_81 : vector<16xi32>
      %swap3A = arith.index_cast %add3A_73 : i32 to index
      %swap3A_83 = tpu.vector_load %arg11[%swap3A] {strides = array<i32>} : memref<2048xi32, #tpu.memory_space<vmem>>, vector<16xi32>,
      %swap3A_84 = vector.shape_cast %swap3A_83 : vector<16xi32> to vector<16xi32>
      %swap3A_85 = vector.shape_cast %add3A_82 : vector<16xi32> to vector<16xi32>
      tpu.vector_store %arg11[%swap3A], %swap3A_85 {strides = array<i32>} : memref<2048xi32, #tpu.memory_space<vmem>>, vector<16xi32>,
    }
    %scan3A_13 = arith.constant 128 : i32
    "tpu.region"() ({
      %run_scoped3A = tpu.sem_alloc : memref<!tpu.dma_semaphore, #tpu.memory_space<semaphore_mem>>
      %dma_start3A_69 = tpu.memref_slice %arg6[%mul3A_2] : memref<131072xi32, #tpu.memory_space<hbm>> -> memref<2048xi32, #tpu.memory_space<hbm>>
      %dma_start3A_70 = tpu.memref_slice %arg6[%mul3A_2] : memref<131072xi32, #tpu.memory_space<hbm>> -> memref<2048xi32, #tpu.memory_space<hbm>>
      tpu.enqueue_dma source(%dma_start3A_70 : memref<2048xi32, #tpu.memory_space<hbm>>) target(%arg12 : memref<2048xi32, #tpu.memory_space<vmem>>) target_semaphore(%run_scoped3A : memref<!tpu.dma_semaphore, #tpu.memory_space<semaphore_mem>>)
      %dma_wait3A_71 = tpu.memref_slice %arg6[%mul3A_2] : memref<131072xi32, #tpu.memory_space<hbm>> -> memref<2048xi32, #tpu.memory_space<hbm>>
      %dma_wait3A_72 = tpu.memref_slice %arg6[%mul3A_2] : memref<131072xi32, #tpu.memory_space<hbm>> -> memref<2048xi32, #tpu.memory_space<hbm>>
      tpu.wait_dma2 semaphore(%run_scoped3A : memref<!tpu.dma_semaphore, #tpu.memory_space<semaphore_mem>>) src(%dma_wait3A_72 : memref<2048xi32, #tpu.memory_space<hbm>>) dst(%arg12 : memref<2048xi32, #tpu.memory_space<vmem>>)
      tpu.yield
    }) : () -> ()
    "tpu.region"() ({
      %run_scoped3A = tpu.sem_alloc : memref<!tpu.dma_semaphore, #tpu.memory_space<semaphore_mem>>
      %dma_start3A_69 = tpu.memref_slice %arg6[%add3A_4] : memref<131072xi32, #tpu.memory_space<hbm>> -> memref<2048xi32, #tpu.memory_space<hbm>>
      %dma_start3A_70 = tpu.memref_slice %arg6[%add3A_4] : memref<131072xi32, #tpu.memory_space<hbm>> -> memref<2048xi32, #tpu.memory_space<hbm>>
      tpu.enqueue_dma source(%dma_start3A_70 : memref<2048xi32, #tpu.memory_space<hbm>>) target(%arg13 : memref<2048xi32, #tpu.memory_space<vmem>>) target_semaphore(%run_scoped3A : memref<!tpu.dma_semaphore, #tpu.memory_space<semaphore_mem>>)
      %dma_wait3A_71 = tpu.memref_slice %arg6[%add3A_4] : memref<131072xi32, #tpu.memory_space<hbm>> -> memref<2048xi32, #tpu.memory_space<hbm>>
      %dma_wait3A_72 = tpu.memref_slice %arg6[%add3A_4] : memref<131072xi32, #tpu.memory_space<hbm>> -> memref<2048xi32, #tpu.memory_space<hbm>>
      tpu.wait_dma2 semaphore(%run_scoped3A : memref<!tpu.dma_semaphore, #tpu.memory_space<semaphore_mem>>) src(%dma_wait3A_72 : memref<2048xi32, #tpu.memory_space<hbm>>) dst(%arg13 : memref<2048xi32, #tpu.memory_space<vmem>>)
      tpu.yield
    }) : () -> ()
    %dma_start3A = arith.constant 0 : i32
    %dma_start3A_14 = tpu.memref_slice %arg10[%dma_start3A] : memref<2048xi32, #tpu.memory_space<vmem>> -> memref<128xi32, #tpu.memory_space<vmem>>
    %dma_start3A_15 = arith.constant 0 : i32
    %dma_start3A_16 = arith.constant 0 : i32
    %dma_start3A_17 = tpu.memref_slice %arg2[%dma_start3A_15, %dma_start3A_16] : memref<2016x64xf32, #tpu.memory_space<hbm>> -> memref<2016x64xf32, #tpu.memory_space<hbm>>
    tpu.enqueue_indirect_dma source(%dma_start3A_17 : memref<2016x64xf32, #tpu.memory_space<hbm>>) target(%arg14 : memref<128x64xf32, #tpu.memory_space<vmem>>) offsets(%dma_start3A_14 : memref<128xi32, #tpu.memory_space<vmem>>) semaphore(%arg24 : memref<!tpu.dma_semaphore, #tpu.memory_space<semaphore_mem>>)
    %dma_start3A_18 = arith.constant 0 : i32
    %dma_start3A_19 = tpu.memref_slice %arg12[%dma_start3A_18] : memref<2048xi32, #tpu.memory_space<vmem>> -> memref<128xi32, #tpu.memory_space<vmem>>
    %dma_start3A_20 = arith.constant 0 : i32
    %dma_start3A_21 = arith.constant 0 : i32
    %dma_start3A_22 = tpu.memref_slice %arg3[%dma_start3A_20, %dma_start3A_21] : memref<1024x64xf32, #tpu.memory_space<hbm>> -> memref<1024x64xf32, #tpu.memory_space<hbm>>
    tpu.enqueue_indirect_dma source(%dma_start3A_22 : memref<1024x64xf32, #tpu.memory_space<hbm>>) target(%arg15 : memref<128x64xf32, #tpu.memory_space<vmem>>) offsets(%dma_start3A_19 : memref<128xi32, #tpu.memory_space<vmem>>) semaphore(%arg24 : memref<!tpu.dma_semaphore, #tpu.memory_space<semaphore_mem>>)
    %dma_start3A_23 = arith.constant 0 : i32
    %dma_start3A_24 = tpu.memref_slice %arg11[%dma_start3A_23] : memref<2048xi32, #tpu.memory_space<vmem>> -> memref<128xi32, #tpu.memory_space<vmem>>
    %dma_start3A_25 = arith.constant 0 : i32
    %dma_start3A_26 = arith.constant 0 : i32
    %dma_start3A_27 = tpu.memref_slice %arg2[%dma_start3A_25, %dma_start3A_26] : memref<2016x64xf32, #tpu.memory_space<hbm>> -> memref<2016x64xf32, #tpu.memory_space<hbm>>
    tpu.enqueue_indirect_dma source(%dma_start3A_27 : memref<2016x64xf32, #tpu.memory_space<hbm>>) target(%arg16 : memref<128x64xf32, #tpu.memory_space<vmem>>) offsets(%dma_start3A_24 : memref<128xi32, #tpu.memory_space<vmem>>) semaphore(%arg24 : memref<!tpu.dma_semaphore, #tpu.memory_space<semaphore_mem>>)
    %dma_start3A_28 = arith.constant 0 : i32
    %dma_start3A_29 = tpu.memref_slice %arg13[%dma_start3A_28] : memref<2048xi32, #tpu.memory_space<vmem>> -> memref<128xi32, #tpu.memory_space<vmem>>
    %dma_start3A_30 = arith.constant 0 : i32
    %dma_start3A_31 = arith.constant 0 : i32
    %dma_start3A_32 = tpu.memref_slice %arg3[%dma_start3A_30, %dma_start3A_31] : memref<1024x64xf32, #tpu.memory_space<hbm>> -> memref<1024x64xf32, #tpu.memory_space<hbm>>
    tpu.enqueue_indirect_dma source(%dma_start3A_32 : memref<1024x64xf32, #tpu.memory_space<hbm>>) target(%arg17 : memref<128x64xf32, #tpu.memory_space<vmem>>) offsets(%dma_start3A_29 : memref<128xi32, #tpu.memory_space<vmem>>) semaphore(%arg24 : memref<!tpu.dma_semaphore, #tpu.memory_space<semaphore_mem>>)
    %dma_start3A_33 = arith.constant 128 : i32
    %dma_start3A_34 = tpu.memref_slice %arg10[%dma_start3A_33] : memref<2048xi32, #tpu.memory_space<vmem>> -> memref<128xi32, #tpu.memory_space<vmem>>
    %dma_start3A_35 = arith.constant 0 : i32
    %dma_start3A_36 = arith.constant 0 : i32
    %dma_start3A_37 = tpu.memref_slice %arg2[%dma_start3A_35, %dma_start3A_36] : memref<2016x64xf32, #tpu.memory_space<hbm>> -> memref<2016x64xf32, #tpu.memory_space<hbm>>
    tpu.enqueue_indirect_dma source(%dma_start3A_37 : memref<2016x64xf32, #tpu.memory_space<hbm>>) target(%arg18 : memref<128x64xf32, #tpu.memory_space<vmem>>) offsets(%dma_start3A_34 : memref<128xi32, #tpu.memory_space<vmem>>) semaphore(%arg25 : memref<!tpu.dma_semaphore, #tpu.memory_space<semaphore_mem>>)
    %dma_start3A_38 = arith.constant 128 : i32
    %dma_start3A_39 = tpu.memref_slice %arg12[%dma_start3A_38] : memref<2048xi32, #tpu.memory_space<vmem>> -> memref<128xi32, #tpu.memory_space<vmem>>
    %dma_start3A_40 = arith.constant 0 : i32
    %dma_start3A_41 = arith.constant 0 : i32
    %dma_start3A_42 = tpu.memref_slice %arg3[%dma_start3A_40, %dma_start3A_41] : memref<1024x64xf32, #tpu.memory_space<hbm>> -> memref<1024x64xf32, #tpu.memory_space<hbm>>
    tpu.enqueue_indirect_dma source(%dma_start3A_42 : memref<1024x64xf32, #tpu.memory_space<hbm>>) target(%arg19 : memref<128x64xf32, #tpu.memory_space<vmem>>) offsets(%dma_start3A_39 : memref<128xi32, #tpu.memory_space<vmem>>) semaphore(%arg25 : memref<!tpu.dma_semaphore, #tpu.memory_space<semaphore_mem>>)
    %dma_start3A_43 = arith.constant 128 : i32
    %dma_start3A_44 = tpu.memref_slice %arg11[%dma_start3A_43] : memref<2048xi32, #tpu.memory_space<vmem>> -> memref<128xi32, #tpu.memory_space<vmem>>
    %dma_start3A_45 = arith.constant 0 : i32
    %dma_start3A_46 = arith.constant 0 : i32
    %dma_start3A_47 = tpu.memref_slice %arg2[%dma_start3A_45, %dma_start3A_46] : memref<2016x64xf32, #tpu.memory_space<hbm>> -> memref<2016x64xf32, #tpu.memory_space<hbm>>
    tpu.enqueue_indirect_dma source(%dma_start3A_47 : memref<2016x64xf32, #tpu.memory_space<hbm>>) target(%arg20 : memref<128x64xf32, #tpu.memory_space<vmem>>) offsets(%dma_start3A_44 : memref<128xi32, #tpu.memory_space<vmem>>) semaphore(%arg25 : memref<!tpu.dma_semaphore, #tpu.memory_space<semaphore_mem>>)
    %dma_start3A_48 = arith.constant 128 : i32
    %dma_start3A_49 = tpu.memref_slice %arg13[%dma_start3A_48] : memref<2048xi32, #tpu.memory_space<vmem>> -> memref<128xi32, #tpu.memory_space<vmem>>
    %dma_start3A_50 = arith.constant 0 : i32
    %dma_start3A_51 = arith.constant 0 : i32
    %dma_start3A_52 = tpu.memref_slice %arg3[%dma_start3A_50, %dma_start3A_51] : memref<1024x64xf32, #tpu.memory_space<hbm>> -> memref<1024x64xf32, #tpu.memory_space<hbm>>
    tpu.enqueue_indirect_dma source(%dma_start3A_52 : memref<1024x64xf32, #tpu.memory_space<hbm>>) target(%arg21 : memref<128x64xf32, #tpu.memory_space<vmem>>) offsets(%dma_start3A_49 : memref<128xi32, #tpu.memory_space<vmem>>) semaphore(%arg25 : memref<!tpu.dma_semaphore, #tpu.memory_space<semaphore_mem>>)
    %scan3A_53 = arith.constant 0 : i32
    %scan3A_54 = arith.constant 8 : i32
    %scan3A_55 = arith.addi %scan3A_53, %scan3A_54 : i32
    %scan3A_56 = arith.constant 1 : i32
    scf.for %scan3A_69 = %scan3A_53 to %scan3A_55 step %scan3A_56  : i32 {
      %mul3A_70 = arith.constant 1 : i32
      %mul3A_71 = arith.muli %scan3A_69, %mul3A_70 : i32
      %add3A_72 = arith.constant 0 : i32
      %add3A_73 = arith.addi %add3A_72, %mul3A_71 : i32
      %mul3A_74 = arith.constant 2 : i32
      %mul3A_75 = arith.muli %mul3A_74, %add3A_73 : i32
      %mul3A_76 = arith.constant 128 : i32
      %mul3A_77 = arith.muli %mul3A_75, %mul3A_76 : i32
      %dma_wait3A_78 = tpu.memref_slice %arg10[%mul3A_77] : memref<2048xi32, #tpu.memory_space<vmem>> -> memref<128xi32, #tpu.memory_space<vmem>>
      %dma_wait3A_79 = arith.constant 0 : i32
      %dma_wait3A_80 = arith.constant 0 : i32
      %dma_wait3A_81 = tpu.memref_slice %arg2[%dma_wait3A_79, %dma_wait3A_80] : memref<2016x64xf32, #tpu.memory_space<hbm>> -> memref<2016x64xf32, #tpu.memory_space<hbm>>
      tpu.wait_indirect_dma semaphore(%arg24 : memref<!tpu.dma_semaphore, #tpu.memory_space<semaphore_mem>>) src(%dma_wait3A_81 : memref<2016x64xf32, #tpu.memory_space<hbm>>) dst(%arg14 : memref<128x64xf32, #tpu.memory_space<vmem>>)
      %dma_wait3A_82 = tpu.memref_slice %arg12[%mul3A_77] : memref<2048xi32, #tpu.memory_space<vmem>> -> memref<128xi32, #tpu.memory_space<vmem>>
      %dma_wait3A_83 = arith.constant 0 : i32
      %dma_wait3A_84 = arith.constant 0 : i32
      %dma_wait3A_85 = tpu.memref_slice %arg3[%dma_wait3A_83, %dma_wait3A_84] : memref<1024x64xf32, #tpu.memory_space<hbm>> -> memref<1024x64xf32, #tpu.memory_space<hbm>>
      tpu.wait_indirect_dma semaphore(%arg24 : memref<!tpu.dma_semaphore, #tpu.memory_space<semaphore_mem>>) src(%dma_wait3A_85 : memref<1024x64xf32, #tpu.memory_space<hbm>>) dst(%arg15 : memref<128x64xf32, #tpu.memory_space<vmem>>)
      %dma_wait3A_86 = tpu.memref_slice %arg11[%mul3A_77] : memref<2048xi32, #tpu.memory_space<vmem>> -> memref<128xi32, #tpu.memory_space<vmem>>
      %dma_wait3A_87 = arith.constant 0 : i32
      %dma_wait3A_88 = arith.constant 0 : i32
      %dma_wait3A_89 = tpu.memref_slice %arg2[%dma_wait3A_87, %dma_wait3A_88] : memref<2016x64xf32, #tpu.memory_space<hbm>> -> memref<2016x64xf32, #tpu.memory_space<hbm>>
      tpu.wait_indirect_dma semaphore(%arg24 : memref<!tpu.dma_semaphore, #tpu.memory_space<semaphore_mem>>) src(%dma_wait3A_89 : memref<2016x64xf32, #tpu.memory_space<hbm>>) dst(%arg16 : memref<128x64xf32, #tpu.memory_space<vmem>>)
      %dma_wait3A_90 = tpu.memref_slice %arg13[%mul3A_77] : memref<2048xi32, #tpu.memory_space<vmem>> -> memref<128xi32, #tpu.memory_space<vmem>>
      %dma_wait3A_91 = arith.constant 0 : i32
      %dma_wait3A_92 = arith.constant 0 : i32
      %dma_wait3A_93 = tpu.memref_slice %arg3[%dma_wait3A_91, %dma_wait3A_92] : memref<1024x64xf32, #tpu.memory_space<hbm>> -> memref<1024x64xf32, #tpu.memory_space<hbm>>
      tpu.wait_indirect_dma semaphore(%arg24 : memref<!tpu.dma_semaphore, #tpu.memory_space<semaphore_mem>>) src(%dma_wait3A_93 : memref<1024x64xf32, #tpu.memory_space<hbm>>) dst(%arg17 : memref<128x64xf32, #tpu.memory_space<vmem>>)
      %scan3A_94 = arith.constant 0 : i32
      %scan3A_95 = arith.constant 32 : i32
      %scan3A_96 = arith.addi %scan3A_94, %scan3A_95 : i32
      %scan3A_97 = arith.constant 1 : i32
      scf.for %scan3A_142 = %scan3A_94 to %scan3A_96 step %scan3A_97  : i32 {
        %mul3A_143 = arith.constant 4 : i32
        %mul3A_144 = arith.muli %scan3A_142, %mul3A_143 : i32
        %add3A_145 = arith.constant 0 : i32
        %add3A_146 = arith.addi %add3A_145, %mul3A_144 : i32
        %add3A_147 = arith.constant 0 : i32
        %add3A_148 = arith.addi %add3A_146, %add3A_147 : i32
        %get3A = arith.index_cast %add3A_148 : i32 to index
        %get3A_149 = arith.constant 0 : index
        %get3A_150 = tpu.vector_load %arg14[%get3A, %get3A_149] {strides = array<i32>} : memref<128x64xf32, #tpu.memory_space<vmem>>, vector<1x16xf32>,
        %get3A_151 = vector.shape_cast %get3A_150 : vector<1x16xf32> to vector<16xf32>
        %get3A_152 = arith.index_cast %add3A_148 : i32 to index
        %get3A_153 = arith.constant 0 : index
        %get3A_154 = tpu.vector_load %arg15[%get3A_152, %get3A_153] {strides = array<i32>} : memref<128x64xf32, #tpu.memory_space<vmem>>, vector<1x16xf32>,
        %get3A_155 = vector.shape_cast %get3A_154 : vector<1x16xf32> to vector<16xf32>
        %add3A_156 = arith.addf %get3A_151, %get3A_155 : vector<16xf32>
        %swap3A = arith.index_cast %add3A_148 : i32 to index
        %swap3A_157 = arith.constant 0 : index
        %swap3A_158 = tpu.vector_load %arg22[%swap3A, %swap3A_157] {strides = array<i32>} : memref<128x128xf32, #tpu.memory_space<vmem>>, vector<1x16xf32>,
        %swap3A_159 = vector.shape_cast %swap3A_158 : vector<1x16xf32> to vector<16xf32>
        %swap3A_160 = vector.shape_cast %add3A_156 : vector<16xf32> to vector<1x16xf32>
        tpu.vector_store %arg22[%swap3A, %swap3A_157], %swap3A_160 {strides = array<i32>} : memref<128x128xf32, #tpu.memory_space<vmem>>, vector<1x16xf32>,
        %get3A_161 = arith.index_cast %add3A_148 : i32 to index
        %get3A_162 = arith.constant 0 : index
        %get3A_163 = tpu.vector_load %arg16[%get3A_161, %get3A_162] {strides = array<i32>} : memref<128x64xf32, #tpu.memory_space<vmem>>, vector<1x16xf32>,
        %get3A_164 = vector.shape_cast %get3A_163 : vector<1x16xf32> to vector<16xf32>
        %get3A_165 = arith.index_cast %add3A_148 : i32 to index
        %get3A_166 = arith.constant 0 : index
        %get3A_167 = tpu.vector_load %arg17[%get3A_165, %get3A_166] {strides = array<i32>} : memref<128x64xf32, #tpu.memory_space<vmem>>, vector<1x16xf32>,
        %get3A_168 = vector.shape_cast %get3A_167 : vector<1x16xf32> to vector<16xf32>
        %add3A_169 = arith.addf %get3A_164, %get3A_168 : vector<16xf32>
        %swap3A_170 = arith.index_cast %add3A_148 : i32 to index
        %swap3A_171 = arith.constant 64 : index
        %swap3A_172 = tpu.vector_load %arg22[%swap3A_170, %swap3A_171] {strides = array<i32>} : memref<128x128xf32, #tpu.memory_space<vmem>>, vector<1x16xf32>,
        %swap3A_173 = vector.shape_cast %swap3A_172 : vector<1x16xf32> to vector<16xf32>
        %swap3A_174 = vector.shape_cast %add3A_169 : vector<16xf32> to vector<1x16xf32>
        tpu.vector_store %arg22[%swap3A_170, %swap3A_171], %swap3A_174 {strides = array<i32>} : memref<128x128xf32, #tpu.memory_space<vmem>>, vector<1x16xf32>,
        %get3A_175 = arith.index_cast %add3A_148 : i32 to index
        %get3A_176 = arith.constant 16 : index
        %get3A_177 = tpu.vector_load %arg14[%get3A_175, %get3A_176] {strides = array<i32>} : memref<128x64xf32, #tpu.memory_space<vmem>>, vector<1x16xf32>,
        %get3A_178 = vector.shape_cast %get3A_177 : vector<1x16xf32> to vector<16xf32>
        %get3A_179 = arith.index_cast %add3A_148 : i32 to index
        %get3A_180 = arith.constant 16 : index
        %get3A_181 = tpu.vector_load %arg15[%get3A_179, %get3A_180] {strides = array<i32>} : memref<128x64xf32, #tpu.memory_space<vmem>>, vector<1x16xf32>,
        %get3A_182 = vector.shape_cast %get3A_181 : vector<1x16xf32> to vector<16xf32>
        %add3A_183 = arith.addf %get3A_178, %get3A_182 : vector<16xf32>
        %swap3A_184 = arith.index_cast %add3A_148 : i32 to index
        %swap3A_185 = arith.constant 16 : index
        %swap3A_186 = tpu.vector_load %arg22[%swap3A_184, %swap3A_185] {strides = array<i32>} : memref<128x128xf32, #tpu.memory_space<vmem>>, vector<1x16xf32>,
        %swap3A_187 = vector.shape_cast %swap3A_186 : vector<1x16xf32> to vector<16xf32>
        %swap3A_188 = vector.shape_cast %add3A_183 : vector<16xf32> to vector<1x16xf32>
        tpu.vector_store %arg22[%swap3A_184, %swap3A_185], %swap3A_188 {strides = array<i32>} : memref<128x128xf32, #tpu.memory_space<vmem>>, vector<1x16xf32>,
        %get3A_189 = arith.index_cast %add3A_148 : i32 to index
        %get3A_190 = arith.constant 16 : index
        %get3A_191 = tpu.vector_load %arg16[%get3A_189, %get3A_190] {strides = array<i32>} : memref<128x64xf32, #tpu.memory_space<vmem>>, vector<1x16xf32>,
        %get3A_192 = vector.shape_cast %get3A_191 : vector<1x16xf32> to vector<16xf32>
        %get3A_193 = arith.index_cast %add3A_148 : i32 to index
        %get3A_194 = arith.constant 16 : index
        %get3A_195 = tpu.vector_load %arg17[%get3A_193, %get3A_194] {strides = array<i32>} : memref<128x64xf32, #tpu.memory_space<vmem>>, vector<1x16xf32>,
        %get3A_196 = vector.shape_cast %get3A_195 : vector<1x16xf32> to vector<16xf32>
        %add3A_197 = arith.addf %get3A_192, %get3A_196 : vector<16xf32>
        %swap3A_198 = arith.index_cast %add3A_148 : i32 to index
        %swap3A_199 = arith.constant 80 : index
        %swap3A_200 = tpu.vector_load %arg22[%swap3A_198, %swap3A_199] {strides = array<i32>} : memref<128x128xf32, #tpu.memory_space<vmem>>, vector<1x16xf32>,
        %swap3A_201 = vector.shape_cast %swap3A_200 : vector<1x16xf32> to vector<16xf32>
        %swap3A_202 = vector.shape_cast %add3A_197 : vector<16xf32> to vector<1x16xf32>
        tpu.vector_store %arg22[%swap3A_198, %swap3A_199], %swap3A_202 {strides = array<i32>} : memref<128x128xf32, #tpu.memory_space<vmem>>, vector<1x16xf32>,
        %get3A_203 = arith.index_cast %add3A_148 : i32 to index
        %get3A_204 = arith.constant 32 : index
        %get3A_205 = tpu.vector_load %arg14[%get3A_203, %get3A_204] {strides = array<i32>} : memref<128x64xf32, #tpu.memory_space<vmem>>, vector<1x16xf32>,
        %get3A_206 = vector.shape_cast %get3A_205 : vector<1x16xf32> to vector<16xf32>
        %get3A_207 = arith.index_cast %add3A_148 : i32 to index
        %get3A_208 = arith.constant 32 : index
        %get3A_209 = tpu.vector_load %arg15[%get3A_207, %get3A_208] {strides = array<i32>} : memref<128x64xf32, #tpu.memory_space<vmem>>, vector<1x16xf32>,
        %get3A_210 = vector.shape_cast %get3A_209 : vector<1x16xf32> to vector<16xf32>
        %add3A_211 = arith.addf %get3A_206, %get3A_210 : vector<16xf32>
        %swap3A_212 = arith.index_cast %add3A_148 : i32 to index
        %swap3A_213 = arith.constant 32 : index
        %swap3A_214 = tpu.vector_load %arg22[%swap3A_212, %swap3A_213] {strides = array<i32>} : memref<128x128xf32, #tpu.memory_space<vmem>>, vector<1x16xf32>,
        %swap3A_215 = vector.shape_cast %swap3A_214 : vector<1x16xf32> to vector<16xf32>
        %swap3A_216 = vector.shape_cast %add3A_211 : vector<16xf32> to vector<1x16xf32>
        tpu.vector_store %arg22[%swap3A_212, %swap3A_213], %swap3A_216 {strides = array<i32>} : memref<128x128xf32, #tpu.memory_space<vmem>>, vector<1x16xf32>,
        %get3A_217 = arith.index_cast %add3A_148 : i32 to index
        %get3A_218 = arith.constant 32 : index
        %get3A_219 = tpu.vector_load %arg16[%get3A_217, %get3A_218] {strides = array<i32>} : memref<128x64xf32, #tpu.memory_space<vmem>>, vector<1x16xf32>,
        %get3A_220 = vector.shape_cast %get3A_219 : vector<1x16xf32> to vector<16xf32>
        %get3A_221 = arith.index_cast %add3A_148 : i32 to index
        %get3A_222 = arith.constant 32 : index
        %get3A_223 = tpu.vector_load %arg17[%get3A_221, %get3A_222] {strides = array<i32>} : memref<128x64xf32, #tpu.memory_space<vmem>>, vector<1x16xf32>,
        %get3A_224 = vector.shape_cast %get3A_223 : vector<1x16xf32> to vector<16xf32>
        %add3A_225 = arith.addf %get3A_220, %get3A_224 : vector<16xf32>
        %swap3A_226 = arith.index_cast %add3A_148 : i32 to index
        %swap3A_227 = arith.constant 96 : index
        %swap3A_228 = tpu.vector_load %arg22[%swap3A_226, %swap3A_227] {strides = array<i32>} : memref<128x128xf32, #tpu.memory_space<vmem>>, vector<1x16xf32>,
        %swap3A_229 = vector.shape_cast %swap3A_228 : vector<1x16xf32> to vector<16xf32>
        %swap3A_230 = vector.shape_cast %add3A_225 : vector<16xf32> to vector<1x16xf32>
        tpu.vector_store %arg22[%swap3A_226, %swap3A_227], %swap3A_230 {strides = array<i32>} : memref<128x128xf32, #tpu.memory_space<vmem>>, vector<1x16xf32>,
        %get3A_231 = arith.index_cast %add3A_148 : i32 to index
        %get3A_232 = arith.constant 48 : index
        %get3A_233 = tpu.vector_load %arg14[%get3A_231, %get3A_232] {strides = array<i32>} : memref<128x64xf32, #tpu.memory_space<vmem>>, vector<1x16xf32>,
        %get3A_234 = vector.shape_cast %get3A_233 : vector<1x16xf32> to vector<16xf32>
        %get3A_235 = arith.index_cast %add3A_148 : i32 to index
        %get3A_236 = arith.constant 48 : index
        %get3A_237 = tpu.vector_load %arg15[%get3A_235, %get3A_236] {strides = array<i32>} : memref<128x64xf32, #tpu.memory_space<vmem>>, vector<1x16xf32>,
        %get3A_238 = vector.shape_cast %get3A_237 : vector<1x16xf32> to vector<16xf32>
        %add3A_239 = arith.addf %get3A_234, %get3A_238 : vector<16xf32>
        %swap3A_240 = arith.index_cast %add3A_148 : i32 to index
        %swap3A_241 = arith.constant 48 : index
        %swap3A_242 = tpu.vector_load %arg22[%swap3A_240, %swap3A_241] {strides = array<i32>} : memref<128x128xf32, #tpu.memory_space<vmem>>, vector<1x16xf32>,
        %swap3A_243 = vector.shape_cast %swap3A_242 : vector<1x16xf32> to vector<16xf32>
        %swap3A_244 = vector.shape_cast %add3A_239 : vector<16xf32> to vector<1x16xf32>
        tpu.vector_store %arg22[%swap3A_240, %swap3A_241], %swap3A_244 {strides = array<i32>} : memref<128x128xf32, #tpu.memory_space<vmem>>, vector<1x16xf32>,
        %get3A_245 = arith.index_cast %add3A_148 : i32 to index
        %get3A_246 = arith.constant 48 : index
        %get3A_247 = tpu.vector_load %arg16[%get3A_245, %get3A_246] {strides = array<i32>} : memref<128x64xf32, #tpu.memory_space<vmem>>, vector<1x16xf32>,
        %get3A_248 = vector.shape_cast %get3A_247 : vector<1x16xf32> to vector<16xf32>
        %get3A_249 = arith.index_cast %add3A_148 : i32 to index
        %get3A_250 = arith.constant 48 : index
        %get3A_251 = tpu.vector_load %arg17[%get3A_249, %get3A_250] {strides = array<i32>} : memref<128x64xf32, #tpu.memory_space<vmem>>, vector<1x16xf32>,
        %get3A_252 = vector.shape_cast %get3A_251 : vector<1x16xf32> to vector<16xf32>
        %add3A_253 = arith.addf %get3A_248, %get3A_252 : vector<16xf32>
        %swap3A_254 = arith.index_cast %add3A_148 : i32 to index
        %swap3A_255 = arith.constant 112 : index
        %swap3A_256 = tpu.vector_load %arg22[%swap3A_254, %swap3A_255] {strides = array<i32>} : memref<128x128xf32, #tpu.memory_space<vmem>>, vector<1x16xf32>,
        %swap3A_257 = vector.shape_cast %swap3A_256 : vector<1x16xf32> to vector<16xf32>
        %swap3A_258 = vector.shape_cast %add3A_253 : vector<16xf32> to vector<1x16xf32>
        tpu.vector_store %arg22[%swap3A_254, %swap3A_255], %swap3A_258 {strides = array<i32>} : memref<128x128xf32, #tpu.memory_space<vmem>>, vector<1x16xf32>,
        %add3A_259 = arith.constant 1 : i32
        %add3A_260 = arith.addi %add3A_146, %add3A_259 : i32
        %get3A_261 = arith.index_cast %add3A_260 : i32 to index
        %get3A_262 = arith.constant 0 : index
        %get3A_263 = tpu.vector_load %arg14[%get3A_261, %get3A_262] {strides = array<i32>} : memref<128x64xf32, #tpu.memory_space<vmem>>, vector<1x16xf32>,
        %get3A_264 = vector.shape_cast %get3A_263 : vector<1x16xf32> to vector<16xf32>
        %get3A_265 = arith.index_cast %add3A_260 : i32 to index
        %get3A_266 = arith.constant 0 : index
        %get3A_267 = tpu.vector_load %arg15[%get3A_265, %get3A_266] {strides = array<i32>} : memref<128x64xf32, #tpu.memory_space<vmem>>, vector<1x16xf32>,
        %get3A_268 = vector.shape_cast %get3A_267 : vector<1x16xf32> to vector<16xf32>
        %add3A_269 = arith.addf %get3A_264, %get3A_268 : vector<16xf32>
        %swap3A_270 = arith.index_cast %add3A_260 : i32 to index
        %swap3A_271 = arith.constant 0 : index
        %swap3A_272 = tpu.vector_load %arg22[%swap3A_270, %swap3A_271] {strides = array<i32>} : memref<128x128xf32, #tpu.memory_space<vmem>>, vector<1x16xf32>,
        %swap3A_273 = vector.shape_cast %swap3A_272 : vector<1x16xf32> to vector<16xf32>
        %swap3A_274 = vector.shape_cast %add3A_269 : vector<16xf32> to vector<1x16xf32>
        tpu.vector_store %arg22[%swap3A_270, %swap3A_271], %swap3A_274 {strides = array<i32>} : memref<128x128xf32, #tpu.memory_space<vmem>>, vector<1x16xf32>,
        %get3A_275 = arith.index_cast %add3A_260 : i32 to index
        %get3A_276 = arith.constant 0 : index
        %get3A_277 = tpu.vector_load %arg16[%get3A_275, %get3A_276] {strides = array<i32>} : memref<128x64xf32, #tpu.memory_space<vmem>>, vector<1x16xf32>,
        %get3A_278 = vector.shape_cast %get3A_277 : vector<1x16xf32> to vector<16xf32>
        %get3A_279 = arith.index_cast %add3A_260 : i32 to index
        %get3A_280 = arith.constant 0 : index
        %get3A_281 = tpu.vector_load %arg17[%get3A_279, %get3A_280] {strides = array<i32>} : memref<128x64xf32, #tpu.memory_space<vmem>>, vector<1x16xf32>,
        %get3A_282 = vector.shape_cast %get3A_281 : vector<1x16xf32> to vector<16xf32>
        %add3A_283 = arith.addf %get3A_278, %get3A_282 : vector<16xf32>
        %swap3A_284 = arith.index_cast %add3A_260 : i32 to index
        %swap3A_285 = arith.constant 64 : index
        %swap3A_286 = tpu.vector_load %arg22[%swap3A_284, %swap3A_285] {strides = array<i32>} : memref<128x128xf32, #tpu.memory_space<vmem>>, vector<1x16xf32>,
        %swap3A_287 = vector.shape_cast %swap3A_286 : vector<1x16xf32> to vector<16xf32>
        %swap3A_288 = vector.shape_cast %add3A_283 : vector<16xf32> to vector<1x16xf32>
        tpu.vector_store %arg22[%swap3A_284, %swap3A_285], %swap3A_288 {strides = array<i32>} : memref<128x128xf32, #tpu.memory_space<vmem>>, vector<1x16xf32>,
        %get3A_289 = arith.index_cast %add3A_260 : i32 to index
        %get3A_290 = arith.constant 16 : index
        %get3A_291 = tpu.vector_load %arg14[%get3A_289, %get3A_290] {strides = array<i32>} : memref<128x64xf32, #tpu.memory_space<vmem>>, vector<1x16xf32>,
        %get3A_292 = vector.shape_cast %get3A_291 : vector<1x16xf32> to vector<16xf32>
        %get3A_293 = arith.index_cast %add3A_260 : i32 to index
        %get3A_294 = arith.constant 16 : index
        %get3A_295 = tpu.vector_load %arg15[%get3A_293, %get3A_294] {strides = array<i32>} : memref<128x64xf32, #tpu.memory_space<vmem>>, vector<1x16xf32>,
        %get3A_296 = vector.shape_cast %get3A_295 : vector<1x16xf32> to vector<16xf32>
        %add3A_297 = arith.addf %get3A_292, %get3A_296 : vector<16xf32>
        %swap3A_298 = arith.index_cast %add3A_260 : i32 to index
        %swap3A_299 = arith.constant 16 : index
        %swap3A_300 = tpu.vector_load %arg22[%swap3A_298, %swap3A_299] {strides = array<i32>} : memref<128x128xf32, #tpu.memory_space<vmem>>, vector<1x16xf32>,
        %swap3A_301 = vector.shape_cast %swap3A_300 : vector<1x16xf32> to vector<16xf32>
        %swap3A_302 = vector.shape_cast %add3A_297 : vector<16xf32> to vector<1x16xf32>
        tpu.vector_store %arg22[%swap3A_298, %swap3A_299], %swap3A_302 {strides = array<i32>} : memref<128x128xf32, #tpu.memory_space<vmem>>, vector<1x16xf32>,
        %get3A_303 = arith.index_cast %add3A_260 : i32 to index
        %get3A_304 = arith.constant 16 : index
        %get3A_305 = tpu.vector_load %arg16[%get3A_303, %get3A_304] {strides = array<i32>} : memref<128x64xf32, #tpu.memory_space<vmem>>, vector<1x16xf32>,
        %get3A_306 = vector.shape_cast %get3A_305 : vector<1x16xf32> to vector<16xf32>
        %get3A_307 = arith.index_cast %add3A_260 : i32 to index
        %get3A_308 = arith.constant 16 : index
        %get3A_309 = tpu.vector_load %arg17[%get3A_307, %get3A_308] {strides = array<i32>} : memref<128x64xf32, #tpu.memory_space<vmem>>, vector<1x16xf32>,
        %get3A_310 = vector.shape_cast %get3A_309 : vector<1x16xf32> to vector<16xf32>
        %add3A_311 = arith.addf %get3A_306, %get3A_310 : vector<16xf32>
        %swap3A_312 = arith.index_cast %add3A_260 : i32 to index
        %swap3A_313 = arith.constant 80 : index
        %swap3A_314 = tpu.vector_load %arg22[%swap3A_312, %swap3A_313] {strides = array<i32>} : memref<128x128xf32, #tpu.memory_space<vmem>>, vector<1x16xf32>,
        %swap3A_315 = vector.shape_cast %swap3A_314 : vector<1x16xf32> to vector<16xf32>
        %swap3A_316 = vector.shape_cast %add3A_311 : vector<16xf32> to vector<1x16xf32>
        tpu.vector_store %arg22[%swap3A_312, %swap3A_313], %swap3A_316 {strides = array<i32>} : memref<128x128xf32, #tpu.memory_space<vmem>>, vector<1x16xf32>,
        %get3A_317 = arith.index_cast %add3A_260 : i32 to index
        %get3A_318 = arith.constant 32 : index
        %get3A_319 = tpu.vector_load %arg14[%get3A_317, %get3A_318] {strides = array<i32>} : memref<128x64xf32, #tpu.memory_space<vmem>>, vector<1x16xf32>,
        %get3A_320 = vector.shape_cast %get3A_319 : vector<1x16xf32> to vector<16xf32>
        %get3A_321 = arith.index_cast %add3A_260 : i32 to index
        %get3A_322 = arith.constant 32 : index
        %get3A_323 = tpu.vector_load %arg15[%get3A_321, %get3A_322] {strides = array<i32>} : memref<128x64xf32, #tpu.memory_space<vmem>>, vector<1x16xf32>,
        %get3A_324 = vector.shape_cast %get3A_323 : vector<1x16xf32> to vector<16xf32>
        %add3A_325 = arith.addf %get3A_320, %get3A_324 : vector<16xf32>
        %swap3A_326 = arith.index_cast %add3A_260 : i32 to index
        %swap3A_327 = arith.constant 32 : index
        %swap3A_328 = tpu.vector_load %arg22[%swap3A_326, %swap3A_327] {strides = array<i32>} : memref<128x128xf32, #tpu.memory_space<vmem>>, vector<1x16xf32>,
        %swap3A_329 = vector.shape_cast %swap3A_328 : vector<1x16xf32> to vector<16xf32>
        %swap3A_330 = vector.shape_cast %add3A_325 : vector<16xf32> to vector<1x16xf32>
        tpu.vector_store %arg22[%swap3A_326, %swap3A_327], %swap3A_330 {strides = array<i32>} : memref<128x128xf32, #tpu.memory_space<vmem>>, vector<1x16xf32>,
        %get3A_331 = arith.index_cast %add3A_260 : i32 to index
        %get3A_332 = arith.constant 32 : index
        %get3A_333 = tpu.vector_load %arg16[%get3A_331, %get3A_332] {strides = array<i32>} : memref<128x64xf32, #tpu.memory_space<vmem>>, vector<1x16xf32>,
        %get3A_334 = vector.shape_cast %get3A_333 : vector<1x16xf32> to vector<16xf32>
        %get3A_335 = arith.index_cast %add3A_260 : i32 to index
        %get3A_336 = arith.constant 32 : index
        %get3A_337 = tpu.vector_load %arg17[%get3A_335, %get3A_336] {strides = array<i32>} : memref<128x64xf32, #tpu.memory_space<vmem>>, vector<1x16xf32>,
        %get3A_338 = vector.shape_cast %get3A_337 : vector<1x16xf32> to vector<16xf32>
        %add3A_339 = arith.addf %get3A_334, %get3A_338 : vector<16xf32>
        %swap3A_340 = arith.index_cast %add3A_260 : i32 to index
        %swap3A_341 = arith.constant 96 : index
        %swap3A_342 = tpu.vector_load %arg22[%swap3A_340, %swap3A_341] {strides = array<i32>} : memref<128x128xf32, #tpu.memory_space<vmem>>, vector<1x16xf32>,
        %swap3A_343 = vector.shape_cast %swap3A_342 : vector<1x16xf32> to vector<16xf32>
        %swap3A_344 = vector.shape_cast %add3A_339 : vector<16xf32> to vector<1x16xf32>
        tpu.vector_store %arg22[%swap3A_340, %swap3A_341], %swap3A_344 {strides = array<i32>} : memref<128x128xf32, #tpu.memory_space<vmem>>, vector<1x16xf32>,
        %get3A_345 = arith.index_cast %add3A_260 : i32 to index
        %get3A_346 = arith.constant 48 : index
        %get3A_347 = tpu.vector_load %arg14[%get3A_345, %get3A_346] {strides = array<i32>} : memref<128x64xf32, #tpu.memory_space<vmem>>, vector<1x16xf32>,
        %get3A_348 = vector.shape_cast %get3A_347 : vector<1x16xf32> to vector<16xf32>
        %get3A_349 = arith.index_cast %add3A_260 : i32 to index
        %get3A_350 = arith.constant 48 : index
        %get3A_351 = tpu.vector_load %arg15[%get3A_349, %get3A_350] {strides = array<i32>} : memref<128x64xf32, #tpu.memory_space<vmem>>, vector<1x16xf32>,
        %get3A_352 = vector.shape_cast %get3A_351 : vector<1x16xf32> to vector<16xf32>
        %add3A_353 = arith.addf %get3A_348, %get3A_352 : vector<16xf32>
        %swap3A_354 = arith.index_cast %add3A_260 : i32 to index
        %swap3A_355 = arith.constant 48 : index
        %swap3A_356 = tpu.vector_load %arg22[%swap3A_354, %swap3A_355] {strides = array<i32>} : memref<128x128xf32, #tpu.memory_space<vmem>>, vector<1x16xf32>,
        %swap3A_357 = vector.shape_cast %swap3A_356 : vector<1x16xf32> to vector<16xf32>
        %swap3A_358 = vector.shape_cast %add3A_353 : vector<16xf32> to vector<1x16xf32>
        tpu.vector_store %arg22[%swap3A_354, %swap3A_355], %swap3A_358 {strides = array<i32>} : memref<128x128xf32, #tpu.memory_space<vmem>>, vector<1x16xf32>,
        %get3A_359 = arith.index_cast %add3A_260 : i32 to index
        %get3A_360 = arith.constant 48 : index
        %get3A_361 = tpu.vector_load %arg16[%get3A_359, %get3A_360] {strides = array<i32>} : memref<128x64xf32, #tpu.memory_space<vmem>>, vector<1x16xf32>,
        %get3A_362 = vector.shape_cast %get3A_361 : vector<1x16xf32> to vector<16xf32>
        %get3A_363 = arith.index_cast %add3A_260 : i32 to index
        %get3A_364 = arith.constant 48 : index
        %get3A_365 = tpu.vector_load %arg17[%get3A_363, %get3A_364] {strides = array<i32>} : memref<128x64xf32, #tpu.memory_space<vmem>>, vector<1x16xf32>,
        %get3A_366 = vector.shape_cast %get3A_365 : vector<1x16xf32> to vector<16xf32>
        %add3A_367 = arith.addf %get3A_362, %get3A_366 : vector<16xf32>
        %swap3A_368 = arith.index_cast %add3A_260 : i32 to index
        %swap3A_369 = arith.constant 112 : index
        %swap3A_370 = tpu.vector_load %arg22[%swap3A_368, %swap3A_369] {strides = array<i32>} : memref<128x128xf32, #tpu.memory_space<vmem>>, vector<1x16xf32>,
        %swap3A_371 = vector.shape_cast %swap3A_370 : vector<1x16xf32> to vector<16xf32>
        %swap3A_372 = vector.shape_cast %add3A_367 : vector<16xf32> to vector<1x16xf32>
        tpu.vector_store %arg22[%swap3A_368, %swap3A_369], %swap3A_372 {strides = array<i32>} : memref<128x128xf32, #tpu.memory_space<vmem>>, vector<1x16xf32>,
        %add3A_373 = arith.constant 2 : i32
        %add3A_374 = arith.addi %add3A_146, %add3A_373 : i32
        %get3A_375 = arith.index_cast %add3A_374 : i32 to index
        %get3A_376 = arith.constant 0 : index
        %get3A_377 = tpu.vector_load %arg14[%get3A_375, %get3A_376] {strides = array<i32>} : memref<128x64xf32, #tpu.memory_space<vmem>>, vector<1x16xf32>,
        %get3A_378 = vector.shape_cast %get3A_377 : vector<1x16xf32> to vector<16xf32>
        %get3A_379 = arith.index_cast %add3A_374 : i32 to index
        %get3A_380 = arith.constant 0 : index
        %get3A_381 = tpu.vector_load %arg15[%get3A_379, %get3A_380] {strides = array<i32>} : memref<128x64xf32, #tpu.memory_space<vmem>>, vector<1x16xf32>,
        %get3A_382 = vector.shape_cast %get3A_381 : vector<1x16xf32> to vector<16xf32>
        %add3A_383 = arith.addf %get3A_378, %get3A_382 : vector<16xf32>
        %swap3A_384 = arith.index_cast %add3A_374 : i32 to index
        %swap3A_385 = arith.constant 0 : index
        %swap3A_386 = tpu.vector_load %arg22[%swap3A_384, %swap3A_385] {strides = array<i32>} : memref<128x128xf32, #tpu.memory_space<vmem>>, vector<1x16xf32>,
        %swap3A_387 = vector.shape_cast %swap3A_386 : vector<1x16xf32> to vector<16xf32>
        %swap3A_388 = vector.shape_cast %add3A_383 : vector<16xf32> to vector<1x16xf32>
        tpu.vector_store %arg22[%swap3A_384, %swap3A_385], %swap3A_388 {strides = array<i32>} : memref<128x128xf32, #tpu.memory_space<vmem>>, vector<1x16xf32>,
        %get3A_389 = arith.index_cast %add3A_374 : i32 to index
        %get3A_390 = arith.constant 0 : index
        %get3A_391 = tpu.vector_load %arg16[%get3A_389, %get3A_390] {strides = array<i32>} : memref<128x64xf32, #tpu.memory_space<vmem>>, vector<1x16xf32>,
        %get3A_392 = vector.shape_cast %get3A_391 : vector<1x16xf32> to vector<16xf32>
        %get3A_393 = arith.index_cast %add3A_374 : i32 to index
        %get3A_394 = arith.constant 0 : index
        %get3A_395 = tpu.vector_load %arg17[%get3A_393, %get3A_394] {strides = array<i32>} : memref<128x64xf32, #tpu.memory_space<vmem>>, vector<1x16xf32>,
        %get3A_396 = vector.shape_cast %get3A_395 : vector<1x16xf32> to vector<16xf32>
        %add3A_397 = arith.addf %get3A_392, %get3A_396 : vector<16xf32>
        %swap3A_398 = arith.index_cast %add3A_374 : i32 to index
        %swap3A_399 = arith.constant 64 : index
        %swap3A_400 = tpu.vector_load %arg22[%swap3A_398, %swap3A_399] {strides = array<i32>} : memref<128x128xf32, #tpu.memory_space<vmem>>, vector<1x16xf32>,
        %swap3A_401 = vector.shape_cast %swap3A_400 : vector<1x16xf32> to vector<16xf32>
        %swap3A_402 = vector.shape_cast %add3A_397 : vector<16xf32> to vector<1x16xf32>
        tpu.vector_store %arg22[%swap3A_398, %swap3A_399], %swap3A_402 {strides = array<i32>} : memref<128x128xf32, #tpu.memory_space<vmem>>, vector<1x16xf32>,
        %get3A_403 = arith.index_cast %add3A_374 : i32 to index
        %get3A_404 = arith.constant 16 : index
        %get3A_405 = tpu.vector_load %arg14[%get3A_403, %get3A_404] {strides = array<i32>} : memref<128x64xf32, #tpu.memory_space<vmem>>, vector<1x16xf32>,
        %get3A_406 = vector.shape_cast %get3A_405 : vector<1x16xf32> to vector<16xf32>
        %get3A_407 = arith.index_cast %add3A_374 : i32 to index
        %get3A_408 = arith.constant 16 : index
        %get3A_409 = tpu.vector_load %arg15[%get3A_407, %get3A_408] {strides = array<i32>} : memref<128x64xf32, #tpu.memory_space<vmem>>, vector<1x16xf32>,
        %get3A_410 = vector.shape_cast %get3A_409 : vector<1x16xf32> to vector<16xf32>
        %add3A_411 = arith.addf %get3A_406, %get3A_410 : vector<16xf32>
        %swap3A_412 = arith.index_cast %add3A_374 : i32 to index
        %swap3A_413 = arith.constant 16 : index
        %swap3A_414 = tpu.vector_load %arg22[%swap3A_412, %swap3A_413] {strides = array<i32>} : memref<128x128xf32, #tpu.memory_space<vmem>>, vector<1x16xf32>,
        %swap3A_415 = vector.shape_cast %swap3A_414 : vector<1x16xf32> to vector<16xf32>
        %swap3A_416 = vector.shape_cast %add3A_411 : vector<16xf32> to vector<1x16xf32>
        tpu.vector_store %arg22[%swap3A_412, %swap3A_413], %swap3A_416 {strides = array<i32>} : memref<128x128xf32, #tpu.memory_space<vmem>>, vector<1x16xf32>,
        %get3A_417 = arith.index_cast %add3A_374 : i32 to index
        %get3A_418 = arith.constant 16 : index
        %get3A_419 = tpu.vector_load %arg16[%get3A_417, %get3A_418] {strides = array<i32>} : memref<128x64xf32, #tpu.memory_space<vmem>>, vector<1x16xf32>,
        %get3A_420 = vector.shape_cast %get3A_419 : vector<1x16xf32> to vector<16xf32>
        %get3A_421 = arith.index_cast %add3A_374 : i32 to index
        %get3A_422 = arith.constant 16 : index
        %get3A_423 = tpu.vector_load %arg17[%get3A_421, %get3A_422] {strides = array<i32>} : memref<128x64xf32, #tpu.memory_space<vmem>>, vector<1x16xf32>,
        %get3A_424 = vector.shape_cast %get3A_423 : vector<1x16xf32> to vector<16xf32>
        %add3A_425 = arith.addf %get3A_420, %get3A_424 : vector<16xf32>
        %swap3A_426 = arith.index_cast %add3A_374 : i32 to index
        %swap3A_427 = arith.constant 80 : index
        %swap3A_428 = tpu.vector_load %arg22[%swap3A_426, %swap3A_427] {strides = array<i32>} : memref<128x128xf32, #tpu.memory_space<vmem>>, vector<1x16xf32>,
        %swap3A_429 = vector.shape_cast %swap3A_428 : vector<1x16xf32> to vector<16xf32>
        %swap3A_430 = vector.shape_cast %add3A_425 : vector<16xf32> to vector<1x16xf32>
        tpu.vector_store %arg22[%swap3A_426, %swap3A_427], %swap3A_430 {strides = array<i32>} : memref<128x128xf32, #tpu.memory_space<vmem>>, vector<1x16xf32>,
        %get3A_431 = arith.index_cast %add3A_374 : i32 to index
        %get3A_432 = arith.constant 32 : index
        %get3A_433 = tpu.vector_load %arg14[%get3A_431, %get3A_432] {strides = array<i32>} : memref<128x64xf32, #tpu.memory_space<vmem>>, vector<1x16xf32>,
        %get3A_434 = vector.shape_cast %get3A_433 : vector<1x16xf32> to vector<16xf32>
        %get3A_435 = arith.index_cast %add3A_374 : i32 to index
        %get3A_436 = arith.constant 32 : index
        %get3A_437 = tpu.vector_load %arg15[%get3A_435, %get3A_436] {strides = array<i32>} : memref<128x64xf32, #tpu.memory_space<vmem>>, vector<1x16xf32>,
        %get3A_438 = vector.shape_cast %get3A_437 : vector<1x16xf32> to vector<16xf32>
        %add3A_439 = arith.addf %get3A_434, %get3A_438 : vector<16xf32>
        %swap3A_440 = arith.index_cast %add3A_374 : i32 to index
        %swap3A_441 = arith.constant 32 : index
        %swap3A_442 = tpu.vector_load %arg22[%swap3A_440, %swap3A_441] {strides = array<i32>} : memref<128x128xf32, #tpu.memory_space<vmem>>, vector<1x16xf32>,
        %swap3A_443 = vector.shape_cast %swap3A_442 : vector<1x16xf32> to vector<16xf32>
        %swap3A_444 = vector.shape_cast %add3A_439 : vector<16xf32> to vector<1x16xf32>
        tpu.vector_store %arg22[%swap3A_440, %swap3A_441], %swap3A_444 {strides = array<i32>} : memref<128x128xf32, #tpu.memory_space<vmem>>, vector<1x16xf32>,
        %get3A_445 = arith.index_cast %add3A_374 : i32 to index
        %get3A_446 = arith.constant 32 : index
        %get3A_447 = tpu.vector_load %arg16[%get3A_445, %get3A_446] {strides = array<i32>} : memref<128x64xf32, #tpu.memory_space<vmem>>, vector<1x16xf32>,
        %get3A_448 = vector.shape_cast %get3A_447 : vector<1x16xf32> to vector<16xf32>
        %get3A_449 = arith.index_cast %add3A_374 : i32 to index
        %get3A_450 = arith.constant 32 : index
        %get3A_451 = tpu.vector_load %arg17[%get3A_449, %get3A_450] {strides = array<i32>} : memref<128x64xf32, #tpu.memory_space<vmem>>, vector<1x16xf32>,
        %get3A_452 = vector.shape_cast %get3A_451 : vector<1x16xf32> to vector<16xf32>
        %add3A_453 = arith.addf %get3A_448, %get3A_452 : vector<16xf32>
        %swap3A_454 = arith.index_cast %add3A_374 : i32 to index
        %swap3A_455 = arith.constant 96 : index
        %swap3A_456 = tpu.vector_load %arg22[%swap3A_454, %swap3A_455] {strides = array<i32>} : memref<128x128xf32, #tpu.memory_space<vmem>>, vector<1x16xf32>,
        %swap3A_457 = vector.shape_cast %swap3A_456 : vector<1x16xf32> to vector<16xf32>
        %swap3A_458 = vector.shape_cast %add3A_453 : vector<16xf32> to vector<1x16xf32>
        tpu.vector_store %arg22[%swap3A_454, %swap3A_455], %swap3A_458 {strides = array<i32>} : memref<128x128xf32, #tpu.memory_space<vmem>>, vector<1x16xf32>,
        %get3A_459 = arith.index_cast %add3A_374 : i32 to index
        %get3A_460 = arith.constant 48 : index
        %get3A_461 = tpu.vector_load %arg14[%get3A_459, %get3A_460] {strides = array<i32>} : memref<128x64xf32, #tpu.memory_space<vmem>>, vector<1x16xf32>,
        %get3A_462 = vector.shape_cast %get3A_461 : vector<1x16xf32> to vector<16xf32>
        %get3A_463 = arith.index_cast %add3A_374 : i32 to index
        %get3A_464 = arith.constant 48 : index
        %get3A_465 = tpu.vector_load %arg15[%get3A_463, %get3A_464] {strides = array<i32>} : memref<128x64xf32, #tpu.memory_space<vmem>>, vector<1x16xf32>,
        %get3A_466 = vector.shape_cast %get3A_465 : vector<1x16xf32> to vector<16xf32>
        %add3A_467 = arith.addf %get3A_462, %get3A_466 : vector<16xf32>
        %swap3A_468 = arith.index_cast %add3A_374 : i32 to index
        %swap3A_469 = arith.constant 48 : index
        %swap3A_470 = tpu.vector_load %arg22[%swap3A_468, %swap3A_469] {strides = array<i32>} : memref<128x128xf32, #tpu.memory_space<vmem>>, vector<1x16xf32>,
        %swap3A_471 = vector.shape_cast %swap3A_470 : vector<1x16xf32> to vector<16xf32>
        %swap3A_472 = vector.shape_cast %add3A_467 : vector<16xf32> to vector<1x16xf32>
        tpu.vector_store %arg22[%swap3A_468, %swap3A_469], %swap3A_472 {strides = array<i32>} : memref<128x128xf32, #tpu.memory_space<vmem>>, vector<1x16xf32>,
        %get3A_473 = arith.index_cast %add3A_374 : i32 to index
        %get3A_474 = arith.constant 48 : index
        %get3A_475 = tpu.vector_load %arg16[%get3A_473, %get3A_474] {strides = array<i32>} : memref<128x64xf32, #tpu.memory_space<vmem>>, vector<1x16xf32>,
        %get3A_476 = vector.shape_cast %get3A_475 : vector<1x16xf32> to vector<16xf32>
        %get3A_477 = arith.index_cast %add3A_374 : i32 to index
        %get3A_478 = arith.constant 48 : index
        %get3A_479 = tpu.vector_load %arg17[%get3A_477, %get3A_478] {strides = array<i32>} : memref<128x64xf32, #tpu.memory_space<vmem>>, vector<1x16xf32>,
        %get3A_480 = vector.shape_cast %get3A_479 : vector<1x16xf32> to vector<16xf32>
        %add3A_481 = arith.addf %get3A_476, %get3A_480 : vector<16xf32>
        %swap3A_482 = arith.index_cast %add3A_374 : i32 to index
        %swap3A_483 = arith.constant 112 : index
        %swap3A_484 = tpu.vector_load %arg22[%swap3A_482, %swap3A_483] {strides = array<i32>} : memref<128x128xf32, #tpu.memory_space<vmem>>, vector<1x16xf32>,
        %swap3A_485 = vector.shape_cast %swap3A_484 : vector<1x16xf32> to vector<16xf32>
        %swap3A_486 = vector.shape_cast %add3A_481 : vector<16xf32> to vector<1x16xf32>
        tpu.vector_store %arg22[%swap3A_482, %swap3A_483], %swap3A_486 {strides = array<i32>} : memref<128x128xf32, #tpu.memory_space<vmem>>, vector<1x16xf32>,
        %add3A_487 = arith.constant 3 : i32
        %add3A_488 = arith.addi %add3A_146, %add3A_487 : i32
        %get3A_489 = arith.index_cast %add3A_488 : i32 to index
        %get3A_490 = arith.constant 0 : index
        %get3A_491 = tpu.vector_load %arg14[%get3A_489, %get3A_490] {strides = array<i32>} : memref<128x64xf32, #tpu.memory_space<vmem>>, vector<1x16xf32>,
        %get3A_492 = vector.shape_cast %get3A_491 : vector<1x16xf32> to vector<16xf32>
        %get3A_493 = arith.index_cast %add3A_488 : i32 to index
        %get3A_494 = arith.constant 0 : index
        %get3A_495 = tpu.vector_load %arg15[%get3A_493, %get3A_494] {strides = array<i32>} : memref<128x64xf32, #tpu.memory_space<vmem>>, vector<1x16xf32>,
        %get3A_496 = vector.shape_cast %get3A_495 : vector<1x16xf32> to vector<16xf32>
        %add3A_497 = arith.addf %get3A_492, %get3A_496 : vector<16xf32>
        %swap3A_498 = arith.index_cast %add3A_488 : i32 to index
        %swap3A_499 = arith.constant 0 : index
        %swap3A_500 = tpu.vector_load %arg22[%swap3A_498, %swap3A_499] {strides = array<i32>} : memref<128x128xf32, #tpu.memory_space<vmem>>, vector<1x16xf32>,
        %swap3A_501 = vector.shape_cast %swap3A_500 : vector<1x16xf32> to vector<16xf32>
        %swap3A_502 = vector.shape_cast %add3A_497 : vector<16xf32> to vector<1x16xf32>
        tpu.vector_store %arg22[%swap3A_498, %swap3A_499], %swap3A_502 {strides = array<i32>} : memref<128x128xf32, #tpu.memory_space<vmem>>, vector<1x16xf32>,
        %get3A_503 = arith.index_cast %add3A_488 : i32 to index
        %get3A_504 = arith.constant 0 : index
        %get3A_505 = tpu.vector_load %arg16[%get3A_503, %get3A_504] {strides = array<i32>} : memref<128x64xf32, #tpu.memory_space<vmem>>, vector<1x16xf32>,
        %get3A_506 = vector.shape_cast %get3A_505 : vector<1x16xf32> to vector<16xf32>
        %get3A_507 = arith.index_cast %add3A_488 : i32 to index
        %get3A_508 = arith.constant 0 : index
        %get3A_509 = tpu.vector_load %arg17[%get3A_507, %get3A_508] {strides = array<i32>} : memref<128x64xf32, #tpu.memory_space<vmem>>, vector<1x16xf32>,
        %get3A_510 = vector.shape_cast %get3A_509 : vector<1x16xf32> to vector<16xf32>
        %add3A_511 = arith.addf %get3A_506, %get3A_510 : vector<16xf32>
        %swap3A_512 = arith.index_cast %add3A_488 : i32 to index
        %swap3A_513 = arith.constant 64 : index
        %swap3A_514 = tpu.vector_load %arg22[%swap3A_512, %swap3A_513] {strides = array<i32>} : memref<128x128xf32, #tpu.memory_space<vmem>>, vector<1x16xf32>,
        %swap3A_515 = vector.shape_cast %swap3A_514 : vector<1x16xf32> to vector<16xf32>
        %swap3A_516 = vector.shape_cast %add3A_511 : vector<16xf32> to vector<1x16xf32>
        tpu.vector_store %arg22[%swap3A_512, %swap3A_513], %swap3A_516 {strides = array<i32>} : memref<128x128xf32, #tpu.memory_space<vmem>>, vector<1x16xf32>,
        %get3A_517 = arith.index_cast %add3A_488 : i32 to index
        %get3A_518 = arith.constant 16 : index
        %get3A_519 = tpu.vector_load %arg14[%get3A_517, %get3A_518] {strides = array<i32>} : memref<128x64xf32, #tpu.memory_space<vmem>>, vector<1x16xf32>,
        %get3A_520 = vector.shape_cast %get3A_519 : vector<1x16xf32> to vector<16xf32>
        %get3A_521 = arith.index_cast %add3A_488 : i32 to index
        %get3A_522 = arith.constant 16 : index
        %get3A_523 = tpu.vector_load %arg15[%get3A_521, %get3A_522] {strides = array<i32>} : memref<128x64xf32, #tpu.memory_space<vmem>>, vector<1x16xf32>,
        %get3A_524 = vector.shape_cast %get3A_523 : vector<1x16xf32> to vector<16xf32>
        %add3A_525 = arith.addf %get3A_520, %get3A_524 : vector<16xf32>
        %swap3A_526 = arith.index_cast %add3A_488 : i32 to index
        %swap3A_527 = arith.constant 16 : index
        %swap3A_528 = tpu.vector_load %arg22[%swap3A_526, %swap3A_527] {strides = array<i32>} : memref<128x128xf32, #tpu.memory_space<vmem>>, vector<1x16xf32>,
        %swap3A_529 = vector.shape_cast %swap3A_528 : vector<1x16xf32> to vector<16xf32>
        %swap3A_530 = vector.shape_cast %add3A_525 : vector<16xf32> to vector<1x16xf32>
        tpu.vector_store %arg22[%swap3A_526, %swap3A_527], %swap3A_530 {strides = array<i32>} : memref<128x128xf32, #tpu.memory_space<vmem>>, vector<1x16xf32>,
        %get3A_531 = arith.index_cast %add3A_488 : i32 to index
        %get3A_532 = arith.constant 16 : index
        %get3A_533 = tpu.vector_load %arg16[%get3A_531, %get3A_532] {strides = array<i32>} : memref<128x64xf32, #tpu.memory_space<vmem>>, vector<1x16xf32>,
        %get3A_534 = vector.shape_cast %get3A_533 : vector<1x16xf32> to vector<16xf32>
        %get3A_535 = arith.index_cast %add3A_488 : i32 to index
        %get3A_536 = arith.constant 16 : index
        %get3A_537 = tpu.vector_load %arg17[%get3A_535, %get3A_536] {strides = array<i32>} : memref<128x64xf32, #tpu.memory_space<vmem>>, vector<1x16xf32>,
        %get3A_538 = vector.shape_cast %get3A_537 : vector<1x16xf32> to vector<16xf32>
        %add3A_539 = arith.addf %get3A_534, %get3A_538 : vector<16xf32>
        %swap3A_540 = arith.index_cast %add3A_488 : i32 to index
        %swap3A_541 = arith.constant 80 : index
        %swap3A_542 = tpu.vector_load %arg22[%swap3A_540, %swap3A_541] {strides = array<i32>} : memref<128x128xf32, #tpu.memory_space<vmem>>, vector<1x16xf32>,
        %swap3A_543 = vector.shape_cast %swap3A_542 : vector<1x16xf32> to vector<16xf32>
        %swap3A_544 = vector.shape_cast %add3A_539 : vector<16xf32> to vector<1x16xf32>
        tpu.vector_store %arg22[%swap3A_540, %swap3A_541], %swap3A_544 {strides = array<i32>} : memref<128x128xf32, #tpu.memory_space<vmem>>, vector<1x16xf32>,
        %get3A_545 = arith.index_cast %add3A_488 : i32 to index
        %get3A_546 = arith.constant 32 : index
        %get3A_547 = tpu.vector_load %arg14[%get3A_545, %get3A_546] {strides = array<i32>} : memref<128x64xf32, #tpu.memory_space<vmem>>, vector<1x16xf32>,
        %get3A_548 = vector.shape_cast %get3A_547 : vector<1x16xf32> to vector<16xf32>
        %get3A_549 = arith.index_cast %add3A_488 : i32 to index
        %get3A_550 = arith.constant 32 : index
        %get3A_551 = tpu.vector_load %arg15[%get3A_549, %get3A_550] {strides = array<i32>} : memref<128x64xf32, #tpu.memory_space<vmem>>, vector<1x16xf32>,
        %get3A_552 = vector.shape_cast %get3A_551 : vector<1x16xf32> to vector<16xf32>
        %add3A_553 = arith.addf %get3A_548, %get3A_552 : vector<16xf32>
        %swap3A_554 = arith.index_cast %add3A_488 : i32 to index
        %swap3A_555 = arith.constant 32 : index
        %swap3A_556 = tpu.vector_load %arg22[%swap3A_554, %swap3A_555] {strides = array<i32>} : memref<128x128xf32, #tpu.memory_space<vmem>>, vector<1x16xf32>,
        %swap3A_557 = vector.shape_cast %swap3A_556 : vector<1x16xf32> to vector<16xf32>
        %swap3A_558 = vector.shape_cast %add3A_553 : vector<16xf32> to vector<1x16xf32>
        tpu.vector_store %arg22[%swap3A_554, %swap3A_555], %swap3A_558 {strides = array<i32>} : memref<128x128xf32, #tpu.memory_space<vmem>>, vector<1x16xf32>,
        %get3A_559 = arith.index_cast %add3A_488 : i32 to index
        %get3A_560 = arith.constant 32 : index
        %get3A_561 = tpu.vector_load %arg16[%get3A_559, %get3A_560] {strides = array<i32>} : memref<128x64xf32, #tpu.memory_space<vmem>>, vector<1x16xf32>,
        %get3A_562 = vector.shape_cast %get3A_561 : vector<1x16xf32> to vector<16xf32>
        %get3A_563 = arith.index_cast %add3A_488 : i32 to index
        %get3A_564 = arith.constant 32 : index
        %get3A_565 = tpu.vector_load %arg17[%get3A_563, %get3A_564] {strides = array<i32>} : memref<128x64xf32, #tpu.memory_space<vmem>>, vector<1x16xf32>,
        %get3A_566 = vector.shape_cast %get3A_565 : vector<1x16xf32> to vector<16xf32>
        %add3A_567 = arith.addf %get3A_562, %get3A_566 : vector<16xf32>
        %swap3A_568 = arith.index_cast %add3A_488 : i32 to index
        %swap3A_569 = arith.constant 96 : index
        %swap3A_570 = tpu.vector_load %arg22[%swap3A_568, %swap3A_569] {strides = array<i32>} : memref<128x128xf32, #tpu.memory_space<vmem>>, vector<1x16xf32>,
        %swap3A_571 = vector.shape_cast %swap3A_570 : vector<1x16xf32> to vector<16xf32>
        %swap3A_572 = vector.shape_cast %add3A_567 : vector<16xf32> to vector<1x16xf32>
        tpu.vector_store %arg22[%swap3A_568, %swap3A_569], %swap3A_572 {strides = array<i32>} : memref<128x128xf32, #tpu.memory_space<vmem>>, vector<1x16xf32>,
        %get3A_573 = arith.index_cast %add3A_488 : i32 to index
        %get3A_574 = arith.constant 48 : index
        %get3A_575 = tpu.vector_load %arg14[%get3A_573, %get3A_574] {strides = array<i32>} : memref<128x64xf32, #tpu.memory_space<vmem>>, vector<1x16xf32>,
        %get3A_576 = vector.shape_cast %get3A_575 : vector<1x16xf32> to vector<16xf32>
        %get3A_577 = arith.index_cast %add3A_488 : i32 to index
        %get3A_578 = arith.constant 48 : index
        %get3A_579 = tpu.vector_load %arg15[%get3A_577, %get3A_578] {strides = array<i32>} : memref<128x64xf32, #tpu.memory_space<vmem>>, vector<1x16xf32>,
        %get3A_580 = vector.shape_cast %get3A_579 : vector<1x16xf32> to vector<16xf32>
        %add3A_581 = arith.addf %get3A_576, %get3A_580 : vector<16xf32>
        %swap3A_582 = arith.index_cast %add3A_488 : i32 to index
        %swap3A_583 = arith.constant 48 : index
        %swap3A_584 = tpu.vector_load %arg22[%swap3A_582, %swap3A_583] {strides = array<i32>} : memref<128x128xf32, #tpu.memory_space<vmem>>, vector<1x16xf32>,
        %swap3A_585 = vector.shape_cast %swap3A_584 : vector<1x16xf32> to vector<16xf32>
        %swap3A_586 = vector.shape_cast %add3A_581 : vector<16xf32> to vector<1x16xf32>
        tpu.vector_store %arg22[%swap3A_582, %swap3A_583], %swap3A_586 {strides = array<i32>} : memref<128x128xf32, #tpu.memory_space<vmem>>, vector<1x16xf32>,
        %get3A_587 = arith.index_cast %add3A_488 : i32 to index
        %get3A_588 = arith.constant 48 : index
        %get3A_589 = tpu.vector_load %arg16[%get3A_587, %get3A_588] {strides = array<i32>} : memref<128x64xf32, #tpu.memory_space<vmem>>, vector<1x16xf32>,
        %get3A_590 = vector.shape_cast %get3A_589 : vector<1x16xf32> to vector<16xf32>
        %get3A_591 = arith.index_cast %add3A_488 : i32 to index
        %get3A_592 = arith.constant 48 : index
        %get3A_593 = tpu.vector_load %arg17[%get3A_591, %get3A_592] {strides = array<i32>} : memref<128x64xf32, #tpu.memory_space<vmem>>, vector<1x16xf32>,
        %get3A_594 = vector.shape_cast %get3A_593 : vector<1x16xf32> to vector<16xf32>
        %add3A_595 = arith.addf %get3A_590, %get3A_594 : vector<16xf32>
        %swap3A_596 = arith.index_cast %add3A_488 : i32 to index
        %swap3A_597 = arith.constant 112 : index
        %swap3A_598 = tpu.vector_load %arg22[%swap3A_596, %swap3A_597] {strides = array<i32>} : memref<128x128xf32, #tpu.memory_space<vmem>>, vector<1x16xf32>,
        %swap3A_599 = vector.shape_cast %swap3A_598 : vector<1x16xf32> to vector<16xf32>
        %swap3A_600 = vector.shape_cast %add3A_595 : vector<16xf32> to vector<1x16xf32>
        tpu.vector_store %arg22[%swap3A_596, %swap3A_597], %swap3A_600 {strides = array<i32>} : memref<128x128xf32, #tpu.memory_space<vmem>>, vector<1x16xf32>,
      }
      %scan3A_98 = arith.constant 32 : i32
      %mul3A_99 = arith.constant 128 : i32
      %mul3A_100 = arith.muli %mul3A_75, %mul3A_99 : i32
      %add3A_101 = arith.addi %mul3A_2, %mul3A_100 : i32
      %dma_start3A_102 = arith.constant 0 : i32
      %dma_start3A_103 = tpu.memref_slice %arg7[%add3A_101, %dma_start3A_102] : memref<65536x128xf32, #tpu.memory_space<hbm>> -> memref<128x128xf32, #tpu.memory_space<hbm>>
      %dma_start3A_104 = arith.constant 0 : i32
      %dma_start3A_105 = tpu.memref_slice %arg7[%add3A_101, %dma_start3A_104] : memref<65536x128xf32, #tpu.memory_space<hbm>> -> memref<128x128xf32, #tpu.memory_space<hbm>>
      tpu.enqueue_dma source(%arg22 : memref<128x128xf32, #tpu.memory_space<vmem>>) target(%dma_start3A_105 : memref<128x128xf32, #tpu.memory_space<hbm>>) target_semaphore(%arg26 : memref<!tpu.dma_semaphore, #tpu.memory_space<semaphore_mem>>)
      %add3A_106 = arith.constant 1 : i32
      %add3A_107 = arith.addi %mul3A_75, %add3A_106 : i32
      %mul3A_108 = arith.constant 128 : i32
      %mul3A_109 = arith.muli %add3A_107, %mul3A_108 : i32
      %dma_wait3A_110 = tpu.memref_slice %arg10[%mul3A_109] : memref<2048xi32, #tpu.memory_space<vmem>> -> memref<128xi32, #tpu.memory_space<vmem>>
      %dma_wait3A_111 = arith.constant 0 : i32
      %dma_wait3A_112 = arith.constant 0 : i32
      %dma_wait3A_113 = tpu.memref_slice %arg2[%dma_wait3A_111, %dma_wait3A_112] : memref<2016x64xf32, #tpu.memory_space<hbm>> -> memref<2016x64xf32, #tpu.memory_space<hbm>>
      tpu.wait_indirect_dma semaphore(%arg25 : memref<!tpu.dma_semaphore, #tpu.memory_space<semaphore_mem>>) src(%dma_wait3A_113 : memref<2016x64xf32, #tpu.memory_space<hbm>>) dst(%arg18 : memref<128x64xf32, #tpu.memory_space<vmem>>)
      %dma_wait3A_114 = tpu.memref_slice %arg12[%mul3A_109] : memref<2048xi32, #tpu.memory_space<vmem>> -> memref<128xi32, #tpu.memory_space<vmem>>
      %dma_wait3A_115 = arith.constant 0 : i32
      %dma_wait3A_116 = arith.constant 0 : i32
      %dma_wait3A_117 = tpu.memref_slice %arg3[%dma_wait3A_115, %dma_wait3A_116] : memref<1024x64xf32, #tpu.memory_space<hbm>> -> memref<1024x64xf32, #tpu.memory_space<hbm>>
      tpu.wait_indirect_dma semaphore(%arg25 : memref<!tpu.dma_semaphore, #tpu.memory_space<semaphore_mem>>) src(%dma_wait3A_117 : memref<1024x64xf32, #tpu.memory_space<hbm>>) dst(%arg19 : memref<128x64xf32, #tpu.memory_space<vmem>>)
      %dma_wait3A_118 = tpu.memref_slice %arg11[%mul3A_109] : memref<2048xi32, #tpu.memory_space<vmem>> -> memref<128xi32, #tpu.memory_space<vmem>>
      %dma_wait3A_119 = arith.constant 0 : i32
      %dma_wait3A_120 = arith.constant 0 : i32
      %dma_wait3A_121 = tpu.memref_slice %arg2[%dma_wait3A_119, %dma_wait3A_120] : memref<2016x64xf32, #tpu.memory_space<hbm>> -> memref<2016x64xf32, #tpu.memory_space<hbm>>
      tpu.wait_indirect_dma semaphore(%arg25 : memref<!tpu.dma_semaphore, #tpu.memory_space<semaphore_mem>>) src(%dma_wait3A_121 : memref<2016x64xf32, #tpu.memory_space<hbm>>) dst(%arg20 : memref<128x64xf32, #tpu.memory_space<vmem>>)
      %dma_wait3A_122 = tpu.memref_slice %arg13[%mul3A_109] : memref<2048xi32, #tpu.memory_space<vmem>> -> memref<128xi32, #tpu.memory_space<vmem>>
      %dma_wait3A_123 = arith.constant 0 : i32
      %dma_wait3A_124 = arith.constant 0 : i32
      %dma_wait3A_125 = tpu.memref_slice %arg3[%dma_wait3A_123, %dma_wait3A_124] : memref<1024x64xf32, #tpu.memory_space<hbm>> -> memref<1024x64xf32, #tpu.memory_space<hbm>>
      tpu.wait_indirect_dma semaphore(%arg25 : memref<!tpu.dma_semaphore, #tpu.memory_space<semaphore_mem>>) src(%dma_wait3A_125 : memref<1024x64xf32, #tpu.memory_space<hbm>>) dst(%arg21 : memref<128x64xf32, #tpu.memory_space<vmem>>)
      %scan3A_126 = arith.constant 0 : i32
      %scan3A_127 = arith.constant 32 : i32
      %scan3A_128 = arith.addi %scan3A_126, %scan3A_127 : i32
      %scan3A_129 = arith.constant 1 : i32
      scf.for %scan3A_142 = %scan3A_126 to %scan3A_128 step %scan3A_129  : i32 {
        %mul3A_143 = arith.constant 4 : i32
        %mul3A_144 = arith.muli %scan3A_142, %mul3A_143 : i32
        %add3A_145 = arith.constant 0 : i32
        %add3A_146 = arith.addi %add3A_145, %mul3A_144 : i32
        %add3A_147 = arith.constant 0 : i32
        %add3A_148 = arith.addi %add3A_146, %add3A_147 : i32
        %get3A = arith.index_cast %add3A_148 : i32 to index
        %get3A_149 = arith.constant 0 : index
        %get3A_150 = tpu.vector_load %arg18[%get3A, %get3A_149] {strides = array<i32>} : memref<128x64xf32, #tpu.memory_space<vmem>>, vector<1x16xf32>,
        %get3A_151 = vector.shape_cast %get3A_150 : vector<1x16xf32> to vector<16xf32>
        %get3A_152 = arith.index_cast %add3A_148 : i32 to index
        %get3A_153 = arith.constant 0 : index
        %get3A_154 = tpu.vector_load %arg19[%get3A_152, %get3A_153] {strides = array<i32>} : memref<128x64xf32, #tpu.memory_space<vmem>>, vector<1x16xf32>,
        %get3A_155 = vector.shape_cast %get3A_154 : vector<1x16xf32> to vector<16xf32>
        %add3A_156 = arith.addf %get3A_151, %get3A_155 : vector<16xf32>
        %swap3A = arith.index_cast %add3A_148 : i32 to index
        %swap3A_157 = arith.constant 0 : index
        %swap3A_158 = tpu.vector_load %arg23[%swap3A, %swap3A_157] {strides = array<i32>} : memref<128x128xf32, #tpu.memory_space<vmem>>, vector<1x16xf32>,
        %swap3A_159 = vector.shape_cast %swap3A_158 : vector<1x16xf32> to vector<16xf32>
        %swap3A_160 = vector.shape_cast %add3A_156 : vector<16xf32> to vector<1x16xf32>
        tpu.vector_store %arg23[%swap3A, %swap3A_157], %swap3A_160 {strides = array<i32>} : memref<128x128xf32, #tpu.memory_space<vmem>>, vector<1x16xf32>,
        %get3A_161 = arith.index_cast %add3A_148 : i32 to index
        %get3A_162 = arith.constant 0 : index
        %get3A_163 = tpu.vector_load %arg20[%get3A_161, %get3A_162] {strides = array<i32>} : memref<128x64xf32, #tpu.memory_space<vmem>>, vector<1x16xf32>,
        %get3A_164 = vector.shape_cast %get3A_163 : vector<1x16xf32> to vector<16xf32>
        %get3A_165 = arith.index_cast %add3A_148 : i32 to index
        %get3A_166 = arith.constant 0 : index
        %get3A_167 = tpu.vector_load %arg21[%get3A_165, %get3A_166] {strides = array<i32>} : memref<128x64xf32, #tpu.memory_space<vmem>>, vector<1x16xf32>,
        %get3A_168 = vector.shape_cast %get3A_167 : vector<1x16xf32> to vector<16xf32>
        %add3A_169 = arith.addf %get3A_164, %get3A_168 : vector<16xf32>
        %swap3A_170 = arith.index_cast %add3A_148 : i32 to index
        %swap3A_171 = arith.constant 64 : index
        %swap3A_172 = tpu.vector_load %arg23[%swap3A_170, %swap3A_171] {strides = array<i32>} : memref<128x128xf32, #tpu.memory_space<vmem>>, vector<1x16xf32>,
        %swap3A_173 = vector.shape_cast %swap3A_172 : vector<1x16xf32> to vector<16xf32>
        %swap3A_174 = vector.shape_cast %add3A_169 : vector<16xf32> to vector<1x16xf32>
        tpu.vector_store %arg23[%swap3A_170, %swap3A_171], %swap3A_174 {strides = array<i32>} : memref<128x128xf32, #tpu.memory_space<vmem>>, vector<1x16xf32>,
        %get3A_175 = arith.index_cast %add3A_148 : i32 to index
        %get3A_176 = arith.constant 16 : index
        %get3A_177 = tpu.vector_load %arg18[%get3A_175, %get3A_176] {strides = array<i32>} : memref<128x64xf32, #tpu.memory_space<vmem>>, vector<1x16xf32>,
        %get3A_178 = vector.shape_cast %get3A_177 : vector<1x16xf32> to vector<16xf32>
        %get3A_179 = arith.index_cast %add3A_148 : i32 to index
        %get3A_180 = arith.constant 16 : index
        %get3A_181 = tpu.vector_load %arg19[%get3A_179, %get3A_180] {strides = array<i32>} : memref<128x64xf32, #tpu.memory_space<vmem>>, vector<1x16xf32>,
        %get3A_182 = vector.shape_cast %get3A_181 : vector<1x16xf32> to vector<16xf32>
        %add3A_183 = arith.addf %get3A_178, %get3A_182 : vector<16xf32>
        %swap3A_184 = arith.index_cast %add3A_148 : i32 to index
        %swap3A_185 = arith.constant 16 : index
        %swap3A_186 = tpu.vector_load %arg23[%swap3A_184, %swap3A_185] {strides = array<i32>} : memref<128x128xf32, #tpu.memory_space<vmem>>, vector<1x16xf32>,
        %swap3A_187 = vector.shape_cast %swap3A_186 : vector<1x16xf32> to vector<16xf32>
        %swap3A_188 = vector.shape_cast %add3A_183 : vector<16xf32> to vector<1x16xf32>
        tpu.vector_store %arg23[%swap3A_184, %swap3A_185], %swap3A_188 {strides = array<i32>} : memref<128x128xf32, #tpu.memory_space<vmem>>, vector<1x16xf32>,
        %get3A_189 = arith.index_cast %add3A_148 : i32 to index
        %get3A_190 = arith.constant 16 : index
        %get3A_191 = tpu.vector_load %arg20[%get3A_189, %get3A_190] {strides = array<i32>} : memref<128x64xf32, #tpu.memory_space<vmem>>, vector<1x16xf32>,
        %get3A_192 = vector.shape_cast %get3A_191 : vector<1x16xf32> to vector<16xf32>
        %get3A_193 = arith.index_cast %add3A_148 : i32 to index
        %get3A_194 = arith.constant 16 : index
        %get3A_195 = tpu.vector_load %arg21[%get3A_193, %get3A_194] {strides = array<i32>} : memref<128x64xf32, #tpu.memory_space<vmem>>, vector<1x16xf32>,
        %get3A_196 = vector.shape_cast %get3A_195 : vector<1x16xf32> to vector<16xf32>
        %add3A_197 = arith.addf %get3A_192, %get3A_196 : vector<16xf32>
        %swap3A_198 = arith.index_cast %add3A_148 : i32 to index
        %swap3A_199 = arith.constant 80 : index
        %swap3A_200 = tpu.vector_load %arg23[%swap3A_198, %swap3A_199] {strides = array<i32>} : memref<128x128xf32, #tpu.memory_space<vmem>>, vector<1x16xf32>,
        %swap3A_201 = vector.shape_cast %swap3A_200 : vector<1x16xf32> to vector<16xf32>
        %swap3A_202 = vector.shape_cast %add3A_197 : vector<16xf32> to vector<1x16xf32>
        tpu.vector_store %arg23[%swap3A_198, %swap3A_199], %swap3A_202 {strides = array<i32>} : memref<128x128xf32, #tpu.memory_space<vmem>>, vector<1x16xf32>,
        %get3A_203 = arith.index_cast %add3A_148 : i32 to index
        %get3A_204 = arith.constant 32 : index
        %get3A_205 = tpu.vector_load %arg18[%get3A_203, %get3A_204] {strides = array<i32>} : memref<128x64xf32, #tpu.memory_space<vmem>>, vector<1x16xf32>,
        %get3A_206 = vector.shape_cast %get3A_205 : vector<1x16xf32> to vector<16xf32>
        %get3A_207 = arith.index_cast %add3A_148 : i32 to index
        %get3A_208 = arith.constant 32 : index
        %get3A_209 = tpu.vector_load %arg19[%get3A_207, %get3A_208] {strides = array<i32>} : memref<128x64xf32, #tpu.memory_space<vmem>>, vector<1x16xf32>,
        %get3A_210 = vector.shape_cast %get3A_209 : vector<1x16xf32> to vector<16xf32>
        %add3A_211 = arith.addf %get3A_206, %get3A_210 : vector<16xf32>
        %swap3A_212 = arith.index_cast %add3A_148 : i32 to index
        %swap3A_213 = arith.constant 32 : index
        %swap3A_214 = tpu.vector_load %arg23[%swap3A_212, %swap3A_213] {strides = array<i32>} : memref<128x128xf32, #tpu.memory_space<vmem>>, vector<1x16xf32>,
        %swap3A_215 = vector.shape_cast %swap3A_214 : vector<1x16xf32> to vector<16xf32>
        %swap3A_216 = vector.shape_cast %add3A_211 : vector<16xf32> to vector<1x16xf32>
        tpu.vector_store %arg23[%swap3A_212, %swap3A_213], %swap3A_216 {strides = array<i32>} : memref<128x128xf32, #tpu.memory_space<vmem>>, vector<1x16xf32>,
        %get3A_217 = arith.index_cast %add3A_148 : i32 to index
        %get3A_218 = arith.constant 32 : index
        %get3A_219 = tpu.vector_load %arg20[%get3A_217, %get3A_218] {strides = array<i32>} : memref<128x64xf32, #tpu.memory_space<vmem>>, vector<1x16xf32>,
        %get3A_220 = vector.shape_cast %get3A_219 : vector<1x16xf32> to vector<16xf32>
        %get3A_221 = arith.index_cast %add3A_148 : i32 to index
        %get3A_222 = arith.constant 32 : index
        %get3A_223 = tpu.vector_load %arg21[%get3A_221, %get3A_222] {strides = array<i32>} : memref<128x64xf32, #tpu.memory_space<vmem>>, vector<1x16xf32>,
        %get3A_224 = vector.shape_cast %get3A_223 : vector<1x16xf32> to vector<16xf32>
        %add3A_225 = arith.addf %get3A_220, %get3A_224 : vector<16xf32>
        %swap3A_226 = arith.index_cast %add3A_148 : i32 to index
        %swap3A_227 = arith.constant 96 : index
        %swap3A_228 = tpu.vector_load %arg23[%swap3A_226, %swap3A_227] {strides = array<i32>} : memref<128x128xf32, #tpu.memory_space<vmem>>, vector<1x16xf32>,
        %swap3A_229 = vector.shape_cast %swap3A_228 : vector<1x16xf32> to vector<16xf32>
        %swap3A_230 = vector.shape_cast %add3A_225 : vector<16xf32> to vector<1x16xf32>
        tpu.vector_store %arg23[%swap3A_226, %swap3A_227], %swap3A_230 {strides = array<i32>} : memref<128x128xf32, #tpu.memory_space<vmem>>, vector<1x16xf32>,
        %get3A_231 = arith.index_cast %add3A_148 : i32 to index
        %get3A_232 = arith.constant 48 : index
        %get3A_233 = tpu.vector_load %arg18[%get3A_231, %get3A_232] {strides = array<i32>} : memref<128x64xf32, #tpu.memory_space<vmem>>, vector<1x16xf32>,
        %get3A_234 = vector.shape_cast %get3A_233 : vector<1x16xf32> to vector<16xf32>
        %get3A_235 = arith.index_cast %add3A_148 : i32 to index
        %get3A_236 = arith.constant 48 : index
        %get3A_237 = tpu.vector_load %arg19[%get3A_235, %get3A_236] {strides = array<i32>} : memref<128x64xf32, #tpu.memory_space<vmem>>, vector<1x16xf32>,
        %get3A_238 = vector.shape_cast %get3A_237 : vector<1x16xf32> to vector<16xf32>
        %add3A_239 = arith.addf %get3A_234, %get3A_238 : vector<16xf32>
        %swap3A_240 = arith.index_cast %add3A_148 : i32 to index
        %swap3A_241 = arith.constant 48 : index
        %swap3A_242 = tpu.vector_load %arg23[%swap3A_240, %swap3A_241] {strides = array<i32>} : memref<128x128xf32, #tpu.memory_space<vmem>>, vector<1x16xf32>,
        %swap3A_243 = vector.shape_cast %swap3A_242 : vector<1x16xf32> to vector<16xf32>
        %swap3A_244 = vector.shape_cast %add3A_239 : vector<16xf32> to vector<1x16xf32>
        tpu.vector_store %arg23[%swap3A_240, %swap3A_241], %swap3A_244 {strides = array<i32>} : memref<128x128xf32, #tpu.memory_space<vmem>>, vector<1x16xf32>,
        %get3A_245 = arith.index_cast %add3A_148 : i32 to index
        %get3A_246 = arith.constant 48 : index
        %get3A_247 = tpu.vector_load %arg20[%get3A_245, %get3A_246] {strides = array<i32>} : memref<128x64xf32, #tpu.memory_space<vmem>>, vector<1x16xf32>,
        %get3A_248 = vector.shape_cast %get3A_247 : vector<1x16xf32> to vector<16xf32>
        %get3A_249 = arith.index_cast %add3A_148 : i32 to index
        %get3A_250 = arith.constant 48 : index
        %get3A_251 = tpu.vector_load %arg21[%get3A_249, %get3A_250] {strides = array<i32>} : memref<128x64xf32, #tpu.memory_space<vmem>>, vector<1x16xf32>,
        %get3A_252 = vector.shape_cast %get3A_251 : vector<1x16xf32> to vector<16xf32>
        %add3A_253 = arith.addf %get3A_248, %get3A_252 : vector<16xf32>
        %swap3A_254 = arith.index_cast %add3A_148 : i32 to index
        %swap3A_255 = arith.constant 112 : index
        %swap3A_256 = tpu.vector_load %arg23[%swap3A_254, %swap3A_255] {strides = array<i32>} : memref<128x128xf32, #tpu.memory_space<vmem>>, vector<1x16xf32>,
        %swap3A_257 = vector.shape_cast %swap3A_256 : vector<1x16xf32> to vector<16xf32>
        %swap3A_258 = vector.shape_cast %add3A_253 : vector<16xf32> to vector<1x16xf32>
        tpu.vector_store %arg23[%swap3A_254, %swap3A_255], %swap3A_258 {strides = array<i32>} : memref<128x128xf32, #tpu.memory_space<vmem>>, vector<1x16xf32>,
        %add3A_259 = arith.constant 1 : i32
        %add3A_260 = arith.addi %add3A_146, %add3A_259 : i32
        %get3A_261 = arith.index_cast %add3A_260 : i32 to index
        %get3A_262 = arith.constant 0 : index
        %get3A_263 = tpu.vector_load %arg18[%get3A_261, %get3A_262] {strides = array<i32>} : memref<128x64xf32, #tpu.memory_space<vmem>>, vector<1x16xf32>,
        %get3A_264 = vector.shape_cast %get3A_263 : vector<1x16xf32> to vector<16xf32>
        %get3A_265 = arith.index_cast %add3A_260 : i32 to index
        %get3A_266 = arith.constant 0 : index
        %get3A_267 = tpu.vector_load %arg19[%get3A_265, %get3A_266] {strides = array<i32>} : memref<128x64xf32, #tpu.memory_space<vmem>>, vector<1x16xf32>,
        %get3A_268 = vector.shape_cast %get3A_267 : vector<1x16xf32> to vector<16xf32>
        %add3A_269 = arith.addf %get3A_264, %get3A_268 : vector<16xf32>
        %swap3A_270 = arith.index_cast %add3A_260 : i32 to index
        %swap3A_271 = arith.constant 0 : index
        %swap3A_272 = tpu.vector_load %arg23[%swap3A_270, %swap3A_271] {strides = array<i32>} : memref<128x128xf32, #tpu.memory_space<vmem>>, vector<1x16xf32>,
        %swap3A_273 = vector.shape_cast %swap3A_272 : vector<1x16xf32> to vector<16xf32>
        %swap3A_274 = vector.shape_cast %add3A_269 : vector<16xf32> to vector<1x16xf32>
        tpu.vector_store %arg23[%swap3A_270, %swap3A_271], %swap3A_274 {strides = array<i32>} : memref<128x128xf32, #tpu.memory_space<vmem>>, vector<1x16xf32>,
        %get3A_275 = arith.index_cast %add3A_260 : i32 to index
        %get3A_276 = arith.constant 0 : index
        %get3A_277 = tpu.vector_load %arg20[%get3A_275, %get3A_276] {strides = array<i32>} : memref<128x64xf32, #tpu.memory_space<vmem>>, vector<1x16xf32>,
        %get3A_278 = vector.shape_cast %get3A_277 : vector<1x16xf32> to vector<16xf32>
        %get3A_279 = arith.index_cast %add3A_260 : i32 to index
        %get3A_280 = arith.constant 0 : index
        %get3A_281 = tpu.vector_load %arg21[%get3A_279, %get3A_280] {strides = array<i32>} : memref<128x64xf32, #tpu.memory_space<vmem>>, vector<1x16xf32>,
        %get3A_282 = vector.shape_cast %get3A_281 : vector<1x16xf32> to vector<16xf32>
        %add3A_283 = arith.addf %get3A_278, %get3A_282 : vector<16xf32>
        %swap3A_284 = arith.index_cast %add3A_260 : i32 to index
        %swap3A_285 = arith.constant 64 : index
        %swap3A_286 = tpu.vector_load %arg23[%swap3A_284, %swap3A_285] {strides = array<i32>} : memref<128x128xf32, #tpu.memory_space<vmem>>, vector<1x16xf32>,
        %swap3A_287 = vector.shape_cast %swap3A_286 : vector<1x16xf32> to vector<16xf32>
        %swap3A_288 = vector.shape_cast %add3A_283 : vector<16xf32> to vector<1x16xf32>
        tpu.vector_store %arg23[%swap3A_284, %swap3A_285], %swap3A_288 {strides = array<i32>} : memref<128x128xf32, #tpu.memory_space<vmem>>, vector<1x16xf32>,
        %get3A_289 = arith.index_cast %add3A_260 : i32 to index
        %get3A_290 = arith.constant 16 : index
        %get3A_291 = tpu.vector_load %arg18[%get3A_289, %get3A_290] {strides = array<i32>} : memref<128x64xf32, #tpu.memory_space<vmem>>, vector<1x16xf32>,
        %get3A_292 = vector.shape_cast %get3A_291 : vector<1x16xf32> to vector<16xf32>
        %get3A_293 = arith.index_cast %add3A_260 : i32 to index
        %get3A_294 = arith.constant 16 : index
        %get3A_295 = tpu.vector_load %arg19[%get3A_293, %get3A_294] {strides = array<i32>} : memref<128x64xf32, #tpu.memory_space<vmem>>, vector<1x16xf32>,
        %get3A_296 = vector.shape_cast %get3A_295 : vector<1x16xf32> to vector<16xf32>
        %add3A_297 = arith.addf %get3A_292, %get3A_296 : vector<16xf32>
        %swap3A_298 = arith.index_cast %add3A_260 : i32 to index
        %swap3A_299 = arith.constant 16 : index
        %swap3A_300 = tpu.vector_load %arg23[%swap3A_298, %swap3A_299] {strides = array<i32>} : memref<128x128xf32, #tpu.memory_space<vmem>>, vector<1x16xf32>,
        %swap3A_301 = vector.shape_cast %swap3A_300 : vector<1x16xf32> to vector<16xf32>
        %swap3A_302 = vector.shape_cast %add3A_297 : vector<16xf32> to vector<1x16xf32>
        tpu.vector_store %arg23[%swap3A_298, %swap3A_299], %swap3A_302 {strides = array<i32>} : memref<128x128xf32, #tpu.memory_space<vmem>>, vector<1x16xf32>,
        %get3A_303 = arith.index_cast %add3A_260 : i32 to index
        %get3A_304 = arith.constant 16 : index
        %get3A_305 = tpu.vector_load %arg20[%get3A_303, %get3A_304] {strides = array<i32>} : memref<128x64xf32, #tpu.memory_space<vmem>>, vector<1x16xf32>,
        %get3A_306 = vector.shape_cast %get3A_305 : vector<1x16xf32> to vector<16xf32>
        %get3A_307 = arith.index_cast %add3A_260 : i32 to index
        %get3A_308 = arith.constant 16 : index
        %get3A_309 = tpu.vector_load %arg21[%get3A_307, %get3A_308] {strides = array<i32>} : memref<128x64xf32, #tpu.memory_space<vmem>>, vector<1x16xf32>,
        %get3A_310 = vector.shape_cast %get3A_309 : vector<1x16xf32> to vector<16xf32>
        %add3A_311 = arith.addf %get3A_306, %get3A_310 : vector<16xf32>
        %swap3A_312 = arith.index_cast %add3A_260 : i32 to index
        %swap3A_313 = arith.constant 80 : index
        %swap3A_314 = tpu.vector_load %arg23[%swap3A_312, %swap3A_313] {strides = array<i32>} : memref<128x128xf32, #tpu.memory_space<vmem>>, vector<1x16xf32>,
        %swap3A_315 = vector.shape_cast %swap3A_314 : vector<1x16xf32> to vector<16xf32>
        %swap3A_316 = vector.shape_cast %add3A_311 : vector<16xf32> to vector<1x16xf32>
        tpu.vector_store %arg23[%swap3A_312, %swap3A_313], %swap3A_316 {strides = array<i32>} : memref<128x128xf32, #tpu.memory_space<vmem>>, vector<1x16xf32>,
        %get3A_317 = arith.index_cast %add3A_260 : i32 to index
        %get3A_318 = arith.constant 32 : index
        %get3A_319 = tpu.vector_load %arg18[%get3A_317, %get3A_318] {strides = array<i32>} : memref<128x64xf32, #tpu.memory_space<vmem>>, vector<1x16xf32>,
        %get3A_320 = vector.shape_cast %get3A_319 : vector<1x16xf32> to vector<16xf32>
        %get3A_321 = arith.index_cast %add3A_260 : i32 to index
        %get3A_322 = arith.constant 32 : index
        %get3A_323 = tpu.vector_load %arg19[%get3A_321, %get3A_322] {strides = array<i32>} : memref<128x64xf32, #tpu.memory_space<vmem>>, vector<1x16xf32>,
        %get3A_324 = vector.shape_cast %get3A_323 : vector<1x16xf32> to vector<16xf32>
        %add3A_325 = arith.addf %get3A_320, %get3A_324 : vector<16xf32>
        %swap3A_326 = arith.index_cast %add3A_260 : i32 to index
        %swap3A_327 = arith.constant 32 : index
        %swap3A_328 = tpu.vector_load %arg23[%swap3A_326, %swap3A_327] {strides = array<i32>} : memref<128x128xf32, #tpu.memory_space<vmem>>, vector<1x16xf32>,
        %swap3A_329 = vector.shape_cast %swap3A_328 : vector<1x16xf32> to vector<16xf32>
        %swap3A_330 = vector.shape_cast %add3A_325 : vector<16xf32> to vector<1x16xf32>
        tpu.vector_store %arg23[%swap3A_326, %swap3A_327], %swap3A_330 {strides = array<i32>} : memref<128x128xf32, #tpu.memory_space<vmem>>, vector<1x16xf32>,
        %get3A_331 = arith.index_cast %add3A_260 : i32 to index
        %get3A_332 = arith.constant 32 : index
        %get3A_333 = tpu.vector_load %arg20[%get3A_331, %get3A_332] {strides = array<i32>} : memref<128x64xf32, #tpu.memory_space<vmem>>, vector<1x16xf32>,
        %get3A_334 = vector.shape_cast %get3A_333 : vector<1x16xf32> to vector<16xf32>
        %get3A_335 = arith.index_cast %add3A_260 : i32 to index
        %get3A_336 = arith.constant 32 : index
        %get3A_337 = tpu.vector_load %arg21[%get3A_335, %get3A_336] {strides = array<i32>} : memref<128x64xf32, #tpu.memory_space<vmem>>, vector<1x16xf32>,
        %get3A_338 = vector.shape_cast %get3A_337 : vector<1x16xf32> to vector<16xf32>
        %add3A_339 = arith.addf %get3A_334, %get3A_338 : vector<16xf32>
        %swap3A_340 = arith.index_cast %add3A_260 : i32 to index
        %swap3A_341 = arith.constant 96 : index
        %swap3A_342 = tpu.vector_load %arg23[%swap3A_340, %swap3A_341] {strides = array<i32>} : memref<128x128xf32, #tpu.memory_space<vmem>>, vector<1x16xf32>,
        %swap3A_343 = vector.shape_cast %swap3A_342 : vector<1x16xf32> to vector<16xf32>
        %swap3A_344 = vector.shape_cast %add3A_339 : vector<16xf32> to vector<1x16xf32>
        tpu.vector_store %arg23[%swap3A_340, %swap3A_341], %swap3A_344 {strides = array<i32>} : memref<128x128xf32, #tpu.memory_space<vmem>>, vector<1x16xf32>,
        %get3A_345 = arith.index_cast %add3A_260 : i32 to index
        %get3A_346 = arith.constant 48 : index
        %get3A_347 = tpu.vector_load %arg18[%get3A_345, %get3A_346] {strides = array<i32>} : memref<128x64xf32, #tpu.memory_space<vmem>>, vector<1x16xf32>,
        %get3A_348 = vector.shape_cast %get3A_347 : vector<1x16xf32> to vector<16xf32>
        %get3A_349 = arith.index_cast %add3A_260 : i32 to index
        %get3A_350 = arith.constant 48 : index
        %get3A_351 = tpu.vector_load %arg19[%get3A_349, %get3A_350] {strides = array<i32>} : memref<128x64xf32, #tpu.memory_space<vmem>>, vector<1x16xf32>,
        %get3A_352 = vector.shape_cast %get3A_351 : vector<1x16xf32> to vector<16xf32>
        %add3A_353 = arith.addf %get3A_348, %get3A_352 : vector<16xf32>
        %swap3A_354 = arith.index_cast %add3A_260 : i32 to index
        %swap3A_355 = arith.constant 48 : index
        %swap3A_356 = tpu.vector_load %arg23[%swap3A_354, %swap3A_355] {strides = array<i32>} : memref<128x128xf32, #tpu.memory_space<vmem>>, vector<1x16xf32>,
        %swap3A_357 = vector.shape_cast %swap3A_356 : vector<1x16xf32> to vector<16xf32>
        %swap3A_358 = vector.shape_cast %add3A_353 : vector<16xf32> to vector<1x16xf32>
        tpu.vector_store %arg23[%swap3A_354, %swap3A_355], %swap3A_358 {strides = array<i32>} : memref<128x128xf32, #tpu.memory_space<vmem>>, vector<1x16xf32>,
        %get3A_359 = arith.index_cast %add3A_260 : i32 to index
        %get3A_360 = arith.constant 48 : index
        %get3A_361 = tpu.vector_load %arg20[%get3A_359, %get3A_360] {strides = array<i32>} : memref<128x64xf32, #tpu.memory_space<vmem>>, vector<1x16xf32>,
        %get3A_362 = vector.shape_cast %get3A_361 : vector<1x16xf32> to vector<16xf32>
        %get3A_363 = arith.index_cast %add3A_260 : i32 to index
        %get3A_364 = arith.constant 48 : index
        %get3A_365 = tpu.vector_load %arg21[%get3A_363, %get3A_364] {strides = array<i32>} : memref<128x64xf32, #tpu.memory_space<vmem>>, vector<1x16xf32>,
        %get3A_366 = vector.shape_cast %get3A_365 : vector<1x16xf32> to vector<16xf32>
        %add3A_367 = arith.addf %get3A_362, %get3A_366 : vector<16xf32>
        %swap3A_368 = arith.index_cast %add3A_260 : i32 to index
        %swap3A_369 = arith.constant 112 : index
        %swap3A_370 = tpu.vector_load %arg23[%swap3A_368, %swap3A_369] {strides = array<i32>} : memref<128x128xf32, #tpu.memory_space<vmem>>, vector<1x16xf32>,
        %swap3A_371 = vector.shape_cast %swap3A_370 : vector<1x16xf32> to vector<16xf32>
        %swap3A_372 = vector.shape_cast %add3A_367 : vector<16xf32> to vector<1x16xf32>
        tpu.vector_store %arg23[%swap3A_368, %swap3A_369], %swap3A_372 {strides = array<i32>} : memref<128x128xf32, #tpu.memory_space<vmem>>, vector<1x16xf32>,
        %add3A_373 = arith.constant 2 : i32
        %add3A_374 = arith.addi %add3A_146, %add3A_373 : i32
        %get3A_375 = arith.index_cast %add3A_374 : i32 to index
        %get3A_376 = arith.constant 0 : index
        %get3A_377 = tpu.vector_load %arg18[%get3A_375, %get3A_376] {strides = array<i32>} : memref<128x64xf32, #tpu.memory_space<vmem>>, vector<1x16xf32>,
        %get3A_378 = vector.shape_cast %get3A_377 : vector<1x16xf32> to vector<16xf32>
        %get3A_379 = arith.index_cast %add3A_374 : i32 to index
        %get3A_380 = arith.constant 0 : index
        %get3A_381 = tpu.vector_load %arg19[%get3A_379, %get3A_380] {strides = array<i32>} : memref<128x64xf32, #tpu.memory_space<vmem>>, vector<1x16xf32>,
        %get3A_382 = vector.shape_cast %get3A_381 : vector<1x16xf32> to vector<16xf32>
        %add3A_383 = arith.addf %get3A_378, %get3A_382 : vector<16xf32>
        %swap3A_384 = arith.index_cast %add3A_374 : i32 to index
        %swap3A_385 = arith.constant 0 : index
        %swap3A_386 = tpu.vector_load %arg23[%swap3A_384, %swap3A_385] {strides = array<i32>} : memref<128x128xf32, #tpu.memory_space<vmem>>, vector<1x16xf32>,
        %swap3A_387 = vector.shape_cast %swap3A_386 : vector<1x16xf32> to vector<16xf32>
        %swap3A_388 = vector.shape_cast %add3A_383 : vector<16xf32> to vector<1x16xf32>
        tpu.vector_store %arg23[%swap3A_384, %swap3A_385], %swap3A_388 {strides = array<i32>} : memref<128x128xf32, #tpu.memory_space<vmem>>, vector<1x16xf32>,
        %get3A_389 = arith.index_cast %add3A_374 : i32 to index
        %get3A_390 = arith.constant 0 : index
        %get3A_391 = tpu.vector_load %arg20[%get3A_389, %get3A_390] {strides = array<i32>} : memref<128x64xf32, #tpu.memory_space<vmem>>, vector<1x16xf32>,
        %get3A_392 = vector.shape_cast %get3A_391 : vector<1x16xf32> to vector<16xf32>
        %get3A_393 = arith.index_cast %add3A_374 : i32 to index
        %get3A_394 = arith.constant 0 : index
        %get3A_395 = tpu.vector_load %arg21[%get3A_393, %get3A_394] {strides = array<i32>} : memref<128x64xf32, #tpu.memory_space<vmem>>, vector<1x16xf32>,
        %get3A_396 = vector.shape_cast %get3A_395 : vector<1x16xf32> to vector<16xf32>
        %add3A_397 = arith.addf %get3A_392, %get3A_396 : vector<16xf32>
        %swap3A_398 = arith.index_cast %add3A_374 : i32 to index
        %swap3A_399 = arith.constant 64 : index
        %swap3A_400 = tpu.vector_load %arg23[%swap3A_398, %swap3A_399] {strides = array<i32>} : memref<128x128xf32, #tpu.memory_space<vmem>>, vector<1x16xf32>,
        %swap3A_401 = vector.shape_cast %swap3A_400 : vector<1x16xf32> to vector<16xf32>
        %swap3A_402 = vector.shape_cast %add3A_397 : vector<16xf32> to vector<1x16xf32>
        tpu.vector_store %arg23[%swap3A_398, %swap3A_399], %swap3A_402 {strides = array<i32>} : memref<128x128xf32, #tpu.memory_space<vmem>>, vector<1x16xf32>,
        %get3A_403 = arith.index_cast %add3A_374 : i32 to index
        %get3A_404 = arith.constant 16 : index
        %get3A_405 = tpu.vector_load %arg18[%get3A_403, %get3A_404] {strides = array<i32>} : memref<128x64xf32, #tpu.memory_space<vmem>>, vector<1x16xf32>,
        %get3A_406 = vector.shape_cast %get3A_405 : vector<1x16xf32> to vector<16xf32>
        %get3A_407 = arith.index_cast %add3A_374 : i32 to index
        %get3A_408 = arith.constant 16 : index
        %get3A_409 = tpu.vector_load %arg19[%get3A_407, %get3A_408] {strides = array<i32>} : memref<128x64xf32, #tpu.memory_space<vmem>>, vector<1x16xf32>,
        %get3A_410 = vector.shape_cast %get3A_409 : vector<1x16xf32> to vector<16xf32>
        %add3A_411 = arith.addf %get3A_406, %get3A_410 : vector<16xf32>
        %swap3A_412 = arith.index_cast %add3A_374 : i32 to index
        %swap3A_413 = arith.constant 16 : index
        %swap3A_414 = tpu.vector_load %arg23[%swap3A_412, %swap3A_413] {strides = array<i32>} : memref<128x128xf32, #tpu.memory_space<vmem>>, vector<1x16xf32>,
        %swap3A_415 = vector.shape_cast %swap3A_414 : vector<1x16xf32> to vector<16xf32>
        %swap3A_416 = vector.shape_cast %add3A_411 : vector<16xf32> to vector<1x16xf32>
        tpu.vector_store %arg23[%swap3A_412, %swap3A_413], %swap3A_416 {strides = array<i32>} : memref<128x128xf32, #tpu.memory_space<vmem>>, vector<1x16xf32>,
        %get3A_417 = arith.index_cast %add3A_374 : i32 to index
        %get3A_418 = arith.constant 16 : index
        %get3A_419 = tpu.vector_load %arg20[%get3A_417, %get3A_418] {strides = array<i32>} : memref<128x64xf32, #tpu.memory_space<vmem>>, vector<1x16xf32>,
        %get3A_420 = vector.shape_cast %get3A_419 : vector<1x16xf32> to vector<16xf32>
        %get3A_421 = arith.index_cast %add3A_374 : i32 to index
        %get3A_422 = arith.constant 16 : index
        %get3A_423 = tpu.vector_load %arg21[%get3A_421, %get3A_422] {strides = array<i32>} : memref<128x64xf32, #tpu.memory_space<vmem>>, vector<1x16xf32>,
        %get3A_424 = vector.shape_cast %get3A_423 : vector<1x16xf32> to vector<16xf32>
        %add3A_425 = arith.addf %get3A_420, %get3A_424 : vector<16xf32>
        %swap3A_426 = arith.index_cast %add3A_374 : i32 to index
        %swap3A_427 = arith.constant 80 : index
        %swap3A_428 = tpu.vector_load %arg23[%swap3A_426, %swap3A_427] {strides = array<i32>} : memref<128x128xf32, #tpu.memory_space<vmem>>, vector<1x16xf32>,
        %swap3A_429 = vector.shape_cast %swap3A_428 : vector<1x16xf32> to vector<16xf32>
        %swap3A_430 = vector.shape_cast %add3A_425 : vector<16xf32> to vector<1x16xf32>
        tpu.vector_store %arg23[%swap3A_426, %swap3A_427], %swap3A_430 {strides = array<i32>} : memref<128x128xf32, #tpu.memory_space<vmem>>, vector<1x16xf32>,
        %get3A_431 = arith.index_cast %add3A_374 : i32 to index
        %get3A_432 = arith.constant 32 : index
        %get3A_433 = tpu.vector_load %arg18[%get3A_431, %get3A_432] {strides = array<i32>} : memref<128x64xf32, #tpu.memory_space<vmem>>, vector<1x16xf32>,
        %get3A_434 = vector.shape_cast %get3A_433 : vector<1x16xf32> to vector<16xf32>
        %get3A_435 = arith.index_cast %add3A_374 : i32 to index
        %get3A_436 = arith.constant 32 : index
        %get3A_437 = tpu.vector_load %arg19[%get3A_435, %get3A_436] {strides = array<i32>} : memref<128x64xf32, #tpu.memory_space<vmem>>, vector<1x16xf32>,
        %get3A_438 = vector.shape_cast %get3A_437 : vector<1x16xf32> to vector<16xf32>
        %add3A_439 = arith.addf %get3A_434, %get3A_438 : vector<16xf32>
        %swap3A_440 = arith.index_cast %add3A_374 : i32 to index
        %swap3A_441 = arith.constant 32 : index
        %swap3A_442 = tpu.vector_load %arg23[%swap3A_440, %swap3A_441] {strides = array<i32>} : memref<128x128xf32, #tpu.memory_space<vmem>>, vector<1x16xf32>,
        %swap3A_443 = vector.shape_cast %swap3A_442 : vector<1x16xf32> to vector<16xf32>
        %swap3A_444 = vector.shape_cast %add3A_439 : vector<16xf32> to vector<1x16xf32>
        tpu.vector_store %arg23[%swap3A_440, %swap3A_441], %swap3A_444 {strides = array<i32>} : memref<128x128xf32, #tpu.memory_space<vmem>>, vector<1x16xf32>,
        %get3A_445 = arith.index_cast %add3A_374 : i32 to index
        %get3A_446 = arith.constant 32 : index
        %get3A_447 = tpu.vector_load %arg20[%get3A_445, %get3A_446] {strides = array<i32>} : memref<128x64xf32, #tpu.memory_space<vmem>>, vector<1x16xf32>,
        %get3A_448 = vector.shape_cast %get3A_447 : vector<1x16xf32> to vector<16xf32>
        %get3A_449 = arith.index_cast %add3A_374 : i32 to index
        %get3A_450 = arith.constant 32 : index
        %get3A_451 = tpu.vector_load %arg21[%get3A_449, %get3A_450] {strides = array<i32>} : memref<128x64xf32, #tpu.memory_space<vmem>>, vector<1x16xf32>,
        %get3A_452 = vector.shape_cast %get3A_451 : vector<1x16xf32> to vector<16xf32>
        %add3A_453 = arith.addf %get3A_448, %get3A_452 : vector<16xf32>
        %swap3A_454 = arith.index_cast %add3A_374 : i32 to index
        %swap3A_455 = arith.constant 96 : index
        %swap3A_456 = tpu.vector_load %arg23[%swap3A_454, %swap3A_455] {strides = array<i32>} : memref<128x128xf32, #tpu.memory_space<vmem>>, vector<1x16xf32>,
        %swap3A_457 = vector.shape_cast %swap3A_456 : vector<1x16xf32> to vector<16xf32>
        %swap3A_458 = vector.shape_cast %add3A_453 : vector<16xf32> to vector<1x16xf32>
        tpu.vector_store %arg23[%swap3A_454, %swap3A_455], %swap3A_458 {strides = array<i32>} : memref<128x128xf32, #tpu.memory_space<vmem>>, vector<1x16xf32>,
        %get3A_459 = arith.index_cast %add3A_374 : i32 to index
        %get3A_460 = arith.constant 48 : index
        %get3A_461 = tpu.vector_load %arg18[%get3A_459, %get3A_460] {strides = array<i32>} : memref<128x64xf32, #tpu.memory_space<vmem>>, vector<1x16xf32>,
        %get3A_462 = vector.shape_cast %get3A_461 : vector<1x16xf32> to vector<16xf32>
        %get3A_463 = arith.index_cast %add3A_374 : i32 to index
        %get3A_464 = arith.constant 48 : index
        %get3A_465 = tpu.vector_load %arg19[%get3A_463, %get3A_464] {strides = array<i32>} : memref<128x64xf32, #tpu.memory_space<vmem>>, vector<1x16xf32>,
        %get3A_466 = vector.shape_cast %get3A_465 : vector<1x16xf32> to vector<16xf32>
        %add3A_467 = arith.addf %get3A_462, %get3A_466 : vector<16xf32>
        %swap3A_468 = arith.index_cast %add3A_374 : i32 to index
        %swap3A_469 = arith.constant 48 : index
        %swap3A_470 = tpu.vector_load %arg23[%swap3A_468, %swap3A_469] {strides = array<i32>} : memref<128x128xf32, #tpu.memory_space<vmem>>, vector<1x16xf32>,
        %swap3A_471 = vector.shape_cast %swap3A_470 : vector<1x16xf32> to vector<16xf32>
        %swap3A_472 = vector.shape_cast %add3A_467 : vector<16xf32> to vector<1x16xf32>
        tpu.vector_store %arg23[%swap3A_468, %swap3A_469], %swap3A_472 {strides = array<i32>} : memref<128x128xf32, #tpu.memory_space<vmem>>, vector<1x16xf32>,
        %get3A_473 = arith.index_cast %add3A_374 : i32 to index
        %get3A_474 = arith.constant 48 : index
        %get3A_475 = tpu.vector_load %arg20[%get3A_473, %get3A_474] {strides = array<i32>} : memref<128x64xf32, #tpu.memory_space<vmem>>, vector<1x16xf32>,
        %get3A_476 = vector.shape_cast %get3A_475 : vector<1x16xf32> to vector<16xf32>
        %get3A_477 = arith.index_cast %add3A_374 : i32 to index
        %get3A_478 = arith.constant 48 : index
        %get3A_479 = tpu.vector_load %arg21[%get3A_477, %get3A_478] {strides = array<i32>} : memref<128x64xf32, #tpu.memory_space<vmem>>, vector<1x16xf32>,
        %get3A_480 = vector.shape_cast %get3A_479 : vector<1x16xf32> to vector<16xf32>
        %add3A_481 = arith.addf %get3A_476, %get3A_480 : vector<16xf32>
        %swap3A_482 = arith.index_cast %add3A_374 : i32 to index
        %swap3A_483 = arith.constant 112 : index
        %swap3A_484 = tpu.vector_load %arg23[%swap3A_482, %swap3A_483] {strides = array<i32>} : memref<128x128xf32, #tpu.memory_space<vmem>>, vector<1x16xf32>,
        %swap3A_485 = vector.shape_cast %swap3A_484 : vector<1x16xf32> to vector<16xf32>
        %swap3A_486 = vector.shape_cast %add3A_481 : vector<16xf32> to vector<1x16xf32>
        tpu.vector_store %arg23[%swap3A_482, %swap3A_483], %swap3A_486 {strides = array<i32>} : memref<128x128xf32, #tpu.memory_space<vmem>>, vector<1x16xf32>,
        %add3A_487 = arith.constant 3 : i32
        %add3A_488 = arith.addi %add3A_146, %add3A_487 : i32
        %get3A_489 = arith.index_cast %add3A_488 : i32 to index
        %get3A_490 = arith.constant 0 : index
        %get3A_491 = tpu.vector_load %arg18[%get3A_489, %get3A_490] {strides = array<i32>} : memref<128x64xf32, #tpu.memory_space<vmem>>, vector<1x16xf32>,
        %get3A_492 = vector.shape_cast %get3A_491 : vector<1x16xf32> to vector<16xf32>
        %get3A_493 = arith.index_cast %add3A_488 : i32 to index
        %get3A_494 = arith.constant 0 : index
        %get3A_495 = tpu.vector_load %arg19[%get3A_493, %get3A_494] {strides = array<i32>} : memref<128x64xf32, #tpu.memory_space<vmem>>, vector<1x16xf32>,
        %get3A_496 = vector.shape_cast %get3A_495 : vector<1x16xf32> to vector<16xf32>
        %add3A_497 = arith.addf %get3A_492, %get3A_496 : vector<16xf32>
        %swap3A_498 = arith.index_cast %add3A_488 : i32 to index
        %swap3A_499 = arith.constant 0 : index
        %swap3A_500 = tpu.vector_load %arg23[%swap3A_498, %swap3A_499] {strides = array<i32>} : memref<128x128xf32, #tpu.memory_space<vmem>>, vector<1x16xf32>,
        %swap3A_501 = vector.shape_cast %swap3A_500 : vector<1x16xf32> to vector<16xf32>
        %swap3A_502 = vector.shape_cast %add3A_497 : vector<16xf32> to vector<1x16xf32>
        tpu.vector_store %arg23[%swap3A_498, %swap3A_499], %swap3A_502 {strides = array<i32>} : memref<128x128xf32, #tpu.memory_space<vmem>>, vector<1x16xf32>,
        %get3A_503 = arith.index_cast %add3A_488 : i32 to index
        %get3A_504 = arith.constant 0 : index
        %get3A_505 = tpu.vector_load %arg20[%get3A_503, %get3A_504] {strides = array<i32>} : memref<128x64xf32, #tpu.memory_space<vmem>>, vector<1x16xf32>,
        %get3A_506 = vector.shape_cast %get3A_505 : vector<1x16xf32> to vector<16xf32>
        %get3A_507 = arith.index_cast %add3A_488 : i32 to index
        %get3A_508 = arith.constant 0 : index
        %get3A_509 = tpu.vector_load %arg21[%get3A_507, %get3A_508] {strides = array<i32>} : memref<128x64xf32, #tpu.memory_space<vmem>>, vector<1x16xf32>,
        %get3A_510 = vector.shape_cast %get3A_509 : vector<1x16xf32> to vector<16xf32>
        %add3A_511 = arith.addf %get3A_506, %get3A_510 : vector<16xf32>
        %swap3A_512 = arith.index_cast %add3A_488 : i32 to index
        %swap3A_513 = arith.constant 64 : index
        %swap3A_514 = tpu.vector_load %arg23[%swap3A_512, %swap3A_513] {strides = array<i32>} : memref<128x128xf32, #tpu.memory_space<vmem>>, vector<1x16xf32>,
        %swap3A_515 = vector.shape_cast %swap3A_514 : vector<1x16xf32> to vector<16xf32>
        %swap3A_516 = vector.shape_cast %add3A_511 : vector<16xf32> to vector<1x16xf32>
        tpu.vector_store %arg23[%swap3A_512, %swap3A_513], %swap3A_516 {strides = array<i32>} : memref<128x128xf32, #tpu.memory_space<vmem>>, vector<1x16xf32>,
        %get3A_517 = arith.index_cast %add3A_488 : i32 to index
        %get3A_518 = arith.constant 16 : index
        %get3A_519 = tpu.vector_load %arg18[%get3A_517, %get3A_518] {strides = array<i32>} : memref<128x64xf32, #tpu.memory_space<vmem>>, vector<1x16xf32>,
        %get3A_520 = vector.shape_cast %get3A_519 : vector<1x16xf32> to vector<16xf32>
        %get3A_521 = arith.index_cast %add3A_488 : i32 to index
        %get3A_522 = arith.constant 16 : index
        %get3A_523 = tpu.vector_load %arg19[%get3A_521, %get3A_522] {strides = array<i32>} : memref<128x64xf32, #tpu.memory_space<vmem>>, vector<1x16xf32>,
        %get3A_524 = vector.shape_cast %get3A_523 : vector<1x16xf32> to vector<16xf32>
        %add3A_525 = arith.addf %get3A_520, %get3A_524 : vector<16xf32>
        %swap3A_526 = arith.index_cast %add3A_488 : i32 to index
        %swap3A_527 = arith.constant 16 : index
        %swap3A_528 = tpu.vector_load %arg23[%swap3A_526, %swap3A_527] {strides = array<i32>} : memref<128x128xf32, #tpu.memory_space<vmem>>, vector<1x16xf32>,
        %swap3A_529 = vector.shape_cast %swap3A_528 : vector<1x16xf32> to vector<16xf32>
        %swap3A_530 = vector.shape_cast %add3A_525 : vector<16xf32> to vector<1x16xf32>
        tpu.vector_store %arg23[%swap3A_526, %swap3A_527], %swap3A_530 {strides = array<i32>} : memref<128x128xf32, #tpu.memory_space<vmem>>, vector<1x16xf32>,
        %get3A_531 = arith.index_cast %add3A_488 : i32 to index
        %get3A_532 = arith.constant 16 : index
        %get3A_533 = tpu.vector_load %arg20[%get3A_531, %get3A_532] {strides = array<i32>} : memref<128x64xf32, #tpu.memory_space<vmem>>, vector<1x16xf32>,
        %get3A_534 = vector.shape_cast %get3A_533 : vector<1x16xf32> to vector<16xf32>
        %get3A_535 = arith.index_cast %add3A_488 : i32 to index
        %get3A_536 = arith.constant 16 : index
        %get3A_537 = tpu.vector_load %arg21[%get3A_535, %get3A_536] {strides = array<i32>} : memref<128x64xf32, #tpu.memory_space<vmem>>, vector<1x16xf32>,
        %get3A_538 = vector.shape_cast %get3A_537 : vector<1x16xf32> to vector<16xf32>
        %add3A_539 = arith.addf %get3A_534, %get3A_538 : vector<16xf32>
        %swap3A_540 = arith.index_cast %add3A_488 : i32 to index
        %swap3A_541 = arith.constant 80 : index
        %swap3A_542 = tpu.vector_load %arg23[%swap3A_540, %swap3A_541] {strides = array<i32>} : memref<128x128xf32, #tpu.memory_space<vmem>>, vector<1x16xf32>,
        %swap3A_543 = vector.shape_cast %swap3A_542 : vector<1x16xf32> to vector<16xf32>
        %swap3A_544 = vector.shape_cast %add3A_539 : vector<16xf32> to vector<1x16xf32>
        tpu.vector_store %arg23[%swap3A_540, %swap3A_541], %swap3A_544 {strides = array<i32>} : memref<128x128xf32, #tpu.memory_space<vmem>>, vector<1x16xf32>,
        %get3A_545 = arith.index_cast %add3A_488 : i32 to index
        %get3A_546 = arith.constant 32 : index
        %get3A_547 = tpu.vector_load %arg18[%get3A_545, %get3A_546] {strides = array<i32>} : memref<128x64xf32, #tpu.memory_space<vmem>>, vector<1x16xf32>,
        %get3A_548 = vector.shape_cast %get3A_547 : vector<1x16xf32> to vector<16xf32>
        %get3A_549 = arith.index_cast %add3A_488 : i32 to index
        %get3A_550 = arith.constant 32 : index
        %get3A_551 = tpu.vector_load %arg19[%get3A_549, %get3A_550] {strides = array<i32>} : memref<128x64xf32, #tpu.memory_space<vmem>>, vector<1x16xf32>,
        %get3A_552 = vector.shape_cast %get3A_551 : vector<1x16xf32> to vector<16xf32>
        %add3A_553 = arith.addf %get3A_548, %get3A_552 : vector<16xf32>
        %swap3A_554 = arith.index_cast %add3A_488 : i32 to index
        %swap3A_555 = arith.constant 32 : index
        %swap3A_556 = tpu.vector_load %arg23[%swap3A_554, %swap3A_555] {strides = array<i32>} : memref<128x128xf32, #tpu.memory_space<vmem>>, vector<1x16xf32>,
        %swap3A_557 = vector.shape_cast %swap3A_556 : vector<1x16xf32> to vector<16xf32>
        %swap3A_558 = vector.shape_cast %add3A_553 : vector<16xf32> to vector<1x16xf32>
        tpu.vector_store %arg23[%swap3A_554, %swap3A_555], %swap3A_558 {strides = array<i32>} : memref<128x128xf32, #tpu.memory_space<vmem>>, vector<1x16xf32>,
        %get3A_559 = arith.index_cast %add3A_488 : i32 to index
        %get3A_560 = arith.constant 32 : index
        %get3A_561 = tpu.vector_load %arg20[%get3A_559, %get3A_560] {strides = array<i32>} : memref<128x64xf32, #tpu.memory_space<vmem>>, vector<1x16xf32>,
        %get3A_562 = vector.shape_cast %get3A_561 : vector<1x16xf32> to vector<16xf32>
        %get3A_563 = arith.index_cast %add3A_488 : i32 to index
        %get3A_564 = arith.constant 32 : index
        %get3A_565 = tpu.vector_load %arg21[%get3A_563, %get3A_564] {strides = array<i32>} : memref<128x64xf32, #tpu.memory_space<vmem>>, vector<1x16xf32>,
        %get3A_566 = vector.shape_cast %get3A_565 : vector<1x16xf32> to vector<16xf32>
        %add3A_567 = arith.addf %get3A_562, %get3A_566 : vector<16xf32>
        %swap3A_568 = arith.index_cast %add3A_488 : i32 to index
        %swap3A_569 = arith.constant 96 : index
        %swap3A_570 = tpu.vector_load %arg23[%swap3A_568, %swap3A_569] {strides = array<i32>} : memref<128x128xf32, #tpu.memory_space<vmem>>, vector<1x16xf32>,
        %swap3A_571 = vector.shape_cast %swap3A_570 : vector<1x16xf32> to vector<16xf32>
        %swap3A_572 = vector.shape_cast %add3A_567 : vector<16xf32> to vector<1x16xf32>
        tpu.vector_store %arg23[%swap3A_568, %swap3A_569], %swap3A_572 {strides = array<i32>} : memref<128x128xf32, #tpu.memory_space<vmem>>, vector<1x16xf32>,
        %get3A_573 = arith.index_cast %add3A_488 : i32 to index
        %get3A_574 = arith.constant 48 : index
        %get3A_575 = tpu.vector_load %arg18[%get3A_573, %get3A_574] {strides = array<i32>} : memref<128x64xf32, #tpu.memory_space<vmem>>, vector<1x16xf32>,
        %get3A_576 = vector.shape_cast %get3A_575 : vector<1x16xf32> to vector<16xf32>
        %get3A_577 = arith.index_cast %add3A_488 : i32 to index
        %get3A_578 = arith.constant 48 : index
        %get3A_579 = tpu.vector_load %arg19[%get3A_577, %get3A_578] {strides = array<i32>} : memref<128x64xf32, #tpu.memory_space<vmem>>, vector<1x16xf32>,
        %get3A_580 = vector.shape_cast %get3A_579 : vector<1x16xf32> to vector<16xf32>
        %add3A_581 = arith.addf %get3A_576, %get3A_580 : vector<16xf32>
        %swap3A_582 = arith.index_cast %add3A_488 : i32 to index
        %swap3A_583 = arith.constant 48 : index
        %swap3A_584 = tpu.vector_load %arg23[%swap3A_582, %swap3A_583] {strides = array<i32>} : memref<128x128xf32, #tpu.memory_space<vmem>>, vector<1x16xf32>,
        %swap3A_585 = vector.shape_cast %swap3A_584 : vector<1x16xf32> to vector<16xf32>
        %swap3A_586 = vector.shape_cast %add3A_581 : vector<16xf32> to vector<1x16xf32>
        tpu.vector_store %arg23[%swap3A_582, %swap3A_583], %swap3A_586 {strides = array<i32>} : memref<128x128xf32, #tpu.memory_space<vmem>>, vector<1x16xf32>,
        %get3A_587 = arith.index_cast %add3A_488 : i32 to index
        %get3A_588 = arith.constant 48 : index
        %get3A_589 = tpu.vector_load %arg20[%get3A_587, %get3A_588] {strides = array<i32>} : memref<128x64xf32, #tpu.memory_space<vmem>>, vector<1x16xf32>,
        %get3A_590 = vector.shape_cast %get3A_589 : vector<1x16xf32> to vector<16xf32>
        %get3A_591 = arith.index_cast %add3A_488 : i32 to index
        %get3A_592 = arith.constant 48 : index
        %get3A_593 = tpu.vector_load %arg21[%get3A_591, %get3A_592] {strides = array<i32>} : memref<128x64xf32, #tpu.memory_space<vmem>>, vector<1x16xf32>,
        %get3A_594 = vector.shape_cast %get3A_593 : vector<1x16xf32> to vector<16xf32>
        %add3A_595 = arith.addf %get3A_590, %get3A_594 : vector<16xf32>
        %swap3A_596 = arith.index_cast %add3A_488 : i32 to index
        %swap3A_597 = arith.constant 112 : index
        %swap3A_598 = tpu.vector_load %arg23[%swap3A_596, %swap3A_597] {strides = array<i32>} : memref<128x128xf32, #tpu.memory_space<vmem>>, vector<1x16xf32>,
        %swap3A_599 = vector.shape_cast %swap3A_598 : vector<1x16xf32> to vector<16xf32>
        %swap3A_600 = vector.shape_cast %add3A_595 : vector<16xf32> to vector<1x16xf32>
        tpu.vector_store %arg23[%swap3A_596, %swap3A_597], %swap3A_600 {strides = array<i32>} : memref<128x128xf32, #tpu.memory_space<vmem>>, vector<1x16xf32>,
      }
      %scan3A_130 = arith.constant 32 : i32
      %add3A_131 = arith.constant 1 : i32
      %add3A_132 = arith.addi %mul3A_75, %add3A_131 : i32
      %mul3A_133 = arith.constant 128 : i32
      %mul3A_134 = arith.muli %add3A_132, %mul3A_133 : i32
      %add3A_135 = arith.addi %mul3A_2, %mul3A_134 : i32
      %dma_start3A_136 = arith.constant 0 : i32
      %dma_start3A_137 = tpu.memref_slice %arg7[%add3A_135, %dma_start3A_136] : memref<65536x128xf32, #tpu.memory_space<hbm>> -> memref<128x128xf32, #tpu.memory_space<hbm>>
      %dma_start3A_138 = arith.constant 0 : i32
      %dma_start3A_139 = tpu.memref_slice %arg7[%add3A_135, %dma_start3A_138] : memref<65536x128xf32, #tpu.memory_space<hbm>> -> memref<128x128xf32, #tpu.memory_space<hbm>>
      tpu.enqueue_dma source(%arg23 : memref<128x128xf32, #tpu.memory_space<vmem>>) target(%dma_start3A_139 : memref<128x128xf32, #tpu.memory_space<hbm>>) target_semaphore(%arg27 : memref<!tpu.dma_semaphore, #tpu.memory_space<semaphore_mem>>)
      %lt3A = arith.constant 7 : i32
      %lt3A_140 = arith.cmpi slt, %add3A_73, %lt3A : i32
      %convert_element_type3A = arith.extui %lt3A_140 : i1 to i32
      %cond3A = arith.constant 0 : i32
      %cond3A_141 = arith.cmpi ne, %convert_element_type3A, %cond3A : i32
      scf.if %cond3A_141 {
        %mul3A_142 = arith.constant 128 : i32
        %mul3A_143 = arith.muli %mul3A_75, %mul3A_142 : i32
        %add3A_144 = arith.addi %mul3A_2, %mul3A_143 : i32
        %dma_wait3A_145 = arith.constant 0 : i32
        %dma_wait3A_146 = tpu.memref_slice %arg7[%add3A_144, %dma_wait3A_145] : memref<65536x128xf32, #tpu.memory_space<hbm>> -> memref<128x128xf32, #tpu.memory_space<hbm>>
        %dma_wait3A_147 = arith.constant 0 : i32
        %dma_wait3A_148 = tpu.memref_slice %arg7[%add3A_144, %dma_wait3A_147] : memref<65536x128xf32, #tpu.memory_space<hbm>> -> memref<128x128xf32, #tpu.memory_space<hbm>>
        tpu.wait_dma2 semaphore(%arg26 : memref<!tpu.dma_semaphore, #tpu.memory_space<semaphore_mem>>) src(%arg22 : memref<128x128xf32, #tpu.memory_space<vmem>>) dst(%dma_wait3A_148 : memref<128x128xf32, #tpu.memory_space<hbm>>)
        %add3A_149 = arith.constant 2 : i32
        %add3A_150 = arith.addi %mul3A_75, %add3A_149 : i32
        %mul3A_151 = arith.constant 128 : i32
        %mul3A_152 = arith.muli %add3A_150, %mul3A_151 : i32
        %dma_start3A_153 = tpu.memref_slice %arg10[%mul3A_152] : memref<2048xi32, #tpu.memory_space<vmem>> -> memref<128xi32, #tpu.memory_space<vmem>>
        %dma_start3A_154 = arith.constant 0 : i32
        %dma_start3A_155 = arith.constant 0 : i32
        %dma_start3A_156 = tpu.memref_slice %arg2[%dma_start3A_154, %dma_start3A_155] : memref<2016x64xf32, #tpu.memory_space<hbm>> -> memref<2016x64xf32, #tpu.memory_space<hbm>>
        tpu.enqueue_indirect_dma source(%dma_start3A_156 : memref<2016x64xf32, #tpu.memory_space<hbm>>) target(%arg14 : memref<128x64xf32, #tpu.memory_space<vmem>>) offsets(%dma_start3A_153 : memref<128xi32, #tpu.memory_space<vmem>>) semaphore(%arg24 : memref<!tpu.dma_semaphore, #tpu.memory_space<semaphore_mem>>)
        %dma_start3A_157 = tpu.memref_slice %arg12[%mul3A_152] : memref<2048xi32, #tpu.memory_space<vmem>> -> memref<128xi32, #tpu.memory_space<vmem>>
        %dma_start3A_158 = arith.constant 0 : i32
        %dma_start3A_159 = arith.constant 0 : i32
        %dma_start3A_160 = tpu.memref_slice %arg3[%dma_start3A_158, %dma_start3A_159] : memref<1024x64xf32, #tpu.memory_space<hbm>> -> memref<1024x64xf32, #tpu.memory_space<hbm>>
        tpu.enqueue_indirect_dma source(%dma_start3A_160 : memref<1024x64xf32, #tpu.memory_space<hbm>>) target(%arg15 : memref<128x64xf32, #tpu.memory_space<vmem>>) offsets(%dma_start3A_157 : memref<128xi32, #tpu.memory_space<vmem>>) semaphore(%arg24 : memref<!tpu.dma_semaphore, #tpu.memory_space<semaphore_mem>>)
        %dma_start3A_161 = tpu.memref_slice %arg11[%mul3A_152] : memref<2048xi32, #tpu.memory_space<vmem>> -> memref<128xi32, #tpu.memory_space<vmem>>
        %dma_start3A_162 = arith.constant 0 : i32
        %dma_start3A_163 = arith.constant 0 : i32
        %dma_start3A_164 = tpu.memref_slice %arg2[%dma_start3A_162, %dma_start3A_163] : memref<2016x64xf32, #tpu.memory_space<hbm>> -> memref<2016x64xf32, #tpu.memory_space<hbm>>
        tpu.enqueue_indirect_dma source(%dma_start3A_164 : memref<2016x64xf32, #tpu.memory_space<hbm>>) target(%arg16 : memref<128x64xf32, #tpu.memory_space<vmem>>) offsets(%dma_start3A_161 : memref<128xi32, #tpu.memory_space<vmem>>) semaphore(%arg24 : memref<!tpu.dma_semaphore, #tpu.memory_space<semaphore_mem>>)
        %dma_start3A_165 = tpu.memref_slice %arg13[%mul3A_152] : memref<2048xi32, #tpu.memory_space<vmem>> -> memref<128xi32, #tpu.memory_space<vmem>>
        %dma_start3A_166 = arith.constant 0 : i32
        %dma_start3A_167 = arith.constant 0 : i32
        %dma_start3A_168 = tpu.memref_slice %arg3[%dma_start3A_166, %dma_start3A_167] : memref<1024x64xf32, #tpu.memory_space<hbm>> -> memref<1024x64xf32, #tpu.memory_space<hbm>>
        tpu.enqueue_indirect_dma source(%dma_start3A_168 : memref<1024x64xf32, #tpu.memory_space<hbm>>) target(%arg17 : memref<128x64xf32, #tpu.memory_space<vmem>>) offsets(%dma_start3A_165 : memref<128xi32, #tpu.memory_space<vmem>>) semaphore(%arg24 : memref<!tpu.dma_semaphore, #tpu.memory_space<semaphore_mem>>)
        %add3A_169 = arith.constant 1 : i32
        %add3A_170 = arith.addi %mul3A_75, %add3A_169 : i32
        %mul3A_171 = arith.constant 128 : i32
        %mul3A_172 = arith.muli %add3A_170, %mul3A_171 : i32
        %add3A_173 = arith.addi %mul3A_2, %mul3A_172 : i32
        %dma_wait3A_174 = arith.constant 0 : i32
        %dma_wait3A_175 = tpu.memref_slice %arg7[%add3A_173, %dma_wait3A_174] : memref<65536x128xf32, #tpu.memory_space<hbm>> -> memref<128x128xf32, #tpu.memory_space<hbm>>
        %dma_wait3A_176 = arith.constant 0 : i32
        %dma_wait3A_177 = tpu.memref_slice %arg7[%add3A_173, %dma_wait3A_176] : memref<65536x128xf32, #tpu.memory_space<hbm>> -> memref<128x128xf32, #tpu.memory_space<hbm>>
        tpu.wait_dma2 semaphore(%arg27 : memref<!tpu.dma_semaphore, #tpu.memory_space<semaphore_mem>>) src(%arg23 : memref<128x128xf32, #tpu.memory_space<vmem>>) dst(%dma_wait3A_177 : memref<128x128xf32, #tpu.memory_space<hbm>>)
        %add3A_178 = arith.constant 3 : i32
        %add3A_179 = arith.addi %mul3A_75, %add3A_178 : i32
        %mul3A_180 = arith.constant 128 : i32
        %mul3A_181 = arith.muli %add3A_179, %mul3A_180 : i32
        %dma_start3A_182 = tpu.memref_slice %arg10[%mul3A_181] : memref<2048xi32, #tpu.memory_space<vmem>> -> memref<128xi32, #tpu.memory_space<vmem>>
        %dma_start3A_183 = arith.constant 0 : i32
        %dma_start3A_184 = arith.constant 0 : i32
        %dma_start3A_185 = tpu.memref_slice %arg2[%dma_start3A_183, %dma_start3A_184] : memref<2016x64xf32, #tpu.memory_space<hbm>> -> memref<2016x64xf32, #tpu.memory_space<hbm>>
        tpu.enqueue_indirect_dma source(%dma_start3A_185 : memref<2016x64xf32, #tpu.memory_space<hbm>>) target(%arg18 : memref<128x64xf32, #tpu.memory_space<vmem>>) offsets(%dma_start3A_182 : memref<128xi32, #tpu.memory_space<vmem>>) semaphore(%arg25 : memref<!tpu.dma_semaphore, #tpu.memory_space<semaphore_mem>>)
        %dma_start3A_186 = tpu.memref_slice %arg12[%mul3A_181] : memref<2048xi32, #tpu.memory_space<vmem>> -> memref<128xi32, #tpu.memory_space<vmem>>
        %dma_start3A_187 = arith.constant 0 : i32
        %dma_start3A_188 = arith.constant 0 : i32
        %dma_start3A_189 = tpu.memref_slice %arg3[%dma_start3A_187, %dma_start3A_188] : memref<1024x64xf32, #tpu.memory_space<hbm>> -> memref<1024x64xf32, #tpu.memory_space<hbm>>
        tpu.enqueue_indirect_dma source(%dma_start3A_189 : memref<1024x64xf32, #tpu.memory_space<hbm>>) target(%arg19 : memref<128x64xf32, #tpu.memory_space<vmem>>) offsets(%dma_start3A_186 : memref<128xi32, #tpu.memory_space<vmem>>) semaphore(%arg25 : memref<!tpu.dma_semaphore, #tpu.memory_space<semaphore_mem>>)
        %dma_start3A_190 = tpu.memref_slice %arg11[%mul3A_181] : memref<2048xi32, #tpu.memory_space<vmem>> -> memref<128xi32, #tpu.memory_space<vmem>>
        %dma_start3A_191 = arith.constant 0 : i32
        %dma_start3A_192 = arith.constant 0 : i32
        %dma_start3A_193 = tpu.memref_slice %arg2[%dma_start3A_191, %dma_start3A_192] : memref<2016x64xf32, #tpu.memory_space<hbm>> -> memref<2016x64xf32, #tpu.memory_space<hbm>>
        tpu.enqueue_indirect_dma source(%dma_start3A_193 : memref<2016x64xf32, #tpu.memory_space<hbm>>) target(%arg20 : memref<128x64xf32, #tpu.memory_space<vmem>>) offsets(%dma_start3A_190 : memref<128xi32, #tpu.memory_space<vmem>>) semaphore(%arg25 : memref<!tpu.dma_semaphore, #tpu.memory_space<semaphore_mem>>)
        %dma_start3A_194 = tpu.memref_slice %arg13[%mul3A_181] : memref<2048xi32, #tpu.memory_space<vmem>> -> memref<128xi32, #tpu.memory_space<vmem>>
        %dma_start3A_195 = arith.constant 0 : i32
        %dma_start3A_196 = arith.constant 0 : i32
        %dma_start3A_197 = tpu.memref_slice %arg3[%dma_start3A_195, %dma_start3A_196] : memref<1024x64xf32, #tpu.memory_space<hbm>> -> memref<1024x64xf32, #tpu.memory_space<hbm>>
        tpu.enqueue_indirect_dma source(%dma_start3A_197 : memref<1024x64xf32, #tpu.memory_space<hbm>>) target(%arg21 : memref<128x64xf32, #tpu.memory_space<vmem>>) offsets(%dma_start3A_194 : memref<128xi32, #tpu.memory_space<vmem>>) semaphore(%arg25 : memref<!tpu.dma_semaphore, #tpu.memory_space<semaphore_mem>>)
      } else {
      }
    }
    %scan3A_57 = arith.constant 8 : i32
    %add3A_58 = arith.constant 1792 : i32
    %add3A_59 = arith.addi %mul3A_2, %add3A_58 : i32
    %dma_wait3A = arith.constant 0 : i32
    %dma_wait3A_60 = tpu.memref_slice %arg7[%add3A_59, %dma_wait3A] : memref<65536x128xf32, #tpu.memory_space<hbm>> -> memref<128x128xf32, #tpu.memory_space<hbm>>
    %dma_wait3A_61 = arith.constant 0 : i32
    %dma_wait3A_62 = tpu.memref_slice %arg7[%add3A_59, %dma_wait3A_61] : memref<65536x128xf32, #tpu.memory_space<hbm>> -> memref<128x128xf32, #tpu.memory_space<hbm>>
    tpu.wait_dma2 semaphore(%arg26 : memref<!tpu.dma_semaphore, #tpu.memory_space<semaphore_mem>>) src(%arg22 : memref<128x128xf32, #tpu.memory_space<vmem>>) dst(%dma_wait3A_62 : memref<128x128xf32, #tpu.memory_space<hbm>>)
    %add3A_63 = arith.constant 1920 : i32
    %add3A_64 = arith.addi %mul3A_2, %add3A_63 : i32
    %dma_wait3A_65 = arith.constant 0 : i32
    %dma_wait3A_66 = tpu.memref_slice %arg7[%add3A_64, %dma_wait3A_65] : memref<65536x128xf32, #tpu.memory_space<hbm>> -> memref<128x128xf32, #tpu.memory_space<hbm>>
    %dma_wait3A_67 = arith.constant 0 : i32
    %dma_wait3A_68 = tpu.memref_slice %arg7[%add3A_64, %dma_wait3A_67] : memref<65536x128xf32, #tpu.memory_space<hbm>> -> memref<128x128xf32, #tpu.memory_space<hbm>>
    tpu.wait_dma2 semaphore(%arg27 : memref<!tpu.dma_semaphore, #tpu.memory_space<semaphore_mem>>) src(%arg23 : memref<128x128xf32, #tpu.memory_space<vmem>>) dst(%dma_wait3A_68 : memref<128x128xf32, #tpu.memory_space<hbm>>)
    return
  }
}

module attributes {stable_mosaic.version = 14 : i64} {
  func.func @_mm_body(%arg0: i32, %arg1: memref<2048x512xf32, #tpu.memory_space<vmem>>, %arg2: memref<2048x512xf32, #tpu.memory_space<vmem>>, %arg3: memref<512x64xf32, #tpu.memory_space<vmem>>, %arg4: memref<2048x128xf32, #tpu.memory_space<vmem>>) attributes {dimension_semantics = [#tpu.dimension_semantics<arbitrary>], iteration_bounds = array<i64: 32>, scalar_prefetch = 0 : i64, scratch_operands = 0 : i64, tpu.core_type = #tpu.core_type<tc>, window_params = [{transform_indices = @transform_0, window_bounds = array<i64: 2048, 512>}, {transform_indices = @transform_1, window_bounds = array<i64: 2048, 512>}, {pipeline_mode = #tpu.pipeline_mode<synchronous>, transform_indices = @transform_2, window_bounds = array<i64: 512, 64>}, {transform_indices = @transform_3, window_bounds = array<i64: 2048, 128>}]} {
    %get3A = arith.constant 0 : index
    %get3A_0 = arith.constant 0 : index
    %get3A_1 = vector.load %arg3[%get3A, %get3A_0] : memref<512x64xf32, #tpu.memory_space<vmem>>, vector<512x64xf32>
    %convert_element_type3A = arith.truncf %get3A_1 : vector<512x64xf32> to vector<512x64xbf16>
    %get3A_2 = arith.constant 0 : index
    %get3A_3 = arith.constant 0 : index
    %get3A_4 = vector.load %arg1[%get3A_2, %get3A_3] : memref<2048x512xf32, #tpu.memory_space<vmem>>, vector<2048x512xf32>
    %convert_element_type3A_5 = arith.truncf %get3A_4 : vector<2048x512xf32> to vector<2048x512xbf16>
    %dot_general3A = arith.constant dense<0.000000e+00> : vector<2048x64xf32>
    %dot_general3A_6 = tpu.matmul %convert_element_type3A_5, %convert_element_type3A, %dot_general3A {dimension_numbers = #tpu.dot_dimension_numbers<[1], [0], [0], [1], [0, 0, 1, 1], [], []>, transpose_lhs_hint = false} : vector<2048x512xbf16>, vector<512x64xbf16>, vector<2048x64xf32> -> vector<2048x64xf32>
    %get3A_7 = arith.constant 0 : index
    %get3A_8 = arith.constant 0 : index
    %get3A_9 = vector.load %arg2[%get3A_7, %get3A_8] : memref<2048x512xf32, #tpu.memory_space<vmem>>, vector<2048x512xf32>
    %convert_element_type3A_10 = arith.truncf %get3A_9 : vector<2048x512xf32> to vector<2048x512xbf16>
    %dot_general3A_11 = arith.constant dense<0.000000e+00> : vector<2048x64xf32>
    %dot_general3A_12 = tpu.matmul %convert_element_type3A_10, %convert_element_type3A, %dot_general3A_11 {dimension_numbers = #tpu.dot_dimension_numbers<[1], [0], [0], [1], [0, 0, 1, 1], [], []>, transpose_lhs_hint = false} : vector<2048x512xbf16>, vector<512x64xbf16>, vector<2048x64xf32> -> vector<2048x64xf32>
    %swap3A = arith.constant 0 : index
    %swap3A_13 = arith.constant 0 : index
    %swap3A_14 = vector.load %arg4[%swap3A, %swap3A_13] : memref<2048x128xf32, #tpu.memory_space<vmem>>, vector<2048x64xf32>
    tpu.vector_store %arg4[%swap3A, %swap3A_13], %dot_general3A_6 {strides = array<i32>} : memref<2048x128xf32, #tpu.memory_space<vmem>>, vector<2048x64xf32>,
    %swap3A_15 = arith.constant 0 : index
    %swap3A_16 = arith.constant 64 : index
    %swap3A_17 = vector.load %arg4[%swap3A_15, %swap3A_16] : memref<2048x128xf32, #tpu.memory_space<vmem>>, vector<2048x64xf32>
    tpu.vector_store %arg4[%swap3A_15, %swap3A_16], %dot_general3A_12 {strides = array<i32>} : memref<2048x128xf32, #tpu.memory_space<vmem>>, vector<2048x64xf32>,
    return
  }
  func.func @transform_0(%arg0: i32) -> (i32, i32) {
    %c0_i32 = arith.constant 0 : i32
    %c0_i32_0 = arith.constant 0 : i32
    return %arg0, %c0_i32 : i32, i32
  }
  func.func @transform_1(%arg0: i32) -> (i32, i32) {
    %add3A = arith.constant 32 : i32
    %add3A_0 = arith.addi %arg0, %add3A : i32
    %c0_i32 = arith.constant 0 : i32
    %c0_i32_1 = arith.constant 0 : i32
    return %add3A_0, %c0_i32 : i32, i32
  }
  func.func @transform_2(%arg0: i32) -> (i32, i32) {
    %c0_i32 = arith.constant 0 : i32
    %c0_i32_0 = arith.constant 0 : i32
    %c0_i32_1 = arith.constant 0 : i32
    return %c0_i32, %c0_i32_0 : i32, i32
  }
  func.func @transform_3(%arg0: i32) -> (i32, i32) {
    %c0_i32 = arith.constant 0 : i32
    %c0_i32_0 = arith.constant 0 : i32
    return %arg0, %c0_i32 : i32, i32
  }
}

module attributes {stable_mosaic.version = 14 : i64} {
  func.func @_softmax_body(%arg0: i32, %arg1: memref<2048x128xf32, #tpu.memory_space<vmem>>, %arg2: memref<2048x128xf32, #tpu.memory_space<vmem>>, %arg3: memref<2x2048x64xf32, #tpu.memory_space<vmem>>) attributes {dimension_semantics = [#tpu.dimension_semantics<arbitrary>], iteration_bounds = array<i64: 32>, scalar_prefetch = 0 : i64, scratch_operands = 0 : i64, tpu.core_type = #tpu.core_type<tc>, window_params = [{transform_indices = @transform_0, window_bounds = array<i64: 2048, 128>}, {transform_indices = @transform_1, window_bounds = array<i64: 2048, 128>}, {transform_indices = @transform_2, window_bounds = array<i64: 2, 2048, 64>}]} {
    %get3A = arith.constant 0 : index
    %get3A_0 = arith.constant 0 : index
    %get3A_1 = vector.load %arg1[%get3A, %get3A_0] : memref<2048x128xf32, #tpu.memory_space<vmem>>, vector<2048x128xf32>
    %get3A_2 = arith.constant 0 : index
    %get3A_3 = arith.constant 0 : index
    %get3A_4 = vector.load %arg2[%get3A_2, %get3A_3] : memref<2048x128xf32, #tpu.memory_space<vmem>>, vector<2048x128xf32>
    %add3A = arith.addf %get3A_1, %get3A_4 : vector<2048x128xf32>
    %exp3A = math.exp %add3A : vector<2048x128xf32>
    %iota3A = tpu.iota {dimensions = array<i32: 0>} : vector<128x128xi32>
    %jit3A = arith.constant 64 : i32
    %div3A = vector.broadcast %jit3A : i32 to vector<128x128xi32>
    %div3A_5 = arith.divsi %iota3A, %div3A : vector<128x128xi32>
    %sign3A = arith.constant 0 : i32
    %sign3A_6 = vector.broadcast %sign3A : i32 to vector<128x128xi32>
    %sign3A_7 = arith.cmpi sgt, %iota3A, %sign3A_6 : vector<128x128xi32>
    %sign3A_8 = arith.extui %sign3A_7 : vector<128x128xi1> to vector<128x128xi32>
    %sign3A_9 = arith.constant 0 : i32
    %sign3A_10 = vector.broadcast %sign3A_9 : i32 to vector<128x128xi32>
    %sign3A_11 = arith.cmpi slt, %iota3A, %sign3A_10 : vector<128x128xi32>
    %sign3A_12 = arith.extui %sign3A_11 : vector<128x128xi1> to vector<128x128xi32>
    %sign3A_13 = arith.subi %sign3A_8, %sign3A_12 : vector<128x128xi32>
    %sign3A_14 = arith.constant 0 : i32
    %sign3A_15 = arith.cmpi sgt, %jit3A, %sign3A_14 : i32
    %sign3A_16 = arith.extui %sign3A_15 : i1 to i32
    %sign3A_17 = arith.constant 0 : i32
    %sign3A_18 = arith.cmpi slt, %jit3A, %sign3A_17 : i32
    %sign3A_19 = arith.extui %sign3A_18 : i1 to i32
    %sign3A_20 = arith.subi %sign3A_16, %sign3A_19 : i32
    %ne3A = vector.broadcast %sign3A_20 : i32 to vector<128x128xi32>
    %ne3A_21 = arith.cmpi ne, %sign3A_13, %ne3A : vector<128x128xi32>
    %rem3A = vector.broadcast %jit3A : i32 to vector<128x128xi32>
    %rem3A_22 = arith.remsi %iota3A, %rem3A : vector<128x128xi32>
    %ne3A_23 = arith.constant 0 : i32
    %ne3A_24 = vector.broadcast %ne3A_23 : i32 to vector<128x128xi32>
    %ne3A_25 = arith.cmpi ne, %rem3A_22, %ne3A_24 : vector<128x128xi32>
    %and3A = arith.andi %ne3A_21, %ne3A_25 : vector<128x128xi1>
    %sub3A = arith.constant 1 : i32
    %sub3A_26 = vector.broadcast %sub3A : i32 to vector<128x128xi32>
    %sub3A_27 = arith.subi %div3A_5, %sub3A_26 : vector<128x128xi32>
    %select_n3A = arith.select %and3A, %sub3A_27, %div3A_5 : vector<128x128xi1>, vector<128x128xi32>
    %iota3A_28 = tpu.iota {dimensions = array<i32: 1>} : vector<128x128xi32>
    %jit3A_29 = arith.constant 64 : i32
    %div3A_30 = vector.broadcast %jit3A_29 : i32 to vector<128x128xi32>
    %div3A_31 = arith.divsi %iota3A_28, %div3A_30 : vector<128x128xi32>
    %sign3A_32 = arith.constant 0 : i32
    %sign3A_33 = vector.broadcast %sign3A_32 : i32 to vector<128x128xi32>
    %sign3A_34 = arith.cmpi sgt, %iota3A_28, %sign3A_33 : vector<128x128xi32>
    %sign3A_35 = arith.extui %sign3A_34 : vector<128x128xi1> to vector<128x128xi32>
    %sign3A_36 = arith.constant 0 : i32
    %sign3A_37 = vector.broadcast %sign3A_36 : i32 to vector<128x128xi32>
    %sign3A_38 = arith.cmpi slt, %iota3A_28, %sign3A_37 : vector<128x128xi32>
    %sign3A_39 = arith.extui %sign3A_38 : vector<128x128xi1> to vector<128x128xi32>
    %sign3A_40 = arith.subi %sign3A_35, %sign3A_39 : vector<128x128xi32>
    %sign3A_41 = arith.constant 0 : i32
    %sign3A_42 = arith.cmpi sgt, %jit3A_29, %sign3A_41 : i32
    %sign3A_43 = arith.extui %sign3A_42 : i1 to i32
    %sign3A_44 = arith.constant 0 : i32
    %sign3A_45 = arith.cmpi slt, %jit3A_29, %sign3A_44 : i32
    %sign3A_46 = arith.extui %sign3A_45 : i1 to i32
    %sign3A_47 = arith.subi %sign3A_43, %sign3A_46 : i32
    %ne3A_48 = vector.broadcast %sign3A_47 : i32 to vector<128x128xi32>
    %ne3A_49 = arith.cmpi ne, %sign3A_40, %ne3A_48 : vector<128x128xi32>
    %rem3A_50 = vector.broadcast %jit3A_29 : i32 to vector<128x128xi32>
    %rem3A_51 = arith.remsi %iota3A_28, %rem3A_50 : vector<128x128xi32>
    %ne3A_52 = arith.constant 0 : i32
    %ne3A_53 = vector.broadcast %ne3A_52 : i32 to vector<128x128xi32>
    %ne3A_54 = arith.cmpi ne, %rem3A_51, %ne3A_53 : vector<128x128xi32>
    %and3A_55 = arith.andi %ne3A_49, %ne3A_54 : vector<128x128xi1>
    %sub3A_56 = arith.constant 1 : i32
    %sub3A_57 = vector.broadcast %sub3A_56 : i32 to vector<128x128xi32>
    %sub3A_58 = arith.subi %div3A_31, %sub3A_57 : vector<128x128xi32>
    %select_n3A_59 = arith.select %and3A_55, %sub3A_58, %div3A_31 : vector<128x128xi1>, vector<128x128xi32>
    %eq3A = arith.cmpi eq, %select_n3A, %select_n3A_59 : vector<128x128xi32>
    %convert_element_type3A = arith.extui %eq3A : vector<128x128xi1> to vector<128x128xi32>
    %convert_element_type3A_60 = arith.sitofp %convert_element_type3A : vector<128x128xi32> to vector<128x128xf32>
    %convert_element_type3A_61 = arith.truncf %convert_element_type3A_60 : vector<128x128xf32> to vector<128x128xbf16>
    %convert_element_type3A_62 = arith.truncf %exp3A : vector<2048x128xf32> to vector<2048x128xbf16>
    %dot_general3A = arith.constant dense<0.000000e+00> : vector<2048x128xf32>
    %dot_general3A_63 = tpu.matmul %convert_element_type3A_62, %convert_element_type3A_61, %dot_general3A {dimension_numbers = #tpu.dot_dimension_numbers<[1], [0], [0], [1], [0, 0, 1, 1], [], []>, transpose_lhs_hint = false} : vector<2048x128xbf16>, vector<128x128xbf16>, vector<2048x128xf32> -> vector<2048x128xf32>
    %div3A_64 = arith.divf %exp3A, %dot_general3A_63 : vector<2048x128xf32>
    %slice3A = vector.extract_strided_slice %div3A_64 {offsets = [0, 0], sizes = [2048, 64], strides = [1, 1]} : vector<2048x128xf32> to vector<2048x64xf32>
    %swap3A = arith.constant 0 : index
    %swap3A_65 = arith.constant 0 : index
    %swap3A_66 = arith.constant 0 : index
    %swap3A_67 = vector.load %arg3[%swap3A, %swap3A_65, %swap3A_66] : memref<2x2048x64xf32, #tpu.memory_space<vmem>>, vector<1x2048x64xf32>
    %swap3A_68 = vector.shape_cast %swap3A_67 : vector<1x2048x64xf32> to vector<2048x64xf32>
    %swap3A_69 = vector.shape_cast %slice3A : vector<2048x64xf32> to vector<1x2048x64xf32>
    tpu.vector_store %arg3[%swap3A, %swap3A_65, %swap3A_66], %swap3A_69 {strides = array<i32>} : memref<2x2048x64xf32, #tpu.memory_space<vmem>>, vector<1x2048x64xf32>,
    %slice3A_70 = vector.extract_strided_slice %div3A_64 {offsets = [0, 64], sizes = [2048, 64], strides = [1, 1]} : vector<2048x128xf32> to vector<2048x64xf32>
    %swap3A_71 = arith.constant 1 : index
    %swap3A_72 = arith.constant 0 : index
    %swap3A_73 = arith.constant 0 : index
    %swap3A_74 = vector.load %arg3[%swap3A_71, %swap3A_72, %swap3A_73] : memref<2x2048x64xf32, #tpu.memory_space<vmem>>, vector<1x2048x64xf32>
    %swap3A_75 = vector.shape_cast %swap3A_74 : vector<1x2048x64xf32> to vector<2048x64xf32>
    %swap3A_76 = vector.shape_cast %slice3A_70 : vector<2048x64xf32> to vector<1x2048x64xf32>
    tpu.vector_store %arg3[%swap3A_71, %swap3A_72, %swap3A_73], %swap3A_76 {strides = array<i32>} : memref<2x2048x64xf32, #tpu.memory_space<vmem>>, vector<1x2048x64xf32>,
    return
  }
  func.func @transform_0(%arg0: i32) -> (i32, i32) {
    %c0_i32 = arith.constant 0 : i32
    %c0_i32_0 = arith.constant 0 : i32
    return %arg0, %c0_i32 : i32, i32
  }
  func.func @transform_1(%arg0: i32) -> (i32, i32) {
    %c0_i32 = arith.constant 0 : i32
    %c0_i32_0 = arith.constant 0 : i32
    return %arg0, %c0_i32 : i32, i32
  }
  func.func @transform_2(%arg0: i32) -> (i32, i32, i32) {
    %c0_i32 = arith.constant 0 : i32
    %c0_i32_0 = arith.constant 0 : i32
    %c0_i32_1 = arith.constant 0 : i32
    return %c0_i32, %arg0, %c0_i32_0 : i32, i32, i32
  }
}

</mosaic_0001>

<sc_bundles>
// kernel: kernel.5.cloned.1.call-start
scs
__scs_entry_jumppad:
0x0: {  	(pc) =	sbr.rel $0x88, $3  }
0x1: {  	(tag) =	ssettag $0x0;
	lr =	simm.s32 $0x1  }
0x2: {  	[smem:$0x3F98] =	sst lr;
	_ =	strace $0xD0000000  }
0x3: {  	_ = 	snop  }
0x4: {  	_ = 	snop  }
0x5: {  	_ = 	snop  }
0x6: {  	_ = 	snop  }
0x7: {  	_ = 	snop  }
__scs_overlays_trampoline_lowered:
0x8: {  	[smem:$0x3FA7] =	sst s0  }
0x9: {  	[smem:$0x3FA8] =	sst s1  }
0xa: {  	[smem:$0x3FA9] =	sst s2  }
0xb: {  	[smem:$0x3FAA] =	sst s3  }
0xc: {  	[smem:$0x3FAB] =	sst s4  }
0xd: {  	[smem:$0x3FAC] =	sst s5  }
0xe: {  	[smem:$0x3FAD] =	sst s6  }
0xf: {  	[smem:$0x3FAE] =	sst s7  }
0x10: {  	[smem:$0x3FAF] =	sst s8  }
0x11: {  	[smem:$0x3FB0] =	sst s9;
	s0 =	simm.s32 @!p0 $0x0  }
0x12: {  	s1 =	sld [smem:$0x3F96];
	s0 =	simm.s32 @p0 $0x1  }
0x13: {  	[smem:$0x3FB1] =	sst s0;
	s0 =	simm.s32 @!p1 $0x0  }
0x14: {  	s2 =	sld [smem:$0x3F95];
	s0 =	simm.s32 @p1 $0x1  }
0x15: {  	[smem:$0x3FB2] =	sst s0;
	s0 =	simm.s32 @!p2 $0x0  }
0x16: {  	s3 =	sld [smem:$0x3FDB];
	s0 =	simm.s32 @p2 $0x1  }
0x17: {  	s4 =	simm.s32 $0x1BF5;
	[smem:$0x3FB4] =	sst s0  }
0x18: {  	s0 =	sld [smem:$0x3F97];
	_ =	swait.ge [sflag:s4], $0x0  }
0x19: {  	s7 =	sld [smem:$0x3F98]  }
0x1a: {  	s8 =	sadd.s32 $0xFFFFE003, lr  }
0x1b: {  	s9 =	sadd.s32 $0xFFFFFEF7, lr;
	s5 =	simm.s32 $0xFFFFFFFF;
	p2 =	slt.u32 s8, $0xFFFFF086  }
0x1c: {  	p1 =	slt.u32 s9, $0xF7A;
	s5 =	simm.s32 @!p2 $0x0  }
0x1d: {  	s5 =	simm.s32 @p1 $0x1;
	p0 =	seq.s32 s7, s2  }
0x1e: {  	s7 =	smul.u32 @!p0 $0xF7A, s2;
	p2 =	seq.s32 @!p0 s5, $0x0  }
0x1f: {  	s9 =	smul.u32 $0xF7A, s1;
	s8 =	simm.s32 @!p0 $0x1BF5;
	p2 =	por !p2, p0  }
0x20: {  	[sflag:s8] =	ssyncset.s32 @!p0 $0xFFFFF086;
	s6 =	sadd.s32 @!p0 s3, s7;
	s7 =	simm.s32 @!p0 $0x108  }
0x21: {  	s3 =	sadd.s32 s3, s9;
	s6 =	sadd.s32 @!p0 $0x88, s6;
	s7 =	simm.s32 @p2 $0x1082  }
0x22: {  	[simem:s7], [sflag:s8] =	dma.local @!p0 [hbm:s6], $0xF7A  }
0x23: {  	s9 =	sor.u32 $0xD0000000, s2;
	s6 =	simm.s32 $0x108;
	_ =	swait.ge @!p0 [sflag:s8], $0x0  }
0x24: {  	s3 =	sadd.s32 $0x88, s3;
	s6 =	simm.s32 @!p1 $0x1082;
	[sflag:s4] =	ssyncset.s32 $0xFFFFF086  }
0x25: {  	[simem:s6], [sflag:s4] =	dma.local [hbm:s3], $0xF7A  }
0x26: {  	[smem:$0x3F98] =	sst s1;
	(tag) =	ssettag s2;
	_ =	strace s9  }
0x27: {  	s1 =	sld [smem:$0x3FA8]  }
0x28: {  	s2 =	sld [smem:$0x3FA9]  }
0x29: {  	s4 =	sld [smem:$0x3FAB]  }
0x2a: {  	p0 =	seq.s32 s5, $0x0;
	s5 =	sld [smem:$0x3FAC]  }
0x2b: {  	s6 =	sld [smem:$0x3FAD]  }
0x2c: {  	s7 =	sld [smem:$0x3FAE]  }
0x2d: {  	s3 =	simm.s32 $0x108;
	s8 =	sld [smem:$0x3FAF]  }
0x2e: {  	s3 =	simm.s32 @!p0 $0x1082;
	s9 =	sld [smem:$0x3FB0]  }
0x2f: {  	lr =	sadd.s32 s0, s3;
	s0 =	sld [smem:$0x3FA7]  }
0x30: {  	s3 =	sld [smem:$0x3FAA]  }
0x31: {  	[smem:$0x3FB3] =	sst s10  }
0x32: {  	s10 =	sld [smem:$0x3FB1];
	_ =	sdelay $0x3  }
0x33: {  	p0 =	seq.s32 s10, $0x1;
	s10 =	sld [smem:$0x3FB3];
	_ =	sdelay $0x3  }
0x34: {  	[smem:$0x3FB3] =	sst s10  }
0x35: {  	s10 =	sld [smem:$0x3FB2];
	_ =	sdelay $0x3  }
0x36: {  	p1 =	seq.s32 s10, $0x1;
	s10 =	sld [smem:$0x3FB3];
	_ =	sdelay $0x3  }
0x37: {  	[smem:$0x3FB3] =	sst s10  }
0x38: {  	s10 =	sld [smem:$0x3FB4]  }
0x39: {  	_ = 	snop;
	(pc) =	sbr.ind lr, $3  }
0x3a: {  	_ = 	snop  }
0x3b: {  	_ = 	snop  }
0x3c: {  	p2 =	seq.s32 s10, $0x1;
	s10 =	sld [smem:$0x3FB3]  }
0x3d: {  	_ =	shalt  }
0x3e: {  	_ =	shalt  }
0x3f: {  	_ =	shalt  }
0x40: {  	_ =	shalt  }
0x41: {  	_ =	shalt  }
0x42: {  	_ =	shalt  }
0x43: {  	_ =	shalt  }
0x44: {  	_ =	shalt  }
0x45: {  	_ =	shalt  }
0x46: {  	_ =	shalt  }
0x47: {  	_ =	shalt  }
0x48: {  	_ =	shalt  }
0x49: {  	_ =	shalt  }
0x4a: {  	_ =	shalt  }
0x4b: {  	_ =	shalt  }
0x4c: {  	_ =	shalt  }
0x4d: {  	_ =	shalt  }
0x4e: {  	_ =	shalt  }
0x4f: {  	_ =	shalt  }
0x50: {  	_ =	shalt  }
0x51: {  	_ =	shalt  }
0x52: {  	_ =	shalt  }
0x53: {  	_ =	shalt  }
0x54: {  	_ =	shalt  }
0x55: {  	_ =	shalt  }
0x56: {  	_ =	shalt  }
0x57: {  	_ =	shalt  }
0x58: {  	_ =	shalt  }
0x59: {  	_ =	shalt  }
0x5a: {  	_ =	shalt  }
0x5b: {  	_ =	shalt  }
0x5c: {  	_ =	shalt  }
0x5d: {  	_ =	shalt  }
0x5e: {  	_ =	shalt  }
0x5f: {  	_ =	shalt  }
0x60: {  	_ =	shalt  }
0x61: {  	_ =	shalt  }
0x62: {  	_ =	shalt  }
0x63: {  	_ =	shalt  }
0x64: {  	_ =	shalt  }
0x65: {  	_ =	shalt  }
0x66: {  	_ =	shalt  }
0x67: {  	_ =	shalt  }
0x68: {  	_ =	shalt  }
0x69: {  	_ =	shalt  }
0x6a: {  	_ =	shalt  }
0x6b: {  	_ =	shalt  }
0x6c: {  	_ =	shalt  }
0x6d: {  	_ =	shalt  }
0x6e: {  	_ =	shalt  }
0x6f: {  	_ =	shalt  }
0x70: {  	_ =	shalt  }
0x71: {  	_ =	shalt  }
0x72: {  	_ =	shalt  }
0x73: {  	_ =	shalt  }
0x74: {  	_ =	shalt  }
0x75: {  	_ =	shalt  }
0x76: {  	_ =	shalt  }
0x77: {  	_ =	shalt  }
0x78: {  	_ =	shalt  }
0x79: {  	_ =	shalt  }
0x7a: {  	_ =	shalt  }
0x7b: {  	_ =	shalt  }
0x7c: {  	_ =	shalt  }
0x7d: {  	_ =	shalt  }
0x7e: {  	_ =	shalt  }
0x7f: {  	_ =	shalt  }
0x80: {  	_ =	shalt  }
0x81: {  	_ =	shalt  }
0x82: {  	_ =	shalt  }
0x83: {  	_ =	shalt  }
0x84: {  	_ =	shalt  }
0x85: {  	_ =	shalt  }
0x86: {  	_ =	shalt  }
0x87: {  	_ =	shalt  }
.Lfunc_end0:
.L_simem_size_0:
called_computation.1_lowered:
.L_overlay_start_0:
0x88: {  	s2 =	sld [smem:$0x3FD9]  }
0x89: {  	s3 =	sld [smem:$0x3FFE];
	_ =	sdelay $0x1  }
0x8a: {  	s1 =	srdreg.scid  }
0x8b: {  	s0 =	sand.u32 $0x1, s1  }
0x8c: {  	s16 =	sshll.u32 s0, $0xA;
	s2 =	sadd.s32 s3, s2  }
0x8d: {  	s2 =	sadd.s32 s2, s16  }
0x8e: {  	[smem:$0x3FBF] =	sst s2  }
0x8f: {  	_ = 	snop  }
0x90: {  	(tm) =	ssettm $0x1  }
0x91: {  	s17 =	sld [smem:$0x3FFB];
	_ =	sdelay $0x3  }
0x92: {  	_ =	strace s17  }
0x93: {  	s2 =	sld [smem:$0x3FFC];
	_ =	sdelay $0x3  }
0x94: {  	_ =	strace s2  }
0x95: {  	s2 =	sld [smem:$0x3FFD];
	_ =	sdelay $0x3  }
0x96: {  	_ =	strace s2  }
0x97: {  	_ =	strace $0x8FFFFFFF  }
0x98: {  	s18 =	sld [smem:$0x3FDB];
	_ =	sdelay $0x1  }
0x99: {  	s19 =	simm.s32 $_scs_section_size  }
0x9a: {  	s4 =	simm.s32 $_size__tile_overlayer_lowered;
	s5 =	simm.s32 $_tile_overlayer_lowered  }
0x9b: {  	s22 =	simm.s32 $0x1BFF;
	s21 =	sshll.u32 s5, $0x1;
	s2 =	sadd.s32 s19, s18  }
0x9c: {  	s6 =	simm.s32 $0x0;
	s20 =	sshll.u32 s4, $0x1;
	s4 =	sadd.s32 s21, s2  }
0x9d: {  	[timem:s6], [sflag:s22] =	dma.local [hbm:s4], s20  }
0x9e: {  	_ =	swait.ge [sflag:s22], s20  }
0x9f: {  	s3 =	ssub.s32 $0x0, s20;
	[sflag:s22] =	ssyncset.done $0x0  }
0xa0: {  	[sflag:s22] =	ssyncadd.s32 s3;
	_ =	sdelay $0x1  }
0xa1: {  	s23 =	simm.s32 $0x1B8B  }
0xa2: {  	_ =	swait.ge [sflag:s23], $0x1  }
0xa3: {  	[sflag:s23] =	ssyncset.done $0x0  }
0xa4: {  	s25 =	simm.s32 $0x1B8E;
	s24 =	sld [smem:$0x3FFE];
	[sflag:s23] =	ssyncadd.s32 $0xFFFFFFFF  }
0xa5: {  	s26 =	simm.s32 $execute0_lowered;
	[smem:$0x3FD2] =	sst s25  }
0xa6: {  	s4 =	sshll.u32 s26, $0x1;
	_ =	strace $0x80000046;
	[dreg:$0x1] =	wrdreg $0xFFFFFFFF  }
0xa7: {  	s28 =	simm.s32 $_size_execute0_lowered;
	s2 =	sadd.s32 s2, s4;
	[dreg:$0x0] =	wrdreg $0x0  }
0xa8: {  	s4 =	sshll.u32 s28, $0x1;
	[dreg:$0x2] =	wrdreg s2  }
0xa9: {  	[dreg:$0x3] =	wrdreg s4  }
0xaa: {  	[dreg:$0x4] =	wrdreg $0xC0  }
0xab: {  	_ =	task [dreg:s6], $0x5FFFF  }
0xac: {  	[dreg:$0x1] =	wrdreg $0xFFFFFFFF  }
0xad: {  	[dreg:$0x0] =	wrdreg $0x60  }
0xae: {  	[dreg:$0x2] =	wrdreg s24  }
0xaf: {  	[dreg:$0x3] =	wrdreg $0x9  }
0xb0: {  	_ =	task.clear_ibuf [dreg:s6], $0x4FFFF;
	_ =	strace $0x90000046  }
0xb1: {  	s29 =	simm.s32 $0x9;
	_ =	strace $0x80000048  }
0xb2: {  	_ =	swait.ge [sflag:s29], $0x1  }
0xb3: {  	[sflag:s29] =	ssyncadd.s32 $0xFFFFFFFF  }
0xb4: {  	_ =	strace $0x90000048  }
0xb5: {  	_ =	sfence  }
0xb6: {  	s30 =	sld [smem:$0x0];
	_ =	sdelay $0x2  }
0xb7: {  	s31 =	sshll.u32 s1, $0xD;
	s1 =	sshrl.u32 s1, $0x2  }
0xb8: {  	s3 =	sand.u32 $0x4000, s31;
	s1 =	sadd.s32 s1, s30  }
0xb9: {  	s0 =	sor.u32 s3, s0;
	s1 =	sshll.u32 s1, $0x11  }
0xba: {  	s0 =	sor.u32 s1, s0  }
0xbb: {  	s0 =	sadd.s32 $0x8F2B, s0  }
0xbc: {  	[sflag:s0] =	ssyncadd.remote.s32 $0x1  }
0xbd: {  	_ =	sfence.sel $0xFFFF  }
0xbe: {  	[dreg:$0x0] =	wrdreg $0xFFFFFFFF;
	(pc) =	sbr.abs _section_cstart, $3  }
0xbf: {  	[dreg:$0x1] =	wrdreg $0xFFFFFFFF  }
0xc0: {  	_ =	task.clear_ibuf [dreg:s6], $0x2FFFF;
	_ =	strace $0x9FFFFFFF  }
0xc1: {  	(tm) =	ssettm $0x7FFFFFFF  }
tec
execute0_lowered:
.L_overlay_start_1:
0x0: {  	(tag) =	ssettag $0x1  }
0x1: {  	s0 =	rddreg [dreg:$0x0];
	s1 =	simm.s32 $0x0;
	s5 =	srdreg.scid  }
0x2: {  	s6 =	stileid.u32;
	s15 =	simm.s32 $0x5;
	s28 =	simm.s32 $0xB000  }
0x3: {  	s30 =	simm.s32 $0xD000;
	s29 =	simm.s32 $0x2;
	s31 =	simm.s32 $0x17000  }
0x4: {  	s16 =	simm.s32 $0x4;
	s17 =	simm.s32 $0x0;
	[smem:$0x7FF] =	sst s1  }
0x5: {  	s2 =	sadd.s32 $0xEA00, s0;
	s4 =	sadd.s32 $0xCA00, s0;
	s3 =	sadd.s32 $0xA00, s0  }
0x6: {  	s7 =	sadd.s32 $0x4A00, s0;
	s5 =	sand.u32 $0x1, s5;
	s6 =	sshll.u32 s6, $0xC  }
0x7: {  	s9 =	sadd.s32 $0x8A00, s0;
	s8 =	ssub.s32 $0x2, s5;
	s5 =	sshll.u32 s5, $0xB  }
0x8: {  	_ =	strace $0x80000047;
	s10 =	sshrl.u32 s8, $0x1;
	s5 =	sor.u32 s5, s6  }
0x9: {  	s6 =	sadd.s32 $0x12A00, s0;
	s0 =	simm.s32 $0xF000;
	s19 =	ssub.s32 s8, s10  }
0xa: {  	s20 =	sshrl.u32 s5, $0x3;
	s25 =	sshll.u32 s5, $0x4;
	s10 =	simm.s32 $0x800  }
0xb: {  	s21 =	sadd.s32 s3, s20;
	s22 =	sadd.s32 s7, s20;
	s23 =	sor.u32 $0x2000, s20  }
0xc: {  	s26 =	sadd.s32 s9, s20;
	s13 =	sadd.s32 s6, s25;
	s14 =	smax.u32 s19, $0x1  }
0xd: {  	s19 =	simm.s32 $0x80;
	s25 =	simm.s32 $0x9000;
	[dreg:$0x2] =	wrdreg s21  }
.Ltmp0:
0xe: {  	s20 =	simm.s32 $0x11000;
	[dreg:$0x3] =	wrdreg s22;
	(pc) =	sbr.rel .LBB2_1-.Ltmp0, $4  }
0xf: {  	s3 =	sadd.s32 s3, s23;
	s24 =	sadd.s32 s7, s23;
	[dreg:$0x6] =	wrdreg s26  }
0x10: {  	s12 =	sadd.s32 s9, s23;
	s21 =	simm.s32 $0x3000;
	s22 =	simm.s32 $0x5000  }
0x11: {  	s23 =	simm.s32 $0x1;
	s26 =	simm.s32 $0x13000;
	[dreg:$0x4] =	wrdreg s3  }
0x12: {  	[dreg:$0x5] =	wrdreg s24;
	s24 =	simm.s32 $0x7000;
	s3 =	simm.s32 $0x3  }
.LBB2_12:
0x13: {  	s17 =	sadd.s32 $0x1, s17  }
0x14: {  	p0 =	sne.s32 s17, s14  }
.Ltmp1:
0x15: {  	_ = 	snop;
	(pc) =	sbr.rel @!p0 .LBB2_13-.Ltmp1, $4  }
0x16: {  	_ = 	snop  }
0x17: {  	_ =	swait.ge [sflag:s16], $0x4000  }
0x18: {  	[sflag:s16] =	ssyncset.done $0x0  }
0x19: {  	s10 =	simm.s32 $0x800;
	[sflag:s16] =	ssyncadd.s32 $0xFFFFC000  }
.LBB2_1:
0x1a: {  	s7 =	rddreg [dreg:$0x2]  }
0x1b: {  	[tilespmem:s1], [sflag:$0x5] =	stream.linear.gather [hbm4b:s7+s1], $0x800, $0x38;
	[tilespmem:$0x1B000] =	vst v63  }
0x1c: {  	_ =	swait.ge [sflag:s15], $0x800  }
0x1d: {  	[sflag:s15] =	ssyncset.done $0x0  }
0x1e: {  	s18 =	rddreg [dreg:$0x3];
	[sflag:s15] =	ssyncadd.s32 $0xFFFFF800  }
0x1f: {  	[tilespmem:s10], [sflag:$0x5] =	stream.linear.gather [hbm4b:s18+s1], $0x800, $0x38;
	[tilespmem:$0x1B000] =	vst v63  }
0x20: {  	_ =	swait.ge [sflag:s15], $0x800  }
0x21: {  	[sflag:s15] =	ssyncset.done $0x0  }
0x22: {  	s7 =	simm.s32 $0x0;
	[sflag:s15] =	ssyncadd.s32 $0xFFFFF800  }
0x23: {  	v0 =	vld [tilespmem:s7+$0x0]  }
0x24: {  	s8 =	simm.s32 $0x40;
	v1 =	vld [tilespmem:s7+$0x800]  }
.LBB2_2:
0x25: {  	_ = 	snop  }
0x26: {  	p0 =	sne.s32 s8, $0x1FC0  }
.Ltmp2:
0x27: {  	_ = 	snop;
	(pc) =	sbr.rel @p0 .LBB2_2-.Ltmp2, $4  }
0x28: {  	v2 =	vmul.u32 $0x7, v0  }
0x29: {  	s9 =	sshra.s32 s8, $0x2  }
0x2a: {  	v0 =	vld [tilespmem:s9+$0x0];
	v2 =	vadd.s32 v1, v2  }
0x2b: {  	s8 =	sadd.s32 $0x40, s8;
	v1 =	vld [tilespmem:s9+$0x800];
	[tilespmem:s7+$0x1000] =	vst v2;
	s7 =	smov.u32 s9  }
0x2c: {  	_ =	sdelay $0x2  }
0x2d: {  	v0 =	vmul.u32 $0x7, v0;
	_ =	sdelay $0x1  }
0x2e: {  	v0 =	vadd.s32 v1, v0  }
0x2f: {  	s11 =	simm.s32 $0x0;
	s8 =	rddreg [dreg:$0x4];
	[tilespmem:s7+$0x1000] =	vst v0  }
0x30: {  	[tilespmem:s11], [sflag:$0x5] =	stream.linear.gather [hbm4b:s8+s11], $0x800, $0x38;
	[tilespmem:$0x1B000] =	vst v63  }
0x31: {  	_ =	swait.ge [sflag:s15], $0x800  }
0x32: {  	[sflag:s15] =	ssyncset.done $0x0  }
0x33: {  	s18 =	rddreg [dreg:$0x5];
	[sflag:s15] =	ssyncadd.s32 $0xFFFFF800  }
0x34: {  	[tilespmem:s10], [sflag:$0x5] =	stream.linear.gather [hbm4b:s18+s11], $0x800, $0x38;
	[tilespmem:$0x1B000] =	vst v63  }
0x35: {  	_ =	swait.ge [sflag:s15], $0x800  }
0x36: {  	[sflag:s15] =	ssyncset.done $0x0  }
0x37: {  	s7 =	simm.s32 $0x0;
	[sflag:s15] =	ssyncadd.s32 $0xFFFFF800  }
0x38: {  	v0 =	vld [tilespmem:s7+$0x0]  }
0x39: {  	s8 =	simm.s32 $0x40;
	v1 =	vld [tilespmem:s7+$0x800]  }
.LBB2_4:
0x3a: {  	_ = 	snop  }
0x3b: {  	p0 =	sne.s32 s8, $0x1FC0  }
.Ltmp3:
0x3c: {  	_ = 	snop;
	(pc) =	sbr.rel @p0 .LBB2_4-.Ltmp3, $4  }
0x3d: {  	v2 =	vmul.u32 $0x7, v0  }
0x3e: {  	s9 =	sshra.s32 s8, $0x2  }
0x3f: {  	v0 =	vld [tilespmem:s9+$0x0];
	v2 =	vadd.s32 v1, v2  }
0x40: {  	s8 =	sadd.s32 $0x40, s8;
	v1 =	vld [tilespmem:s9+$0x800];
	[tilespmem:s7+$0x1800] =	vst v2;
	s7 =	smov.u32 s9  }
0x41: {  	_ =	sdelay $0x2  }
0x42: {  	v0 =	vmul.u32 $0x7, v0;
	_ =	sdelay $0x1  }
0x43: {  	v0 =	vadd.s32 v1, v0  }
0x44: {  	s18 =	simm.s32 $0x0;
	s9 =	rddreg [dreg:$0x6];
	s8 =	simm.s32 $0x2000;
	[tilespmem:s7+$0x1800] =	vst v0  }
0x45: {  	[tilespmem:s8], [sflag:$0x5] =	stream.linear.gather [hbm4b:s9+s18], $0x800, $0x38;
	[tilespmem:$0x1B000] =	vst v63  }
0x46: {  	_ =	swait.ge [sflag:s15], $0x800  }
0x47: {  	[sflag:s15] =	ssyncset.done $0x0  }
0x48: {  	s10 =	simm.s32 $0x2800;
	[sflag:s15] =	ssyncadd.s32 $0xFFFFF800  }
0x49: {  	[tilespmem:s10], [sflag:$0x5] =	stream.linear.gather [hbm4b:s12+s18], $0x800, $0x38;
	[tilespmem:$0x1B000] =	vst v63  }
0x4a: {  	_ =	swait.ge [sflag:s15], $0x800  }
0x4b: {  	[sflag:s15] =	ssyncset.done $0x0  }
0x4c: {  	s9 =	simm.s32 $0x1000;
	[sflag:s15] =	ssyncadd.s32 $0xFFFFF800  }
0x4d: {  	[tilespmem:s21], [sflag:$0x1] =	stream.indirect.gather [hbm4b:s2+s19], $0x40, s9, s19, $0xb8;
	[tilespmem:$0x1B000] =	vst v63  }
0x4e: {  	_ = 	snop  }
0x4f: {  	[tilespmem:s22], [sflag:$0x1] =	stream.indirect.gather [hbm4b:s4+s19], $0x40, s8, s19, $0xb8;
	[tilespmem:$0x1B000] =	vst v63  }
0x50: {  	s11 =	simm.s32 $0x1800  }
0x51: {  	[tilespmem:s24], [sflag:$0x1] =	stream.indirect.gather [hbm4b:s2+s19], $0x40, s11, s19, $0xb8;
	[tilespmem:$0x1B000] =	vst v63  }
0x52: {  	_ = 	snop  }
0x53: {  	[tilespmem:s25], [sflag:$0x1] =	stream.indirect.gather [hbm4b:s4+s19], $0x40, s10, s19, $0xb8;
	[tilespmem:$0x1B000] =	vst v63  }
0x54: {  	s8 =	simm.s32 $0x1080  }
0x55: {  	[tilespmem:s28], [sflag:$0x2] =	stream.indirect.gather [hbm4b:s2+s19], $0x40, s8, s19, $0xb8;
	[tilespmem:$0x1B000] =	vst v63  }
0x56: {  	s9 =	simm.s32 $0x2080  }
0x57: {  	[tilespmem:s30], [sflag:$0x2] =	stream.indirect.gather [hbm4b:s4+s19], $0x40, s9, s19, $0xb8;
	[tilespmem:$0x1B000] =	vst v63  }
0x58: {  	s10 =	simm.s32 $0x1880  }
0x59: {  	[tilespmem:s0], [sflag:$0x2] =	stream.indirect.gather [hbm4b:s2+s19], $0x40, s10, s19, $0xb8;
	[tilespmem:$0x1B000] =	vst v63  }
0x5a: {  	s11 =	simm.s32 $0x2880  }
0x5b: {  	[tilespmem:s20], [sflag:$0x2] =	stream.indirect.gather [hbm4b:s4+s19], $0x40, s11, s19, $0xb8;
	[tilespmem:$0x1B000] =	vst v63  }
.LBB2_6:
0x5c: {  	_ =	swait.ge [sflag:s23], $0x2000  }
0x5d: {  	[sflag:s23] =	ssyncset.done $0x0  }
0x5e: {  	[sflag:s23] =	ssyncadd.s32 $0xFFFFE000  }
0x5f: {  	_ =	swait.ge [sflag:s23], $0x2000  }
0x60: {  	[sflag:s23] =	ssyncset.done $0x0  }
0x61: {  	[sflag:s23] =	ssyncadd.s32 $0xFFFFE000  }
0x62: {  	_ =	swait.ge [sflag:s23], $0x2000  }
0x63: {  	[sflag:s23] =	ssyncset.done $0x0  }
0x64: {  	[sflag:s23] =	ssyncadd.s32 $0xFFFFE000  }
0x65: {  	_ =	swait.ge [sflag:s23], $0x2000  }
0x66: {  	[sflag:s23] =	ssyncset.done $0x0  }
0x67: {  	s7 =	simm.s32 $0x0;
	[sflag:s23] =	ssyncadd.s32 $0xFFFFE000  }
0x68: {  	v0 =	vld [tilespmem:s7+$0x3000]  }
0x69: {  	v1 =	vld [tilespmem:s7+$0x5000];
	_ =	sdelay $0x4  }
0x6a: {  	v0 =	vadd.f32 v1, v0  }
0x6b: {  	s8 =	simm.s32 $0x13100  }
0x6c: {  	[tilespmem:s8+$0xFFFFFF00] =	vst v0  }
0x6d: {  	v0 =	vld [tilespmem:s7+$0x7000]  }
0x6e: {  	v1 =	vld [tilespmem:s7+$0x9000];
	_ =	sdelay $0x4  }
0x6f: {  	v0 =	vadd.f32 v1, v0;
	_ =	sdelay $0x1  }
0x70: {  	[tilespmem:s8+$0xFFFFFF40] =	vst v0  }
0x71: {  	v0 =	vld [tilespmem:s7+$0x3010]  }
0x72: {  	v1 =	vld [tilespmem:s7+$0x5010];
	_ =	sdelay $0x4  }
0x73: {  	v0 =	vadd.f32 v1, v0;
	_ =	sdelay $0x1  }
0x74: {  	[tilespmem:s8+$0xFFFFFF10] =	vst v0  }
0x75: {  	v0 =	vld [tilespmem:s7+$0x7010]  }
0x76: {  	v1 =	vld [tilespmem:s7+$0x9010];
	_ =	sdelay $0x4  }
0x77: {  	v0 =	vadd.f32 v1, v0;
	_ =	sdelay $0x1  }
0x78: {  	[tilespmem:s8+$0xFFFFFF50] =	vst v0  }
0x79: {  	v0 =	vld [tilespmem:s7+$0x3020]  }
0x7a: {  	v1 =	vld [tilespmem:s7+$0x5020];
	_ =	sdelay $0x4  }
0x7b: {  	v0 =	vadd.f32 v1, v0;
	_ =	sdelay $0x1  }
0x7c: {  	[tilespmem:s8+$0xFFFFFF20] =	vst v0  }
0x7d: {  	v0 =	vld [tilespmem:s7+$0x7020]  }
0x7e: {  	v1 =	vld [tilespmem:s7+$0x9020];
	_ =	sdelay $0x4  }
0x7f: {  	v0 =	vadd.f32 v1, v0;
	_ =	sdelay $0x1  }
0x80: {  	[tilespmem:s8+$0xFFFFFF60] =	vst v0  }
0x81: {  	v0 =	vld [tilespmem:s7+$0x3030]  }
0x82: {  	v1 =	vld [tilespmem:s7+$0x5030];
	_ =	sdelay $0x4  }
0x83: {  	v0 =	vadd.f32 v1, v0;
	_ =	sdelay $0x1  }
0x84: {  	[tilespmem:s8+$0xFFFFFF30] =	vst v0  }
0x85: {  	v0 =	vld [tilespmem:s7+$0x7030]  }
0x86: {  	v1 =	vld [tilespmem:s7+$0x9030];
	_ =	sdelay $0x4  }
0x87: {  	v0 =	vadd.f32 v1, v0;
	_ =	sdelay $0x1  }
0x88: {  	[tilespmem:s8+$0xFFFFFF70] =	vst v0  }
0x89: {  	v0 =	vld [tilespmem:s7+$0x3040]  }
0x8a: {  	v1 =	vld [tilespmem:s7+$0x5040];
	_ =	sdelay $0x4  }
0x8b: {  	v0 =	vadd.f32 v1, v0;
	_ =	sdelay $0x1  }
0x8c: {  	[tilespmem:s8+$0xFFFFFF80] =	vst v0  }
0x8d: {  	v0 =	vld [tilespmem:s7+$0x7040]  }
0x8e: {  	v1 =	vld [tilespmem:s7+$0x9040];
	_ =	sdelay $0x4  }
0x8f: {  	v0 =	vadd.f32 v1, v0;
	_ =	sdelay $0x1  }
0x90: {  	[tilespmem:s8+$0xFFFFFFC0] =	vst v0  }
0x91: {  	v0 =	vld [tilespmem:s7+$0x3050]  }
0x92: {  	v1 =	vld [tilespmem:s7+$0x5050];
	_ =	sdelay $0x4  }
0x93: {  	v0 =	vadd.f32 v1, v0;
	_ =	sdelay $0x1  }
0x94: {  	[tilespmem:s8+$0xFFFFFF90] =	vst v0  }
0x95: {  	v0 =	vld [tilespmem:s7+$0x7050]  }
0x96: {  	v1 =	vld [tilespmem:s7+$0x9050];
	_ =	sdelay $0x4  }
0x97: {  	v0 =	vadd.f32 v1, v0;
	_ =	sdelay $0x1  }
0x98: {  	[tilespmem:s8+$0xFFFFFFD0] =	vst v0  }
0x99: {  	v0 =	vld [tilespmem:s7+$0x3060]  }
0x9a: {  	v1 =	vld [tilespmem:s7+$0x5060];
	_ =	sdelay $0x4  }
0x9b: {  	v0 =	vadd.f32 v1, v0;
	_ =	sdelay $0x1  }
0x9c: {  	[tilespmem:s8+$0xFFFFFFA0] =	vst v0  }
0x9d: {  	v0 =	vld [tilespmem:s7+$0x7060]  }
0x9e: {  	v1 =	vld [tilespmem:s7+$0x9060];
	_ =	sdelay $0x4  }
0x9f: {  	v0 =	vadd.f32 v1, v0;
	_ =	sdelay $0x1  }
0xa0: {  	[tilespmem:s8+$0xFFFFFFE0] =	vst v0  }
0xa1: {  	v0 =	vld [tilespmem:s7+$0x3070]  }
0xa2: {  	v1 =	vld [tilespmem:s7+$0x5070];
	_ =	sdelay $0x4  }
0xa3: {  	v0 =	vadd.f32 v1, v0;
	_ =	sdelay $0x1  }
0xa4: {  	[tilespmem:s8+$0xFFFFFFB0] =	vst v0  }
0xa5: {  	v0 =	vld [tilespmem:s7+$0x7070]  }
0xa6: {  	v1 =	vld [tilespmem:s7+$0x9070];
	_ =	sdelay $0x4  }
0xa7: {  	v0 =	vadd.f32 v1, v0;
	_ =	sdelay $0x1  }
0xa8: {  	[tilespmem:s8+$0xFFFFFFF0] =	vst v0  }
0xa9: {  	v0 =	vld [tilespmem:s7+$0x3080]  }
0xaa: {  	v1 =	vld [tilespmem:s7+$0x5080];
	_ =	sdelay $0x4  }
0xab: {  	v0 =	vadd.f32 v1, v0;
	_ =	sdelay $0x1  }
0xac: {  	[tilespmem:s8+$0x0] =	vst v0  }
0xad: {  	v0 =	vld [tilespmem:s7+$0x7080]  }
0xae: {  	v1 =	vld [tilespmem:s7+$0x9080];
	_ =	sdelay $0x4  }
0xaf: {  	v0 =	vadd.f32 v1, v0;
	_ =	sdelay $0x1  }
0xb0: {  	[tilespmem:s8+$0x40] =	vst v0  }
0xb1: {  	v0 =	vld [tilespmem:s7+$0x3090]  }
0xb2: {  	v1 =	vld [tilespmem:s7+$0x5090];
	_ =	sdelay $0x4  }
0xb3: {  	v0 =	vadd.f32 v1, v0;
	_ =	sdelay $0x1  }
0xb4: {  	[tilespmem:s8+$0x10] =	vst v0  }
0xb5: {  	v0 =	vld [tilespmem:s7+$0x7090]  }
0xb6: {  	v1 =	vld [tilespmem:s7+$0x9090];
	_ =	sdelay $0x4  }
0xb7: {  	v0 =	vadd.f32 v1, v0;
	_ =	sdelay $0x1  }
0xb8: {  	[tilespmem:s8+$0x50] =	vst v0  }
0xb9: {  	v0 =	vld [tilespmem:s7+$0x30A0]  }
0xba: {  	v1 =	vld [tilespmem:s7+$0x50A0];
	_ =	sdelay $0x4  }
0xbb: {  	v0 =	vadd.f32 v1, v0;
	_ =	sdelay $0x1  }
0xbc: {  	[tilespmem:s8+$0x20] =	vst v0  }
0xbd: {  	v0 =	vld [tilespmem:s7+$0x70A0]  }
0xbe: {  	v1 =	vld [tilespmem:s7+$0x90A0];
	_ =	sdelay $0x4  }
0xbf: {  	v0 =	vadd.f32 v1, v0;
	_ =	sdelay $0x1  }
0xc0: {  	[tilespmem:s8+$0x60] =	vst v0  }
0xc1: {  	v0 =	vld [tilespmem:s7+$0x30B0]  }
0xc2: {  	v1 =	vld [tilespmem:s7+$0x50B0];
	_ =	sdelay $0x4  }
0xc3: {  	v0 =	vadd.f32 v1, v0;
	_ =	sdelay $0x1  }
0xc4: {  	[tilespmem:s8+$0x30] =	vst v0  }
0xc5: {  	v0 =	vld [tilespmem:s7+$0x70B0]  }
0xc6: {  	v1 =	vld [tilespmem:s7+$0x90B0];
	_ =	sdelay $0x4  }
0xc7: {  	v0 =	vadd.f32 v1, v0;
	_ =	sdelay $0x1  }
0xc8: {  	[tilespmem:s8+$0x70] =	vst v0  }
0xc9: {  	v0 =	vld [tilespmem:s7+$0x30C0]  }
0xca: {  	v1 =	vld [tilespmem:s7+$0x50C0];
	_ =	sdelay $0x4  }
0xcb: {  	v0 =	vadd.f32 v1, v0;
	_ =	sdelay $0x1  }
0xcc: {  	[tilespmem:s8+$0x80] =	vst v0  }
0xcd: {  	v0 =	vld [tilespmem:s7+$0x70C0]  }
0xce: {  	v1 =	vld [tilespmem:s7+$0x90C0];
	_ =	sdelay $0x4  }
0xcf: {  	v0 =	vadd.f32 v1, v0;
	_ =	sdelay $0x1  }
0xd0: {  	[tilespmem:s8+$0xC0] =	vst v0  }
0xd1: {  	v0 =	vld [tilespmem:s7+$0x30D0]  }
0xd2: {  	v1 =	vld [tilespmem:s7+$0x50D0];
	_ =	sdelay $0x4  }
0xd3: {  	v0 =	vadd.f32 v1, v0;
	_ =	sdelay $0x1  }
0xd4: {  	[tilespmem:s8+$0x90] =	vst v0  }
0xd5: {  	v0 =	vld [tilespmem:s7+$0x70D0]  }
0xd6: {  	v1 =	vld [tilespmem:s7+$0x90D0];
	_ =	sdelay $0x4  }
0xd7: {  	v0 =	vadd.f32 v1, v0;
	_ =	sdelay $0x1  }
0xd8: {  	[tilespmem:s8+$0xD0] =	vst v0  }
0xd9: {  	v0 =	vld [tilespmem:s7+$0x30E0]  }
0xda: {  	s10 =	simm.s32 $0x400;
	s9 =	simm.s32 $0x13100;
	v1 =	vld [tilespmem:s7+$0x50E0]  }
.LBB2_7:
0xdb: {  	p0 =	sne.s32 s10, $0x7C00  }
0xdc: {  	s8 =	sadd.s32 $0x200, s8;
	s11 =	smov.u32 s10;
	s10 =	sadd.s32 $0x400, s10  }
0xdd: {  	_ =	sdelay $0x1  }
0xde: {  	v0 =	vadd.f32 v1, v0;
	_ =	sdelay $0x1  }
0xdf: {  	[tilespmem:s9+$0xA0] =	vst v0  }
0xe0: {  	v0 =	vld [tilespmem:s7+$0x70E0]  }
0xe1: {  	v1 =	vld [tilespmem:s7+$0x90E0];
	_ =	sdelay $0x4  }
0xe2: {  	v0 =	vadd.f32 v1, v0;
	_ =	sdelay $0x1  }
0xe3: {  	[tilespmem:s9+$0xE0] =	vst v0  }
0xe4: {  	v0 =	vld [tilespmem:s7+$0x30F0]  }
0xe5: {  	v1 =	vld [tilespmem:s7+$0x50F0];
	_ =	sdelay $0x4  }
0xe6: {  	v0 =	vadd.f32 v1, v0;
	_ =	sdelay $0x1  }
0xe7: {  	[tilespmem:s9+$0xB0] =	vst v0  }
0xe8: {  	v0 =	vld [tilespmem:s7+$0x70F0]  }
0xe9: {  	v1 =	vld [tilespmem:s7+$0x90F0];
	_ =	sdelay $0x4  }
0xea: {  	v0 =	vadd.f32 v1, v0;
	_ =	sdelay $0x1  }
0xeb: {  	s7 =	sshra.s32 s11, $0x2;
	[tilespmem:s9+$0xF0] =	vst v0;
	s9 =	smov.u32 s8  }
0xec: {  	v0 =	vld [tilespmem:s7+$0x3000]  }
0xed: {  	v1 =	vld [tilespmem:s7+$0x5000];
	_ =	sdelay $0x4  }
0xee: {  	v0 =	vadd.f32 v1, v0;
	_ =	sdelay $0x1  }
0xef: {  	[tilespmem:s8+$0xFFFFFF00] =	vst v0  }
0xf0: {  	v0 =	vld [tilespmem:s7+$0x7000]  }
0xf1: {  	v1 =	vld [tilespmem:s7+$0x9000];
	_ =	sdelay $0x4  }
0xf2: {  	v0 =	vadd.f32 v1, v0;
	_ =	sdelay $0x1  }
0xf3: {  	[tilespmem:s8+$0xFFFFFF40] =	vst v0  }
0xf4: {  	v0 =	vld [tilespmem:s7+$0x3010]  }
0xf5: {  	v1 =	vld [tilespmem:s7+$0x5010];
	_ =	sdelay $0x4  }
0xf6: {  	v0 =	vadd.f32 v1, v0;
	_ =	sdelay $0x1  }
0xf7: {  	[tilespmem:s8+$0xFFFFFF10] =	vst v0  }
0xf8: {  	v0 =	vld [tilespmem:s7+$0x7010]  }
0xf9: {  	v1 =	vld [tilespmem:s7+$0x9010];
	_ =	sdelay $0x4  }
0xfa: {  	v0 =	vadd.f32 v1, v0;
	_ =	sdelay $0x1  }
0xfb: {  	[tilespmem:s8+$0xFFFFFF50] =	vst v0  }
0xfc: {  	v0 =	vld [tilespmem:s7+$0x3020]  }
0xfd: {  	v1 =	vld [tilespmem:s7+$0x5020];
	_ =	sdelay $0x4  }
0xfe: {  	v0 =	vadd.f32 v1, v0;
	_ =	sdelay $0x1  }
0xff: {  	[tilespmem:s8+$0xFFFFFF20] =	vst v0  }
0x100: {  	v0 =	vld [tilespmem:s7+$0x7020]  }
0x101: {  	v1 =	vld [tilespmem:s7+$0x9020];
	_ =	sdelay $0x4  }
0x102: {  	v0 =	vadd.f32 v1, v0;
	_ =	sdelay $0x1  }
0x103: {  	[tilespmem:s8+$0xFFFFFF60] =	vst v0  }
0x104: {  	v0 =	vld [tilespmem:s7+$0x3030]  }
0x105: {  	v1 =	vld [tilespmem:s7+$0x5030];
	_ =	sdelay $0x4  }
0x106: {  	v0 =	vadd.f32 v1, v0;
	_ =	sdelay $0x1  }
0x107: {  	[tilespmem:s8+$0xFFFFFF30] =	vst v0  }
0x108: {  	v0 =	vld [tilespmem:s7+$0x7030]  }
0x109: {  	v1 =	vld [tilespmem:s7+$0x9030];
	_ =	sdelay $0x4  }
0x10a: {  	v0 =	vadd.f32 v1, v0;
	_ =	sdelay $0x1  }
0x10b: {  	[tilespmem:s8+$0xFFFFFF70] =	vst v0  }
0x10c: {  	v0 =	vld [tilespmem:s7+$0x3040]  }
0x10d: {  	v1 =	vld [tilespmem:s7+$0x5040];
	_ =	sdelay $0x4  }
0x10e: {  	v0 =	vadd.f32 v1, v0;
	_ =	sdelay $0x1  }
0x10f: {  	[tilespmem:s8+$0xFFFFFF80] =	vst v0  }
0x110: {  	v0 =	vld [tilespmem:s7+$0x7040]  }
0x111: {  	v1 =	vld [tilespmem:s7+$0x9040];
	_ =	sdelay $0x4  }
0x112: {  	v0 =	vadd.f32 v1, v0;
	_ =	sdelay $0x1  }
0x113: {  	[tilespmem:s8+$0xFFFFFFC0] =	vst v0  }
0x114: {  	v0 =	vld [tilespmem:s7+$0x3050]  }
0x115: {  	v1 =	vld [tilespmem:s7+$0x5050];
	_ =	sdelay $0x4  }
0x116: {  	v0 =	vadd.f32 v1, v0;
	_ =	sdelay $0x1  }
0x117: {  	[tilespmem:s8+$0xFFFFFF90] =	vst v0  }
0x118: {  	v0 =	vld [tilespmem:s7+$0x7050]  }
0x119: {  	v1 =	vld [tilespmem:s7+$0x9050];
	_ =	sdelay $0x4  }
0x11a: {  	v0 =	vadd.f32 v1, v0;
	_ =	sdelay $0x1  }
0x11b: {  	[tilespmem:s8+$0xFFFFFFD0] =	vst v0  }
0x11c: {  	v0 =	vld [tilespmem:s7+$0x3060]  }
0x11d: {  	v1 =	vld [tilespmem:s7+$0x5060];
	_ =	sdelay $0x4  }
0x11e: {  	v0 =	vadd.f32 v1, v0;
	_ =	sdelay $0x1  }
0x11f: {  	[tilespmem:s8+$0xFFFFFFA0] =	vst v0  }
0x120: {  	v0 =	vld [tilespmem:s7+$0x7060]  }
0x121: {  	v1 =	vld [tilespmem:s7+$0x9060];
	_ =	sdelay $0x4  }
0x122: {  	v0 =	vadd.f32 v1, v0;
	_ =	sdelay $0x1  }
0x123: {  	[tilespmem:s8+$0xFFFFFFE0] =	vst v0  }
0x124: {  	v0 =	vld [tilespmem:s7+$0x3070]  }
0x125: {  	v1 =	vld [tilespmem:s7+$0x5070];
	_ =	sdelay $0x4  }
0x126: {  	v0 =	vadd.f32 v1, v0;
	_ =	sdelay $0x1  }
0x127: {  	[tilespmem:s8+$0xFFFFFFB0] =	vst v0  }
0x128: {  	v0 =	vld [tilespmem:s7+$0x7070]  }
0x129: {  	v1 =	vld [tilespmem:s7+$0x9070];
	_ =	sdelay $0x4  }
0x12a: {  	v0 =	vadd.f32 v1, v0;
	_ =	sdelay $0x1  }
0x12b: {  	[tilespmem:s8+$0xFFFFFFF0] =	vst v0  }
0x12c: {  	v0 =	vld [tilespmem:s7+$0x3080]  }
0x12d: {  	v1 =	vld [tilespmem:s7+$0x5080];
	_ =	sdelay $0x4  }
0x12e: {  	v0 =	vadd.f32 v1, v0;
	_ =	sdelay $0x1  }
0x12f: {  	[tilespmem:s8+$0x0] =	vst v0  }
0x130: {  	v0 =	vld [tilespmem:s7+$0x7080]  }
0x131: {  	v1 =	vld [tilespmem:s7+$0x9080];
	_ =	sdelay $0x4  }
0x132: {  	v0 =	vadd.f32 v1, v0;
	_ =	sdelay $0x1  }
0x133: {  	[tilespmem:s8+$0x40] =	vst v0  }
0x134: {  	v0 =	vld [tilespmem:s7+$0x3090]  }
0x135: {  	v1 =	vld [tilespmem:s7+$0x5090];
	_ =	sdelay $0x4  }
0x136: {  	v0 =	vadd.f32 v1, v0;
	_ =	sdelay $0x1  }
0x137: {  	[tilespmem:s8+$0x10] =	vst v0  }
0x138: {  	v0 =	vld [tilespmem:s7+$0x7090]  }
0x139: {  	v1 =	vld [tilespmem:s7+$0x9090];
	_ =	sdelay $0x4  }
0x13a: {  	v0 =	vadd.f32 v1, v0;
	_ =	sdelay $0x1  }
0x13b: {  	[tilespmem:s8+$0x50] =	vst v0  }
0x13c: {  	v0 =	vld [tilespmem:s7+$0x30A0]  }
0x13d: {  	v1 =	vld [tilespmem:s7+$0x50A0];
	_ =	sdelay $0x4  }
0x13e: {  	v0 =	vadd.f32 v1, v0;
	_ =	sdelay $0x1  }
0x13f: {  	[tilespmem:s8+$0x20] =	vst v0  }
0x140: {  	v0 =	vld [tilespmem:s7+$0x70A0]  }
0x141: {  	v1 =	vld [tilespmem:s7+$0x90A0];
	_ =	sdelay $0x4  }
0x142: {  	v0 =	vadd.f32 v1, v0;
	_ =	sdelay $0x1  }
0x143: {  	[tilespmem:s8+$0x60] =	vst v0  }
0x144: {  	v0 =	vld [tilespmem:s7+$0x30B0]  }
0x145: {  	v1 =	vld [tilespmem:s7+$0x50B0];
	_ =	sdelay $0x4  }
0x146: {  	v0 =	vadd.f32 v1, v0;
	_ =	sdelay $0x1  }
0x147: {  	[tilespmem:s8+$0x30] =	vst v0  }
0x148: {  	v0 =	vld [tilespmem:s7+$0x70B0]  }
0x149: {  	v1 =	vld [tilespmem:s7+$0x90B0];
	_ =	sdelay $0x4  }
0x14a: {  	v0 =	vadd.f32 v1, v0;
	_ =	sdelay $0x1  }
0x14b: {  	[tilespmem:s8+$0x70] =	vst v0  }
0x14c: {  	v0 =	vld [tilespmem:s7+$0x30C0]  }
0x14d: {  	v1 =	vld [tilespmem:s7+$0x50C0];
	_ =	sdelay $0x4  }
0x14e: {  	v0 =	vadd.f32 v1, v0;
	_ =	sdelay $0x1  }
0x14f: {  	[tilespmem:s8+$0x80] =	vst v0  }
0x150: {  	v0 =	vld [tilespmem:s7+$0x70C0]  }
0x151: {  	v1 =	vld [tilespmem:s7+$0x90C0];
	_ =	sdelay $0x4  }
0x152: {  	v0 =	vadd.f32 v1, v0;
	_ =	sdelay $0x1  }
0x153: {  	[tilespmem:s8+$0xC0] =	vst v0  }
0x154: {  	v0 =	vld [tilespmem:s7+$0x30D0]  }
0x155: {  	v1 =	vld [tilespmem:s7+$0x50D0];
	_ =	sdelay $0x4  }
0x156: {  	v0 =	vadd.f32 v1, v0;
	_ =	sdelay $0x1  }
0x157: {  	[tilespmem:s8+$0x90] =	vst v0  }
0x158: {  	v0 =	vld [tilespmem:s7+$0x70D0]  }
0x159: {  	v1 =	vld [tilespmem:s7+$0x90D0];
	_ =	sdelay $0x4  }
.Ltmp4:
0x15a: {  	v0 =	vadd.f32 v1, v0;
	(pc) =	sbr.rel @p0 .LBB2_7-.Ltmp4, $4  }
0x15b: {  	_ = 	snop  }
0x15c: {  	[tilespmem:s8+$0xD0] =	vst v0  }
0x15d: {  	v0 =	vld [tilespmem:s7+$0x30E0]  }
0x15e: {  	v1 =	vld [tilespmem:s7+$0x50E0]  }
0x15f: {  	_ =	sdelay $0x3  }
0x160: {  	v0 =	vadd.f32 v1, v0;
	_ =	sdelay $0x1  }
0x161: {  	[tilespmem:s9+$0xA0] =	vst v0  }
0x162: {  	v0 =	vld [tilespmem:s7+$0x70E0]  }
0x163: {  	v1 =	vld [tilespmem:s7+$0x90E0];
	_ =	sdelay $0x4  }
0x164: {  	v0 =	vadd.f32 v1, v0;
	_ =	sdelay $0x1  }
0x165: {  	[tilespmem:s9+$0xE0] =	vst v0  }
0x166: {  	v0 =	vld [tilespmem:s7+$0x30F0]  }
0x167: {  	v1 =	vld [tilespmem:s7+$0x50F0];
	_ =	sdelay $0x4  }
0x168: {  	v0 =	vadd.f32 v1, v0;
	_ =	sdelay $0x1  }
0x169: {  	[tilespmem:s9+$0xB0] =	vst v0  }
0x16a: {  	v0 =	vld [tilespmem:s7+$0x70F0]  }
0x16b: {  	v1 =	vld [tilespmem:s7+$0x90F0];
	_ =	sdelay $0x4  }
0x16c: {  	v0 =	vadd.f32 v1, v0  }
0x16d: {  	s11 =	sshll.u32 s18, $0xC  }
0x16e: {  	s8 =	simm.s32 $0x0;
	s7 =	sadd.s32 s11, s13;
	[tilespmem:s9+$0xF0] =	vst v0  }
0x16f: {  	[hbm4b:s7+s8] =	stream.linear.scatter [tilespmem:s26], [sflag:$0x3], $0x4000, $0x38;
	[tilespmem:$0x1B000] =	vst v63  }
0x170: {  	_ =	swait.ge [sflag:s29], $0x2000  }
0x171: {  	[sflag:s29] =	ssyncset.done $0x0  }
0x172: {  	[sflag:s29] =	ssyncadd.s32 $0xFFFFE000  }
0x173: {  	_ =	swait.ge [sflag:s29], $0x2000  }
0x174: {  	[sflag:s29] =	ssyncset.done $0x0  }
0x175: {  	[sflag:s29] =	ssyncadd.s32 $0xFFFFE000  }
0x176: {  	_ =	swait.ge [sflag:s29], $0x2000  }
0x177: {  	[sflag:s29] =	ssyncset.done $0x0  }
0x178: {  	[sflag:s29] =	ssyncadd.s32 $0xFFFFE000  }
0x179: {  	_ =	swait.ge [sflag:s29], $0x2000  }
0x17a: {  	[sflag:s29] =	ssyncset.done $0x0  }
0x17b: {  	s7 =	simm.s32 $0x0;
	[sflag:s29] =	ssyncadd.s32 $0xFFFFE000  }
0x17c: {  	v0 =	vld [tilespmem:s7+$0xB000]  }
0x17d: {  	v1 =	vld [tilespmem:s7+$0xD000];
	_ =	sdelay $0x4  }
0x17e: {  	v0 =	vadd.f32 v1, v0  }
0x17f: {  	s8 =	simm.s32 $0x17100  }
0x180: {  	[tilespmem:s8+$0xFFFFFF00] =	vst v0  }
0x181: {  	v0 =	vld [tilespmem:s7+$0xF000]  }
0x182: {  	v1 =	vld [tilespmem:s7+$0x11000];
	_ =	sdelay $0x4  }
0x183: {  	v0 =	vadd.f32 v1, v0;
	_ =	sdelay $0x1  }
0x184: {  	[tilespmem:s8+$0xFFFFFF40] =	vst v0  }
0x185: {  	v0 =	vld [tilespmem:s7+$0xB010]  }
0x186: {  	v1 =	vld [tilespmem:s7+$0xD010];
	_ =	sdelay $0x4  }
0x187: {  	v0 =	vadd.f32 v1, v0;
	_ =	sdelay $0x1  }
0x188: {  	[tilespmem:s8+$0xFFFFFF10] =	vst v0  }
0x189: {  	v0 =	vld [tilespmem:s7+$0xF010]  }
0x18a: {  	v1 =	vld [tilespmem:s7+$0x11010];
	_ =	sdelay $0x4  }
0x18b: {  	v0 =	vadd.f32 v1, v0;
	_ =	sdelay $0x1  }
0x18c: {  	[tilespmem:s8+$0xFFFFFF50] =	vst v0  }
0x18d: {  	v0 =	vld [tilespmem:s7+$0xB020]  }
0x18e: {  	v1 =	vld [tilespmem:s7+$0xD020];
	_ =	sdelay $0x4  }
0x18f: {  	v0 =	vadd.f32 v1, v0;
	_ =	sdelay $0x1  }
0x190: {  	[tilespmem:s8+$0xFFFFFF20] =	vst v0  }
0x191: {  	v0 =	vld [tilespmem:s7+$0xF020]  }
0x192: {  	v1 =	vld [tilespmem:s7+$0x11020];
	_ =	sdelay $0x4  }
0x193: {  	v0 =	vadd.f32 v1, v0;
	_ =	sdelay $0x1  }
0x194: {  	[tilespmem:s8+$0xFFFFFF60] =	vst v0  }
0x195: {  	v0 =	vld [tilespmem:s7+$0xB030]  }
0x196: {  	v1 =	vld [tilespmem:s7+$0xD030];
	_ =	sdelay $0x4  }
0x197: {  	v0 =	vadd.f32 v1, v0;
	_ =	sdelay $0x1  }
0x198: {  	[tilespmem:s8+$0xFFFFFF30] =	vst v0  }
0x199: {  	v0 =	vld [tilespmem:s7+$0xF030]  }
0x19a: {  	v1 =	vld [tilespmem:s7+$0x11030];
	_ =	sdelay $0x4  }
0x19b: {  	v0 =	vadd.f32 v1, v0;
	_ =	sdelay $0x1  }
0x19c: {  	[tilespmem:s8+$0xFFFFFF70] =	vst v0  }
0x19d: {  	v0 =	vld [tilespmem:s7+$0xB040]  }
0x19e: {  	v1 =	vld [tilespmem:s7+$0xD040];
	_ =	sdelay $0x4  }
0x19f: {  	v0 =	vadd.f32 v1, v0;
	_ =	sdelay $0x1  }
0x1a0: {  	[tilespmem:s8+$0xFFFFFF80] =	vst v0  }
0x1a1: {  	v0 =	vld [tilespmem:s7+$0xF040]  }
0x1a2: {  	v1 =	vld [tilespmem:s7+$0x11040];
	_ =	sdelay $0x4  }
0x1a3: {  	v0 =	vadd.f32 v1, v0;
	_ =	sdelay $0x1  }
0x1a4: {  	[tilespmem:s8+$0xFFFFFFC0] =	vst v0  }
0x1a5: {  	v0 =	vld [tilespmem:s7+$0xB050]  }
0x1a6: {  	v1 =	vld [tilespmem:s7+$0xD050];
	_ =	sdelay $0x4  }
0x1a7: {  	v0 =	vadd.f32 v1, v0;
	_ =	sdelay $0x1  }
0x1a8: {  	[tilespmem:s8+$0xFFFFFF90] =	vst v0  }
0x1a9: {  	v0 =	vld [tilespmem:s7+$0xF050]  }
0x1aa: {  	v1 =	vld [tilespmem:s7+$0x11050];
	_ =	sdelay $0x4  }
0x1ab: {  	v0 =	vadd.f32 v1, v0;
	_ =	sdelay $0x1  }
0x1ac: {  	[tilespmem:s8+$0xFFFFFFD0] =	vst v0  }
0x1ad: {  	v0 =	vld [tilespmem:s7+$0xB060]  }
0x1ae: {  	v1 =	vld [tilespmem:s7+$0xD060];
	_ =	sdelay $0x4  }
0x1af: {  	v0 =	vadd.f32 v1, v0;
	_ =	sdelay $0x1  }
0x1b0: {  	[tilespmem:s8+$0xFFFFFFA0] =	vst v0  }
0x1b1: {  	v0 =	vld [tilespmem:s7+$0xF060]  }
0x1b2: {  	v1 =	vld [tilespmem:s7+$0x11060];
	_ =	sdelay $0x4  }
0x1b3: {  	v0 =	vadd.f32 v1, v0;
	_ =	sdelay $0x1  }
0x1b4: {  	[tilespmem:s8+$0xFFFFFFE0] =	vst v0  }
0x1b5: {  	v0 =	vld [tilespmem:s7+$0xB070]  }
0x1b6: {  	v1 =	vld [tilespmem:s7+$0xD070];
	_ =	sdelay $0x4  }
0x1b7: {  	v0 =	vadd.f32 v1, v0;
	_ =	sdelay $0x1  }
0x1b8: {  	[tilespmem:s8+$0xFFFFFFB0] =	vst v0  }
0x1b9: {  	v0 =	vld [tilespmem:s7+$0xF070]  }
0x1ba: {  	v1 =	vld [tilespmem:s7+$0x11070];
	_ =	sdelay $0x4  }
0x1bb: {  	v0 =	vadd.f32 v1, v0;
	_ =	sdelay $0x1  }
0x1bc: {  	[tilespmem:s8+$0xFFFFFFF0] =	vst v0  }
0x1bd: {  	v0 =	vld [tilespmem:s7+$0xB080]  }
0x1be: {  	v1 =	vld [tilespmem:s7+$0xD080];
	_ =	sdelay $0x4  }
0x1bf: {  	v0 =	vadd.f32 v1, v0;
	_ =	sdelay $0x1  }
0x1c0: {  	[tilespmem:s8+$0x0] =	vst v0  }
0x1c1: {  	v0 =	vld [tilespmem:s7+$0xF080]  }
0x1c2: {  	v1 =	vld [tilespmem:s7+$0x11080];
	_ =	sdelay $0x4  }
0x1c3: {  	v0 =	vadd.f32 v1, v0;
	_ =	sdelay $0x1  }
0x1c4: {  	[tilespmem:s8+$0x40] =	vst v0  }
0x1c5: {  	v0 =	vld [tilespmem:s7+$0xB090]  }
0x1c6: {  	v1 =	vld [tilespmem:s7+$0xD090];
	_ =	sdelay $0x4  }
0x1c7: {  	v0 =	vadd.f32 v1, v0;
	_ =	sdelay $0x1  }
0x1c8: {  	[tilespmem:s8+$0x10] =	vst v0  }
0x1c9: {  	v0 =	vld [tilespmem:s7+$0xF090]  }
0x1ca: {  	v1 =	vld [tilespmem:s7+$0x11090];
	_ =	sdelay $0x4  }
0x1cb: {  	v0 =	vadd.f32 v1, v0;
	_ =	sdelay $0x1  }
0x1cc: {  	[tilespmem:s8+$0x50] =	vst v0  }
0x1cd: {  	v0 =	vld [tilespmem:s7+$0xB0A0]  }
0x1ce: {  	v1 =	vld [tilespmem:s7+$0xD0A0];
	_ =	sdelay $0x4  }
0x1cf: {  	v0 =	vadd.f32 v1, v0;
	_ =	sdelay $0x1  }
0x1d0: {  	[tilespmem:s8+$0x20] =	vst v0  }
0x1d1: {  	v0 =	vld [tilespmem:s7+$0xF0A0]  }
0x1d2: {  	v1 =	vld [tilespmem:s7+$0x110A0];
	_ =	sdelay $0x4  }
0x1d3: {  	v0 =	vadd.f32 v1, v0;
	_ =	sdelay $0x1  }
0x1d4: {  	[tilespmem:s8+$0x60] =	vst v0  }
0x1d5: {  	v0 =	vld [tilespmem:s7+$0xB0B0]  }
0x1d6: {  	v1 =	vld [tilespmem:s7+$0xD0B0];
	_ =	sdelay $0x4  }
0x1d7: {  	v0 =	vadd.f32 v1, v0;
	_ =	sdelay $0x1  }
0x1d8: {  	[tilespmem:s8+$0x30] =	vst v0  }
0x1d9: {  	v0 =	vld [tilespmem:s7+$0xF0B0]  }
0x1da: {  	v1 =	vld [tilespmem:s7+$0x110B0];
	_ =	sdelay $0x4  }
0x1db: {  	v0 =	vadd.f32 v1, v0;
	_ =	sdelay $0x1  }
0x1dc: {  	[tilespmem:s8+$0x70] =	vst v0  }
0x1dd: {  	v0 =	vld [tilespmem:s7+$0xB0C0]  }
0x1de: {  	v1 =	vld [tilespmem:s7+$0xD0C0];
	_ =	sdelay $0x4  }
0x1df: {  	v0 =	vadd.f32 v1, v0;
	_ =	sdelay $0x1  }
0x1e0: {  	[tilespmem:s8+$0x80] =	vst v0  }
0x1e1: {  	v0 =	vld [tilespmem:s7+$0xF0C0]  }
0x1e2: {  	v1 =	vld [tilespmem:s7+$0x110C0];
	_ =	sdelay $0x4  }
0x1e3: {  	v0 =	vadd.f32 v1, v0;
	_ =	sdelay $0x1  }
0x1e4: {  	[tilespmem:s8+$0xC0] =	vst v0  }
0x1e5: {  	v0 =	vld [tilespmem:s7+$0xB0D0]  }
0x1e6: {  	v1 =	vld [tilespmem:s7+$0xD0D0];
	_ =	sdelay $0x4  }
0x1e7: {  	v0 =	vadd.f32 v1, v0;
	_ =	sdelay $0x1  }
0x1e8: {  	[tilespmem:s8+$0x90] =	vst v0  }
0x1e9: {  	v0 =	vld [tilespmem:s7+$0xF0D0]  }
0x1ea: {  	v1 =	vld [tilespmem:s7+$0x110D0];
	_ =	sdelay $0x4  }
0x1eb: {  	v0 =	vadd.f32 v1, v0;
	_ =	sdelay $0x1  }
0x1ec: {  	[tilespmem:s8+$0xD0] =	vst v0  }
0x1ed: {  	v0 =	vld [tilespmem:s7+$0xB0E0]  }
0x1ee: {  	s10 =	simm.s32 $0x400;
	s9 =	simm.s32 $0x17100;
	v1 =	vld [tilespmem:s7+$0xD0E0]  }
.LBB2_9:
0x1ef: {  	p0 =	sne.s32 s10, $0x7C00  }
0x1f0: {  	s8 =	sadd.s32 $0x200, s8;
	s11 =	smov.u32 s10;
	s10 =	sadd.s32 $0x400, s10  }
0x1f1: {  	_ =	sdelay $0x1  }
0x1f2: {  	v0 =	vadd.f32 v1, v0;
	_ =	sdelay $0x1  }
0x1f3: {  	[tilespmem:s9+$0xA0] =	vst v0  }
0x1f4: {  	v0 =	vld [tilespmem:s7+$0xF0E0]  }
0x1f5: {  	v1 =	vld [tilespmem:s7+$0x110E0];
	_ =	sdelay $0x4  }
0x1f6: {  	v0 =	vadd.f32 v1, v0;
	_ =	sdelay $0x1  }
0x1f7: {  	[tilespmem:s9+$0xE0] =	vst v0  }
0x1f8: {  	v0 =	vld [tilespmem:s7+$0xB0F0]  }
0x1f9: {  	v1 =	vld [tilespmem:s7+$0xD0F0];
	_ =	sdelay $0x4  }
0x1fa: {  	v0 =	vadd.f32 v1, v0;
	_ =	sdelay $0x1  }
0x1fb: {  	[tilespmem:s9+$0xB0] =	vst v0  }
0x1fc: {  	v0 =	vld [tilespmem:s7+$0xF0F0]  }
0x1fd: {  	v1 =	vld [tilespmem:s7+$0x110F0];
	_ =	sdelay $0x4  }
0x1fe: {  	v0 =	vadd.f32 v1, v0;
	_ =	sdelay $0x1  }
0x1ff: {  	s7 =	sshra.s32 s11, $0x2;
	[tilespmem:s9+$0xF0] =	vst v0;
	s9 =	smov.u32 s8  }
0x200: {  	v0 =	vld [tilespmem:s7+$0xB000]  }
0x201: {  	v1 =	vld [tilespmem:s7+$0xD000];
	_ =	sdelay $0x4  }
0x202: {  	v0 =	vadd.f32 v1, v0;
	_ =	sdelay $0x1  }
0x203: {  	[tilespmem:s8+$0xFFFFFF00] =	vst v0  }
0x204: {  	v0 =	vld [tilespmem:s7+$0xF000]  }
0x205: {  	v1 =	vld [tilespmem:s7+$0x11000];
	_ =	sdelay $0x4  }
0x206: {  	v0 =	vadd.f32 v1, v0;
	_ =	sdelay $0x1  }
0x207: {  	[tilespmem:s8+$0xFFFFFF40] =	vst v0  }
0x208: {  	v0 =	vld [tilespmem:s7+$0xB010]  }
0x209: {  	v1 =	vld [tilespmem:s7+$0xD010];
	_ =	sdelay $0x4  }
0x20a: {  	v0 =	vadd.f32 v1, v0;
	_ =	sdelay $0x1  }
0x20b: {  	[tilespmem:s8+$0xFFFFFF10] =	vst v0  }
0x20c: {  	v0 =	vld [tilespmem:s7+$0xF010]  }
0x20d: {  	v1 =	vld [tilespmem:s7+$0x11010];
	_ =	sdelay $0x4  }
0x20e: {  	v0 =	vadd.f32 v1, v0;
	_ =	sdelay $0x1  }
0x20f: {  	[tilespmem:s8+$0xFFFFFF50] =	vst v0  }
0x210: {  	v0 =	vld [tilespmem:s7+$0xB020]  }
0x211: {  	v1 =	vld [tilespmem:s7+$0xD020];
	_ =	sdelay $0x4  }
0x212: {  	v0 =	vadd.f32 v1, v0;
	_ =	sdelay $0x1  }
0x213: {  	[tilespmem:s8+$0xFFFFFF20] =	vst v0  }
0x214: {  	v0 =	vld [tilespmem:s7+$0xF020]  }
0x215: {  	v1 =	vld [tilespmem:s7+$0x11020];
	_ =	sdelay $0x4  }
0x216: {  	v0 =	vadd.f32 v1, v0;
	_ =	sdelay $0x1  }
0x217: {  	[tilespmem:s8+$0xFFFFFF60] =	vst v0  }
0x218: {  	v0 =	vld [tilespmem:s7+$0xB030]  }
0x219: {  	v1 =	vld [tilespmem:s7+$0xD030];
	_ =	sdelay $0x4  }
0x21a: {  	v0 =	vadd.f32 v1, v0;
	_ =	sdelay $0x1  }
0x21b: {  	[tilespmem:s8+$0xFFFFFF30] =	vst v0  }
0x21c: {  	v0 =	vld [tilespmem:s7+$0xF030]  }
0x21d: {  	v1 =	vld [tilespmem:s7+$0x11030];
	_ =	sdelay $0x4  }
0x21e: {  	v0 =	vadd.f32 v1, v0;
	_ =	sdelay $0x1  }
0x21f: {  	[tilespmem:s8+$0xFFFFFF70] =	vst v0  }
0x220: {  	v0 =	vld [tilespmem:s7+$0xB040]  }
0x221: {  	v1 =	vld [tilespmem:s7+$0xD040];
	_ =	sdelay $0x4  }
0x222: {  	v0 =	vadd.f32 v1, v0;
	_ =	sdelay $0x1  }
0x223: {  	[tilespmem:s8+$0xFFFFFF80] =	vst v0  }
0x224: {  	v0 =	vld [tilespmem:s7+$0xF040]  }
0x225: {  	v1 =	vld [tilespmem:s7+$0x11040];
	_ =	sdelay $0x4  }
0x226: {  	v0 =	vadd.f32 v1, v0;
	_ =	sdelay $0x1  }
0x227: {  	[tilespmem:s8+$0xFFFFFFC0] =	vst v0  }
0x228: {  	v0 =	vld [tilespmem:s7+$0xB050]  }
0x229: {  	v1 =	vld [tilespmem:s7+$0xD050];
	_ =	sdelay $0x4  }
0x22a: {  	v0 =	vadd.f32 v1, v0;
	_ =	sdelay $0x1  }
0x22b: {  	[tilespmem:s8+$0xFFFFFF90] =	vst v0  }
0x22c: {  	v0 =	vld [tilespmem:s7+$0xF050]  }
0x22d: {  	v1 =	vld [tilespmem:s7+$0x11050];
	_ =	sdelay $0x4  }
0x22e: {  	v0 =	vadd.f32 v1, v0;
	_ =	sdelay $0x1  }
0x22f: {  	[tilespmem:s8+$0xFFFFFFD0] =	vst v0  }
0x230: {  	v0 =	vld [tilespmem:s7+$0xB060]  }
0x231: {  	v1 =	vld [tilespmem:s7+$0xD060];
	_ =	sdelay $0x4  }
0x232: {  	v0 =	vadd.f32 v1, v0;
	_ =	sdelay $0x1  }
0x233: {  	[tilespmem:s8+$0xFFFFFFA0] =	vst v0  }
0x234: {  	v0 =	vld [tilespmem:s7+$0xF060]  }
0x235: {  	v1 =	vld [tilespmem:s7+$0x11060];
	_ =	sdelay $0x4  }
0x236: {  	v0 =	vadd.f32 v1, v0;
	_ =	sdelay $0x1  }
0x237: {  	[tilespmem:s8+$0xFFFFFFE0] =	vst v0  }
0x238: {  	v0 =	vld [tilespmem:s7+$0xB070]  }
0x239: {  	v1 =	vld [tilespmem:s7+$0xD070];
	_ =	sdelay $0x4  }
0x23a: {  	v0 =	vadd.f32 v1, v0;
	_ =	sdelay $0x1  }
0x23b: {  	[tilespmem:s8+$0xFFFFFFB0] =	vst v0  }
0x23c: {  	v0 =	vld [tilespmem:s7+$0xF070]  }
0x23d: {  	v1 =	vld [tilespmem:s7+$0x11070];
	_ =	sdelay $0x4  }
0x23e: {  	v0 =	vadd.f32 v1, v0;
	_ =	sdelay $0x1  }
0x23f: {  	[tilespmem:s8+$0xFFFFFFF0] =	vst v0  }
0x240: {  	v0 =	vld [tilespmem:s7+$0xB080]  }
0x241: {  	v1 =	vld [tilespmem:s7+$0xD080];
	_ =	sdelay $0x4  }
0x242: {  	v0 =	vadd.f32 v1, v0;
	_ =	sdelay $0x1  }
0x243: {  	[tilespmem:s8+$0x0] =	vst v0  }
0x244: {  	v0 =	vld [tilespmem:s7+$0xF080]  }
0x245: {  	v1 =	vld [tilespmem:s7+$0x11080];
	_ =	sdelay $0x4  }
0x246: {  	v0 =	vadd.f32 v1, v0;
	_ =	sdelay $0x1  }
0x247: {  	[tilespmem:s8+$0x40] =	vst v0  }
0x248: {  	v0 =	vld [tilespmem:s7+$0xB090]  }
0x249: {  	v1 =	vld [tilespmem:s7+$0xD090];
	_ =	sdelay $0x4  }
0x24a: {  	v0 =	vadd.f32 v1, v0;
	_ =	sdelay $0x1  }
0x24b: {  	[tilespmem:s8+$0x10] =	vst v0  }
0x24c: {  	v0 =	vld [tilespmem:s7+$0xF090]  }
0x24d: {  	v1 =	vld [tilespmem:s7+$0x11090];
	_ =	sdelay $0x4  }
0x24e: {  	v0 =	vadd.f32 v1, v0;
	_ =	sdelay $0x1  }
0x24f: {  	[tilespmem:s8+$0x50] =	vst v0  }
0x250: {  	v0 =	vld [tilespmem:s7+$0xB0A0]  }
0x251: {  	v1 =	vld [tilespmem:s7+$0xD0A0];
	_ =	sdelay $0x4  }
0x252: {  	v0 =	vadd.f32 v1, v0;
	_ =	sdelay $0x1  }
0x253: {  	[tilespmem:s8+$0x20] =	vst v0  }
0x254: {  	v0 =	vld [tilespmem:s7+$0xF0A0]  }
0x255: {  	v1 =	vld [tilespmem:s7+$0x110A0];
	_ =	sdelay $0x4  }
0x256: {  	v0 =	vadd.f32 v1, v0;
	_ =	sdelay $0x1  }
0x257: {  	[tilespmem:s8+$0x60] =	vst v0  }
0x258: {  	v0 =	vld [tilespmem:s7+$0xB0B0]  }
0x259: {  	v1 =	vld [tilespmem:s7+$0xD0B0];
	_ =	sdelay $0x4  }
0x25a: {  	v0 =	vadd.f32 v1, v0;
	_ =	sdelay $0x1  }
0x25b: {  	[tilespmem:s8+$0x30] =	vst v0  }
0x25c: {  	v0 =	vld [tilespmem:s7+$0xF0B0]  }
0x25d: {  	v1 =	vld [tilespmem:s7+$0x110B0];
	_ =	sdelay $0x4  }
0x25e: {  	v0 =	vadd.f32 v1, v0;
	_ =	sdelay $0x1  }
0x25f: {  	[tilespmem:s8+$0x70] =	vst v0  }
0x260: {  	v0 =	vld [tilespmem:s7+$0xB0C0]  }
0x261: {  	v1 =	vld [tilespmem:s7+$0xD0C0];
	_ =	sdelay $0x4  }
0x262: {  	v0 =	vadd.f32 v1, v0;
	_ =	sdelay $0x1  }
0x263: {  	[tilespmem:s8+$0x80] =	vst v0  }
0x264: {  	v0 =	vld [tilespmem:s7+$0xF0C0]  }
0x265: {  	v1 =	vld [tilespmem:s7+$0x110C0];
	_ =	sdelay $0x4  }
0x266: {  	v0 =	vadd.f32 v1, v0;
	_ =	sdelay $0x1  }
0x267: {  	[tilespmem:s8+$0xC0] =	vst v0  }
0x268: {  	v0 =	vld [tilespmem:s7+$0xB0D0]  }
0x269: {  	v1 =	vld [tilespmem:s7+$0xD0D0];
	_ =	sdelay $0x4  }
0x26a: {  	v0 =	vadd.f32 v1, v0;
	_ =	sdelay $0x1  }
0x26b: {  	[tilespmem:s8+$0x90] =	vst v0  }
0x26c: {  	v0 =	vld [tilespmem:s7+$0xF0D0]  }
0x26d: {  	v1 =	vld [tilespmem:s7+$0x110D0];
	_ =	sdelay $0x4  }
.Ltmp5:
0x26e: {  	v0 =	vadd.f32 v1, v0;
	(pc) =	sbr.rel @p0 .LBB2_9-.Ltmp5, $4  }
0x26f: {  	_ = 	snop  }
0x270: {  	[tilespmem:s8+$0xD0] =	vst v0  }
0x271: {  	v0 =	vld [tilespmem:s7+$0xB0E0]  }
0x272: {  	v1 =	vld [tilespmem:s7+$0xD0E0]  }
0x273: {  	_ =	sdelay $0x3  }
0x274: {  	v0 =	vadd.f32 v1, v0;
	_ =	sdelay $0x1  }
0x275: {  	[tilespmem:s9+$0xA0] =	vst v0  }
0x276: {  	v0 =	vld [tilespmem:s7+$0xF0E0]  }
0x277: {  	v61 =	vld [tilespmem:s7+$0x110E0];
	_ =	sdelay $0x4  }
0x278: {  	v0 =	vadd.f32 v61, v0;
	_ =	sdelay $0x1  }
0x279: {  	[tilespmem:s9+$0xE0] =	vst v0  }
0x27a: {  	v0 =	vld [tilespmem:s7+$0xB0F0]  }
0x27b: {  	v62 =	vld [tilespmem:s7+$0xD0F0];
	_ =	sdelay $0x4  }
0x27c: {  	v0 =	vadd.f32 v62, v0;
	_ =	sdelay $0x1  }
0x27d: {  	[tilespmem:s9+$0xB0] =	vst v0  }
0x27e: {  	v0 =	vld [tilespmem:s7+$0xF0F0]  }
0x27f: {  	v63 =	vld [tilespmem:s7+$0x110F0];
	_ =	sdelay $0x2  }
0x280: {  	s7 =	sshll.u32 s18, $0x8  }
0x281: {  	s8 =	sadd.s32 s7, s5  }
0x282: {  	s8 =	sshll.u32 s8, $0x4;
	v0 =	vadd.f32 v63, v0  }
0x283: {  	p0 =	seq.s32 s18, $0x7;
	s8 =	sadd.s32 s6, s8  }
.Ltmp6:
0x284: {  	s8 =	sadd.s32 $0x800, s8;
	[tilespmem:s9+$0xF0] =	vst v0;
	(pc) =	sbr.rel @p0 .LBB2_12-.Ltmp6, $4  }
0x285: {  	[hbm4b:s8+s1] =	stream.linear.scatter [tilespmem:s31], [sflag:$0x4], $0x4000, $0x38;
	[tilespmem:$0x1B000] =	vst v63  }
0x286: {  	_ =	swait.ge [sflag:s3], $0x4000  }
0x287: {  	[sflag:s3] =	ssyncset.done $0x0  }
0x288: {  	[sflag:s3] =	ssyncadd.s32 $0xFFFFC000  }
0x289: {  	s8 =	sadd.s32 $0x1100, s7  }
0x28a: {  	[tilespmem:s21], [sflag:$0x1] =	stream.indirect.gather [hbm4b:s2+s19], $0x40, s8, s19, $0xb8;
	[tilespmem:$0x1B000] =	vst v63  }
0x28b: {  	s11 =	sadd.s32 $0x2100, s7  }
0x28c: {  	[tilespmem:s22], [sflag:$0x1] =	stream.indirect.gather [hbm4b:s4+s19], $0x40, s11, s19, $0xb8;
	[tilespmem:$0x1B000] =	vst v63  }
0x28d: {  	s9 =	sadd.s32 $0x1900, s7  }
0x28e: {  	[tilespmem:s24], [sflag:$0x1] =	stream.indirect.gather [hbm4b:s2+s19], $0x40, s9, s19, $0xb8;
	[tilespmem:$0x1B000] =	vst v63  }
0x28f: {  	s10 =	sadd.s32 $0x2900, s7  }
0x290: {  	[tilespmem:s25], [sflag:$0x1] =	stream.indirect.gather [hbm4b:s4+s19], $0x40, s10, s19, $0xb8;
	[tilespmem:$0x1B000] =	vst v63  }
0x291: {  	_ =	swait.ge [sflag:s16], $0x4000  }
0x292: {  	[sflag:s16] =	ssyncset.done $0x0  }
0x293: {  	s11 =	sadd.s32 $0x1180, s7;
	[sflag:s16] =	ssyncadd.s32 $0xFFFFC000  }
0x294: {  	[tilespmem:s28], [sflag:$0x2] =	stream.indirect.gather [hbm4b:s2+s19], $0x40, s11, s19, $0xb8;
	[tilespmem:$0x1B000] =	vst v63  }
0x295: {  	s9 =	sadd.s32 $0x2180, s7  }
0x296: {  	[tilespmem:s30], [sflag:$0x2] =	stream.indirect.gather [hbm4b:s4+s19], $0x40, s9, s19, $0xb8;
	[tilespmem:$0x1B000] =	vst v63  }
.Ltmp7:
0x297: {  	_ = 	snop;
	(pc) =	sbr.rel .LBB2_6-.Ltmp7, $4  }
0x298: {  	s10 =	sadd.s32 $0x1980, s7  }
0x299: {  	[tilespmem:s0], [sflag:$0x2] =	stream.indirect.gather [hbm4b:s2+s19], $0x40, s10, s19, $0xb8;
	[tilespmem:$0x1B000] =	vst v63  }
0x29a: {  	s18 =	sadd.s32 $0x1, s18;
	s11 =	sadd.s32 $0x2980, s7  }
0x29b: {  	[tilespmem:s20], [sflag:$0x2] =	stream.indirect.gather [hbm4b:s4+s19], $0x40, s11, s19, $0xb8;
	[tilespmem:$0x1B000] =	vst v63  }
.LBB2_13:
0x29c: {  	_ =	sfence.sel $0x180000  }
0x29d: {  	[bflag:$0x0] =	sbarrier.arrive $0xFFFF  }
0x29e: {  	_ =	strace $0x90000047  }
0x29f: {  	s0 =	stileid.u32;
	[bflag:$0x2] =	sbarrier.arrive $0xFFFF  }
0x2a0: {  	p0 =	sne.s32 s0, $0x0;
	s0 =	rddreg [dreg:$0x1]  }
0x2a1: {  	s0 =	sadd.s32 @!p0 $0x100000, s0  }
0x2a2: {  	[sflag:s0] =	ssyncadd.tile.s32 @!p0 $0x1;
	_ =	shalt  }
.Lfunc_end2:
_tile_overlayer_lowered:
.L_overlay_start_2:
0x2a3: {  	(tag) =	ssettag $0x2  }
0x2a4: {  	s0 =	rddreg [dreg:$0x0];
	s2 =	stileid.u32  }
0x2a5: {  	s1 =	rddreg [dreg:$0x1];
	p0 =	sne.s32 s2, $0x0  }
0x2a6: {  	s3 =	rddreg [dreg:$0x2];
	[bflag:$0x3] =	sbarrier.arrive $0xFFFF;
	s2 =	simm.s32 @!p0 $0x1C05  }
0x2a7: {  	[timem:s3], [sflag:s2] =	dma.local @!p0 [hbm:s0], s1  }
0x2a8: {  	s0 =	simm.s32 @!p0 $0x5  }
0x2a9: {  	_ =	swait.ge @!p0 [sflag:s0], s1  }
0x2aa: {  	s1 =	ssub.s32 @!p0 $0x0, s1;
	[sflag:s0] =	ssyncset.done @!p0 $0x0  }
0x2ab: {  	[sflag:s0] =	ssyncadd.s32 @!p0 s1  }
0x2ac: {  	[bflag:$0x3] =	sbarrier.arrive $0xFFFF  }
0x2ad: {  	_ =	shalt  }

// kernel: sparse-core-data-format-call.cloned.1.call-start
scs
called_computation_lowered:
.L_overlay_start_0:
0x0: {  	s2 =	sld [smem:$0x3FD9]  }
0x1: {  	s3 =	sld [smem:$0x3FFE];
	_ =	sdelay $0x1  }
0x2: {  	s1 =	srdreg.scid  }
0x3: {  	s0 =	sand.u32 $0x1, s1  }
0x4: {  	s18 =	sshll.u32 s0, $0xA;
	s2 =	sadd.s32 s3, s2  }
0x5: {  	s2 =	sadd.s32 s2, s18  }
0x6: {  	[smem:$0x3FBF] =	sst s2  }
0x7: {  	_ = 	snop  }
0x8: {  	s2 =	sld [smem:$0x3FD0];
	(tm) =	ssettm $0x1  }
0x9: {  	s19 =	sld [smem:$0x3FFB];
	_ =	sdelay $0x3  }
0xa: {  	_ =	strace s19  }
0xb: {  	s3 =	sld [smem:$0x3FFC];
	_ =	sdelay $0x3  }
0xc: {  	_ =	strace s3  }
0xd: {  	s3 =	sld [smem:$0x3FFD];
	_ =	sdelay $0x3  }
0xe: {  	_ =	strace s3  }
0xf: {  	_ =	strace $0x8FFFFFFF  }
0x10: {  	s20 =	sld [smem:$0x3FDB];
	_ =	sdelay $0x1  }
0x11: {  	s4 =	simm.s32 $_scs_section_size  }
0x12: {  	s5 =	simm.s32 $_size__tile_overlayer_lowered;
	s6 =	simm.s32 $_tile_overlayer_lowered  }
0x13: {  	s23 =	simm.s32 $0x1BFF;
	s22 =	sshll.u32 s6, $0x1;
	s3 =	sadd.s32 s4, s20  }
0x14: {  	s7 =	simm.s32 $0x0;
	s21 =	sshll.u32 s5, $0x1;
	s5 =	sadd.s32 s22, s3  }
0x15: {  	[timem:s7], [sflag:s23] =	dma.local [hbm:s5], s21  }
0x16: {  	_ =	swait.ge [sflag:s23], s21  }
0x17: {  	s4 =	ssub.s32 $0x0, s21;
	[sflag:s23] =	ssyncset.done $0x0  }
0x18: {  	[sflag:s23] =	ssyncadd.s32 s4;
	_ =	sdelay $0x1  }
0x19: {  	s24 =	simm.s32 $0x1B8B  }
0x1a: {  	_ =	swait.ge [sflag:s24], $0x1  }
0x1b: {  	[sflag:s24] =	ssyncset.done $0x0  }
0x1c: {  	s26 =	simm.s32 $0x1B8E;
	s25 =	sld [smem:$0x3FFE];
	[sflag:s24] =	ssyncadd.s32 $0xFFFFFFFF  }
0x1d: {  	s27 =	simm.s32 $execute0_lowered;
	[smem:$0x3FD2] =	sst s26  }
0x1e: {  	s5 =	sshll.u32 s27, $0x1;
	_ =	strace $0x80000049;
	[dreg:$0x1] =	wrdreg $0xFFFFFFFF  }
0x1f: {  	s28 =	simm.s32 $_size_execute0_lowered;
	s3 =	sadd.s32 s3, s5;
	[dreg:$0x0] =	wrdreg $0x0  }
0x20: {  	s5 =	sshll.u32 s28, $0x1;
	[dreg:$0x2] =	wrdreg s3  }
0x21: {  	[dreg:$0x3] =	wrdreg s5  }
0x22: {  	[dreg:$0x4] =	wrdreg $0xC0  }
0x23: {  	_ =	task [dreg:s7], $0x5FFFF  }
0x24: {  	[dreg:$0x1] =	wrdreg $0xFFFFFFFF  }
0x25: {  	[dreg:$0x0] =	wrdreg $0x60  }
0x26: {  	[dreg:$0x2] =	wrdreg s25  }
0x27: {  	[dreg:$0x3] =	wrdreg s2  }
0x28: {  	[dreg:$0x4] =	wrdreg $0x9  }
0x29: {  	_ =	task.clear_ibuf [dreg:s7], $0x5FFFF;
	_ =	strace $0x90000049  }
0x2a: {  	s29 =	simm.s32 $0x9;
	_ =	strace $0x8000004B  }
0x2b: {  	_ =	swait.ge [sflag:s29], $0x1  }
0x2c: {  	[sflag:s29] =	ssyncadd.s32 $0xFFFFFFFF  }
0x2d: {  	_ =	strace $0x9000004B  }
0x2e: {  	_ =	sfence  }
0x2f: {  	s30 =	sld [smem:$0x0];
	_ =	sdelay $0x2  }
0x30: {  	s31 =	sshll.u32 s1, $0xD;
	s1 =	sshrl.u32 s1, $0x2  }
0x31: {  	s3 =	sand.u32 $0x4000, s31;
	s1 =	sadd.s32 s1, s30  }
0x32: {  	s0 =	sor.u32 s3, s0;
	s1 =	sshll.u32 s1, $0x11  }
0x33: {  	s0 =	sor.u32 s1, s0  }
0x34: {  	s0 =	sadd.s32 $0x8F2B, s0  }
0x35: {  	[sflag:s0] =	ssyncadd.remote.s32 $0x1  }
0x36: {  	_ =	sfence.sel $0xFFFF  }
0x37: {  	[dreg:$0x0] =	wrdreg $0xFFFFFFFF;
	(pc) =	sbr.abs _section_cstart, $3  }
0x38: {  	[dreg:$0x1] =	wrdreg $0xFFFFFFFF  }
0x39: {  	_ =	task.clear_ibuf [dreg:s7], $0x2FFFF;
	_ =	strace $0x9FFFFFFF  }
0x3a: {  	(tm) =	ssettm $0x7FFFFFFF  }
0x3b: {  	_ =	shalt  }
tec
execute0_lowered:
.L_overlay_start_1:
0x0: {  	(tag) =	ssettag $0x1  }
0x1: {  	s0 =	srdreg.scid  }
0x2: {  	s7 =	rddreg [dreg:$0x0];
	s1 =	sshll.u32 s0, $0x4  }
0x3: {  	s3 =	rddreg [dreg:$0x1];
	s0 =	stileid.u32;
	s1 =	sand.u32 $0x10, s1  }
0x4: {  	s6 =	simm.s32 $0x1;
	s31 =	simm.s32 $0x2;
	s1 =	sor.u32 s0, s1  }
0x5: {  	s13 =	simm.s32 $0x0;
	s9 =	simm.s32 $0x2000;
	s2 =	sshll.u32 s1, $0x1  }
0x6: {  	s14 =	simm.s32 $0x0;
	s10 =	simm.s32 $0x0;
	s4 =	ssub.s32 $0x80, s2  }
0x7: {  	s12 =	simm.s32 $0x0;
	s1 =	rddreg [dreg:$0x2];
	s5 =	sand.u32 $0x3E, s4  }
.Ltmp0:
0x8: {  	_ =	strace $0x8000004A;
	p0 =	sne.s32 s5, $0x0;
	(pc) =	sbr.rel .LBB1_1-.Ltmp0, $4  }
0x9: {  	s11 =	smov.u32 s2;
	s8 =	sshrl.u32 s4, $0x6;
	s6 =	simm.s32 @!p0 $0x0  }
0xa: {  	s4 =	sadd.s32 $0x112A00, s7;
	s5 =	simm.s32 $0x1;
	s6 =	sadd.s32 s6, s8  }
0xb: {  	s7 =	sadd.s32 $0x116A00, s7;
	[sflag:s5] =	ssyncpa.u1 $0x0;
	s6 =	sshll.u32 s6, $0x3  }
0xc: {  	p0 =	por $0x0, $0x0;
	[sflag:s31] =	ssyncpa.u1 $0x0;
	s8 =	sor.u32 $0x1, s6  }
.LBB1_7:
0xd: {  	s15 =	sadd.s32 $0x80, s10  }
0xe: {  	s13 =	sadd.s32 $0x40, s11;
	s17 =	smov.u32 s11;
	p2 =	sgt.s32 s15, $0x3FF  }
0xf: {  	s17 =	smov.u32 @p2 s13  }
0x10: {  	s15 =	simm.s32 @p2 $0x0;
	p2 =	sgt.s32 s17, $0x7F  }
0x11: {  	s17 =	smov.u32 @p2 s2;
	p2 =	sne.s32 s12, s8  }
.Ltmp1:
0x12: {  	p1 =	slt.u32 s12, $0x2;
	(pc) =	sbr.rel @!p2 .LBB1_8-.Ltmp1, $4  }
0x13: {  	s16 =	simm.s32 @!p1 $0x2  }
0x14: {  	s14 =	smov.u32 s11;
	p0 =	por !p0, !p0;
	_ =	swait.ge @!p1 [sflag:s16], $0x4000  }
0x15: {  	s13 =	smov.u32 s10;
	[sflag:s16] =	ssyncset.done @!p1 $0x0;
	s10 =	smov.u32 s15  }
0x16: {  	s12 =	sadd.s32 $0x1, s12;
	[sflag:s16] =	ssyncadd.s32 @!p1 $0xFFFFC000;
	s11 =	smov.u32 s17  }
.LBB1_1:
0x17: {  	p1 =	sge.u32 s12, s6  }
0x18: {  	s15 =	sxor.u32 @!p1 $0xFFFFFFFF, s12;
	s16 =	sshll.u32 @!p1 s11, $0xE  }
0x19: {  	s17 =	sshll.u32 @!p1 s10, $0x4;
	s19 =	simm.s32 @!p1 $0x40;
	s20 =	simm.s32 @!p1 $0x80  }
0x1a: {  	s15 =	sshll.u32 @!p1 s15, $0xE;
	s17 =	sand.u32 @!p1 $0x3FF0, s17;
	s18 =	sadd.s32 @!p1 s4, s16  }
0x1b: {  	s16 =	sadd.s32 @!p1 s16, s7;
	s15 =	sand.u32 @!p1 $0x4000, s15;
	s18 =	sadd.s32 @!p1 s17, s18  }
0x1c: {  	[tilespmem:s15], [sflag:$0x1] =	stream.strided.gather @!p1 [hbm4b:s18+s19], $0x2000, s20, s19, $0x38;
	[tilespmem:$0x10100] =	vst v63  }
0x1d: {  	s31 =	sadd.s32 $0xFFFFFFFF, s12;
	s16 =	sadd.s32 @!p1 s17, s16;
	s15 =	sor.u32 @!p1 $0x2000, s15  }
0x1e: {  	[tilespmem:s15], [sflag:$0x1] =	stream.strided.gather @!p1 [hbm4b:s16+s19], $0x2000, s20, s19, $0x38;
	[tilespmem:$0x10100] =	vst v63  }
0x1f: {  	p1 =	sge.u32 s31, s6  }
.Ltmp2:
0x20: {  	_ = 	snop;
	(pc) =	sbr.rel @p1 .LBB1_7-.Ltmp2, $1  }
0x21: {  	_ =	sdelay $0x3  }
0x22: {  	s15 =	simm.s32 $0x1;
	s17 =	sand.u32 $0x1, s12  }
0x23: {  	_ =	swait.ge [sflag:s5], $0x4000;
	s15 =	simm.s32 @!p0 $0x0;
	s17 =	smul.u32 $0x10200, s17  }
0x24: {  	p2 =	por $0x1, $0x1;
	[sflag:s5] =	ssyncset.done $0x0;
	s16 =	smul.u32 $0x10200, s15  }
0x25: {  	s18 =	sshll.u32 s15, $0x10;
	[sflag:s5] =	ssyncadd.s32 $0xFFFFC000;
	s30 =	sshrl.u32 s17, $0x2  }
0x26: {  	s31 =	sshrl.u32 s18, $0x2;
	s18 =	simm.s32 $0x0;
	s16 =	sshrl.u32 s16, $0x2  }
0x27: {  	s15 =	sor.u32 $0x8000, s30;
	s17 =	sadd.s32 $0x20, s31;
	s16 =	sor.u32 $0x8000, s16  }
.LBB1_3:
0x28: {  	s19 =	sshll.u32 s18, $0xD  }
0x29: {  	s19 =	sand.u32 $0x3FFFE000, s19  }
0x2a: {  	s21 =	sadd.s32 s19, s17  }
0x2b: {  	s31 =	smul.u32 $0x8100, s18;
	v3 =	vld [tilespmem:s21+$0x10]  }
0x2c: {  	v1 =	vld [tilespmem:s21+$0xFFFFFFF0]  }
0x2d: {  	s18 =	sshra.s32 s31, $0x2;
	v0 =	vld [tilespmem:s21+$0x0]  }
0x2e: {  	s18 =	sadd.s32 s18, s16;
	v2 =	vld [tilespmem:s21+$0xFFFFFFE0]  }
0x2f: {  	s19 =	sadd.s32 $0x0, s18  }
0x30: {  	p1 =	por p2, p2;
	s20 =	simm.s32 $0x4;
	s21 =	sadd.s32 $0x40, s21;
	[tilespmem:s19+$0x1830 ss:$0x81] =	vst.msk $0xffff, v3  }
.LBB1_4:
0x31: {  	v3 =	vld [tilespmem:s21+$0x10];
	p2 =	sne.s32 s20, $0x1FC;
	[tilespmem:s19+$0x810 ss:$0x81] =	vst.msk $0xffff, v1;
	s22 =	smov.u32 s20;
	s20 =	sadd.s32 $0x4, s20  }
.Ltmp3:
0x32: {  	v1 =	vld [tilespmem:s21+$0xFFFFFFF0];
	[tilespmem:s19+$0x1020 ss:$0x81] =	vst.msk $0xffff, v0;
	(pc) =	sbr.rel @p2 .LBB1_4-.Ltmp3, $4  }
0x33: {  	v0 =	vld [tilespmem:s21+$0x0];
	[tilespmem:s19+$0x0 ss:$0x81] =	vst.msk $0xffff, v2  }
0x34: {  	s19 =	sshra.s32 s22, $0x2;
	v2 =	vld [tilespmem:s21+$0xFFFFFFE0]  }
0x35: {  	s19 =	sadd.s32 s19, s18  }
0x36: {  	s21 =	sadd.s32 $0x40, s21;
	[tilespmem:s19+$0x1830 ss:$0x81] =	vst.msk $0xffff, v3  }
.Ltmp4:
0x37: {  	(pc) =	sbr.rel @p1 .LBB1_3-.Ltmp4, $4  }
0x38: {  	_ = 	snop  }
0x39: {  	[tilespmem:s19+$0x810 ss:$0x81] =	vst.msk $0xffff, v1  }
0x3a: {  	[tilespmem:s19+$0x1020 ss:$0x81] =	vst.msk $0xffff, v0  }
0x3b: {  	s18 =	simm.s32 $0x1;
	p2 =	por $0x0, $0x0;
	[tilespmem:s19+$0x0 ss:$0x81] =	vst.msk $0xffff, v2  }
.Ltmp5:
0x3c: {  	s16 =	sand.u32 $0x1F80, s13;
	s14 =	sshll.u32 s14, $0xD;
	(pc) =	sbr.rel .LBB1_7-.Ltmp5, $4  }
0x3d: {  	s17 =	sshrl.u32 s13, $0x3;
	s31 =	sand.u32 $0x7, s13;
	s14 =	sadd.s32 s3, s14  }
0x3e: {  	s17 =	sand.u32 $0xF, s17;
	s13 =	sshll.u32 s31, $0x12;
	s14 =	sadd.s32 s16, s14  }
0x3f: {  	s13 =	sor.u32 $0x400, s13;
	s14 =	sadd.s32 s17, s14  }
0x40: {  	[hbm4b:s14+s13] =	stream.strided.scatter [tilespmem:s15], [sflag:$0x2], $0x4000, s9, s13, $0x20;
	[tilespmem:$0x10100] =	vst v63  }
.LBB1_8:
0x41: {  	_ =	sfence.sel $0x180000  }
0x42: {  	s2 =	simm.s32 $0x1;
	[bflag:$0x0] =	sbarrier.arrive $0xFFFF  }
0x43: {  	s31 =	simm.s32 $0x2;
	[sflag:s2] =	ssyncpa.u1 $0x1  }
0x44: {  	[sflag:s31] =	ssyncpa.u1 $0x1  }
0x45: {  	p0 =	sne.s32 s0, $0x0;
	_ =	strace $0x9000004A  }
0x46: {  	s0 =	sadd.s32 @!p0 $0x100000, s1;
	[bflag:$0x2] =	sbarrier.arrive $0xFFFF  }
0x47: {  	[sflag:s0] =	ssyncadd.tile.s32 @!p0 $0x1;
	_ =	shalt  }
.Lfunc_end1:
_tile_overlayer_lowered:
.L_overlay_start_2:
0x48: {  	(tag) =	ssettag $0x2  }
0x49: {  	s0 =	rddreg [dreg:$0x0];
	s2 =	stileid.u32  }
0x4a: {  	s1 =	rddreg [dreg:$0x1];
	p0 =	sne.s32 s2, $0x0  }
0x4b: {  	s3 =	rddreg [dreg:$0x2];
	[bflag:$0x3] =	sbarrier.arrive $0xFFFF;
	s2 =	simm.s32 @!p0 $0x1C01  }
0x4c: {  	[timem:s3], [sflag:s2] =	dma.local @!p0 [hbm:s0], s1  }
0x4d: {  	s0 =	simm.s32 @!p0 $0x1  }
0x4e: {  	_ =	swait.ge @!p0 [sflag:s0], s1  }
0x4f: {  	s1 =	ssub.s32 @!p0 $0x0, s1;
	[sflag:s0] =	ssyncset.done @!p0 $0x0  }
0x50: {  	[sflag:s0] =	ssyncadd.s32 @!p0 s1  }
0x51: {  	[bflag:$0x3] =	sbarrier.arrive $0xFFFF  }
0x52: {  	_ =	shalt  }

</sc_bundles>
